<compile_context>
chip_gen: v7x
topology: tpu7x:2x2x1
jax: 0.10.2.dev20260603
libtpu: 0.0.44.dev20260713+nightly
codegen_flags: <defaults>
</compile_context>

<pallas_src>
import functools

import jax
import jax.numpy as jnp
from jax import lax
from jax.experimental import pallas as pl
from jax.experimental.pallas import tpu as pltpu
from jax.experimental.pallas import tpu_sc as plsc

N_NODES = 10000
N_EDGES = 320000
D_FEAT = 128
HIDDEN = 64
NUM_CLASSES = 64

NC = 2
NS = 16
NW = NC * NS
PER_W = N_EDGES // NW
CHUNK = 80
NCHUNK = PER_W // CHUNK
RING = 5
NGROUP = NCHUNK // RING
N_PAD = 10240
ROWS_PER_TILE = N_PAD // NS


def _mesh():
    return plsc.VectorSubcoreMesh(core_axis_name="c", subcore_axis_name="s",
                                  num_cores=NC, num_subcores=NS)


@functools.cache
def _sc_agg():

    def body(p_hbm, src_hbm, dst_hbm, z64_hbm, out_hbm,
             svm, dvm, r0b, r1b, r2b, r3b, r4b, acc, table,
             g0, g1, g2, g3, g4, s0, s1, s2, s3, s4):
        rows = [r0b, r1b, r2b, r3b, r4b]
        gsem = [g0, g1, g2, g3, g4]
        ssem = [s0, s1, s2, s3, s4]
        c = lax.axis_index("c")
        s = lax.axis_index("s")
        wid = c * NS + s
        pltpu.sync_copy(src_hbm.at[wid], svm)
        pltpu.sync_copy(dst_hbm.at[wid], dvm)
        r0 = s * ROWS_PER_TILE
        pltpu.sync_copy(p_hbm.at[pl.ds(r0, ROWS_PER_TILE)],
                        table.at[pl.ds(r0, ROWS_PER_TILE)])
        pltpu.sync_copy(z64_hbm.at[pl.ds(r0, ROWS_PER_TILE)],
                        acc.at[pl.ds(r0, ROWS_PER_TILE)])
        plsc.subcore_barrier()

        def step(g, carry):
            j0 = g * RING
            hs = [pltpu.async_copy(table.at[svm.at[j0 + b]], rows[b], gsem[b])
                  for b in range(RING)]
            ss = []
            for b in range(RING):
                hs[b].wait()
                ss.append(pltpu.async_copy(rows[b], acc.at[dvm.at[j0 + b]],
                                           ssem[b], add=True))
            for b in range(RING):
                ss[b].wait()
            return carry

        lax.fori_loop(0, NGROUP, step, 0)
        plsc.subcore_barrier()
        pltpu.sync_copy(acc.at[pl.ds(r0, ROWS_PER_TILE)],
                        out_hbm.at[c, pl.ds(r0, ROWS_PER_TILE)])

    return pl.kernel(
        body,
        out_type=[jax.ShapeDtypeStruct((NC, N_PAD, HIDDEN), jnp.float32)],
        mesh=_mesh(),
        compiler_params=pltpu.CompilerParams(use_tc_tiling_on_sc=False),
        scratch_types=(
            [pltpu.VMEM((NCHUNK, CHUNK), jnp.int32),
             pltpu.VMEM((NCHUNK, CHUNK), jnp.int32)]
            + [pltpu.VMEM((CHUNK, HIDDEN), jnp.float32)
               for _ in range(RING)]
            + [pltpu.VMEM_SHARED((N_PAD, HIDDEN), jnp.float32),
               pltpu.VMEM_SHARED((N_PAD, HIDDEN), jnp.float32)]
            + [pltpu.SemaphoreType.DMA for _ in range(2 * RING)]))


@functools.cache
def _sc_deg():

    def body(dst_hbm, z16_hbm, ones_hbm, deg_hbm, dvm, ones_v, acc16,
             s0, s1, s2, s3, s4):
        ssem = [s0, s1, s2, s3, s4]
        c = lax.axis_index("c")
        s = lax.axis_index("s")
        wid = c * NS + s
        pltpu.sync_copy(dst_hbm.at[wid], dvm)
        r0 = s * ROWS_PER_TILE
        pltpu.sync_copy(z16_hbm.at[pl.ds(r0, ROWS_PER_TILE)],
                        acc16.at[pl.ds(r0, ROWS_PER_TILE)])
        pltpu.sync_copy(ones_hbm, ones_v)
        plsc.subcore_barrier()

        def step(g, carry):
            j0 = g * RING
            ss = [pltpu.async_copy(ones_v, acc16.at[dvm.at[j0 + b]],
                                   ssem[b], add=True)
                  for b in range(RING)]
            for b in range(RING):
                ss[b].wait()
            return carry

        lax.fori_loop(0, NGROUP, step, 0)
        plsc.subcore_barrier()
        pltpu.sync_copy(acc16.at[pl.ds(r0, ROWS_PER_TILE)],
                        deg_hbm.at[c, pl.ds(r0, ROWS_PER_TILE)])

    return pl.kernel(
        body,
        out_type=[jax.ShapeDtypeStruct((NC, N_PAD, 16), jnp.float32)],
        mesh=_mesh(),
        compiler_params=pltpu.CompilerParams(use_tc_tiling_on_sc=False),
        scratch_types=[
            pltpu.VMEM((NCHUNK, CHUNK), jnp.int32),
            pltpu.VMEM((CHUNK, 16), jnp.float32),
            pltpu.VMEM_SHARED((N_PAD, 16), jnp.float32),
        ] + [pltpu.SemaphoreType.DMA for _ in range(RING)])


def _dot_t(a, w):
    return lax.dot_general(a, w, (((1,), (1,)), ((), ())),
                           preferred_element_type=jnp.float32)


def _tc1_body(x_ref, wl_ref, wr_ref, bl_ref, p_ref, r_ref):
    xv = x_ref[...]
    p_ref[pl.ds(0, N_NODES), :] = _dot_t(xv, wl_ref[...])
    p_ref[pl.ds(N_NODES, N_PAD - N_NODES), :] = jnp.zeros(
        (N_PAD - N_NODES, HIDDEN), jnp.float32)
    r_ref[...] = _dot_t(xv, wr_ref[...]) + bl_ref[...]


def _combine(part_ref, degp_ref, r_ref):
    s = (part_ref[0, pl.ds(0, N_NODES), :]
         + part_ref[1, pl.ds(0, N_NODES), :])
    d16 = (jnp.sum(degp_ref[0, pl.ds(0, N_NODES), :], axis=1)
           + jnp.sum(degp_ref[1, pl.ds(0, N_NODES), :], axis=1))
    inv = 16.0 / jnp.maximum(d16, 16.0)
    return s * inv[:, None] + r_ref[...]


def _tc_mid_body(part_ref, degp_ref, r_ref, wl_ref, wr_ref, bl_ref,
                 p_ref, rout_ref):
    h = _combine(part_ref, degp_ref, r_ref)
    h = jnp.where(h > 0, h, jnp.exp(jnp.minimum(h, 0.0)) - 1.0)
    p_ref[pl.ds(0, N_NODES), :] = _dot_t(h, wl_ref[...])
    p_ref[pl.ds(N_NODES, N_PAD - N_NODES), :] = jnp.zeros(
        (N_PAD - N_NODES, HIDDEN), jnp.float32)
    rout_ref[...] = _dot_t(h, wr_ref[...]) + bl_ref[...]


def _tc_out_body(part_ref, degp_ref, r_ref, wlin_ref, blin_ref, out_ref):
    h = _combine(part_ref, degp_ref, r_ref)
    out_ref[...] = _dot_t(h, wlin_ref[...]) + blin_ref[...]


_f32 = jnp.float32
_tc1 = pl.pallas_call(
    _tc1_body,
    out_shape=[jax.ShapeDtypeStruct((N_PAD, HIDDEN), _f32),
               jax.ShapeDtypeStruct((N_NODES, HIDDEN), _f32)],
)
_tc_mid = pl.pallas_call(
    _tc_mid_body,
    out_shape=[jax.ShapeDtypeStruct((N_PAD, HIDDEN), _f32),
               jax.ShapeDtypeStruct((N_NODES, HIDDEN), _f32)],
)
_tc_out = pl.pallas_call(
    _tc_out_body,
    out_shape=jax.ShapeDtypeStruct((N_NODES, NUM_CLASSES), _f32),
)


def kernel(x, edge_index, Wl1, bl1, Wr1, Wl2, bl2, Wr2, Wl3, bl3, Wr3,
           Wlin, blin):
    src3 = edge_index[0].astype(jnp.int32).reshape(NW, NCHUNK, CHUNK)
    dst3 = edge_index[1].astype(jnp.int32).reshape(NW, NCHUNK, CHUNK)
    z64 = jnp.zeros((N_PAD, HIDDEN), _f32)
    z16 = jnp.zeros((N_PAD, 16), _f32)
    ones16 = jnp.ones((CHUNK, 16), _f32)

    (degp,) = _sc_deg()(dst3, z16, ones16)
    p1, r1 = _tc1(x, Wl1, Wr1, bl1.reshape(1, HIDDEN))
    (part1,) = _sc_agg()(p1, src3, dst3, z64)
    p2, r2 = _tc_mid(part1, degp, r1, Wl2, Wr2, bl2.reshape(1, HIDDEN))
    (part2,) = _sc_agg()(p2, src3, dst3, z64)
    p3, r3 = _tc_mid(part2, degp, r2, Wl3, Wr3, bl3.reshape(1, HIDDEN))
    (part3,) = _sc_agg()(p3, src3, dst3, z64)
    out = _tc_out(part3, degp, r3, Wlin, blin.reshape(1, NUM_CLASSES))
    return out

# --- scband reference (transcript-rebuilt; emitter-appended) ---
"""Pipeline reference for scband-sageconv-net-5566277616459 (READ-ONLY COPY).

The authoritative reference and input builder live on the scoring server;
editing this copy changes nothing except your own understanding.
"""

import jax, jax.numpy as jnp
import numpy as np

N_NODES = 10000
N_EDGES = 320000
D_FEAT = 128
HIDDEN = 64
NUM_CLASSES = 64


def _glorot(key, shape):
    fan_in, fan_out = shape[1], shape[0]
    lim = float(np.sqrt(6.0 / (fan_in + fan_out)))
    return jax.random.uniform(key, shape, dtype=jnp.float32, minval=-lim, maxval=lim)


def setup_inputs(seed: int = 0) -> dict:
    key = jax.random.key(seed)
    ks = jax.random.split(key, 16)
    x = jax.random.normal(ks[0], (N_NODES, D_FEAT), dtype=jnp.float32)
    edge_index = jax.random.randint(ks[1], (2, N_EDGES), 0, N_NODES, dtype=jnp.int64)
    # SAGEConv params: lin_l (applied to aggregated neighbors, has bias), lin_r (applied to root, no bias)
    Wl1 = _glorot(ks[2], (HIDDEN, D_FEAT)); bl1 = jnp.zeros((HIDDEN,), jnp.float32)
    Wr1 = _glorot(ks[3], (HIDDEN, D_FEAT))
    Wl2 = _glorot(ks[4], (HIDDEN, HIDDEN)); bl2 = jnp.zeros((HIDDEN,), jnp.float32)
    Wr2 = _glorot(ks[5], (HIDDEN, HIDDEN))
    Wl3 = _glorot(ks[6], (HIDDEN, HIDDEN)); bl3 = jnp.zeros((HIDDEN,), jnp.float32)
    Wr3 = _glorot(ks[7], (HIDDEN, HIDDEN))
    Wlin = _glorot(ks[8], (NUM_CLASSES, HIDDEN)); blin = jnp.zeros((NUM_CLASSES,), jnp.float32)
    return {"x": x, "edge_index": edge_index,
            "Wl1": Wl1, "bl1": bl1, "Wr1": Wr1,
            "Wl2": Wl2, "bl2": bl2, "Wr2": Wr2,
            "Wl3": Wl3, "bl3": bl3, "Wr3": Wr3,
            "Wlin": Wlin, "blin": blin}


def _sage_conv(x, src, dst, Wl, bl, Wr):
    # mean aggregation of source-node features at destination nodes
    msgs = jnp.take(x, src, axis=0)
    agg_sum = jax.ops.segment_sum(msgs, dst, num_segments=N_NODES)
    deg = jax.ops.segment_sum(jnp.ones((src.shape[0],), jnp.float32), dst, num_segments=N_NODES)
    agg = agg_sum / jnp.clip(deg, 1.0, None)[:, None]
    return agg @ Wl.T + bl + x @ Wr.T


def reference(x, edge_index, Wl1, bl1, Wr1, Wl2, bl2, Wr2, Wl3, bl3, Wr3, Wlin, blin):
    src = edge_index[0]
    dst = edge_index[1]
    h = _sage_conv(x, src, dst, Wl1, bl1, Wr1)
    h = jax.nn.elu(h)
    h = _sage_conv(h, src, dst, Wl2, bl2, Wr2)
    h = jax.nn.elu(h)
    h = _sage_conv(h, src, dst, Wl3, bl3, Wr3)
    out = h @ Wlin.T + blin
    return out

if __name__ == "__main__":
    import jax
    _d = setup_inputs()
    print(jax.jit(kernel)(*tuple(_d.values())))

</pallas_src>

<mosaic_0001>
#map = affine_map<(d0, d1) -> (0, 0)>
#map1 = affine_map<(d0, d1) -> (0, 0, 0)>
module attributes {stable_mosaic.version = 14 : i64} {
  func.func @body(%arg0: i32, %arg1: i32, %arg2: memref<10240x64xf32, #tpu.memory_space<hbm>>, %arg3: memref<32x125x80xi32, #tpu.memory_space<hbm>>, %arg4: memref<32x125x80xi32, #tpu.memory_space<hbm>>, %arg5: memref<10240x64xf32, #tpu.memory_space<hbm>>, %arg6: memref<2x10240x64xf32, #tpu.memory_space<hbm>>, %arg7: memref<125x80xi32, #tpu.memory_space<vmem>>, %arg8: memref<125x80xi32, #tpu.memory_space<vmem>>, %arg9: memref<80x64xf32, #tpu.memory_space<vmem>>, %arg10: memref<80x64xf32, #tpu.memory_space<vmem>>, %arg11: memref<80x64xf32, #tpu.memory_space<vmem>>, %arg12: memref<80x64xf32, #tpu.memory_space<vmem>>, %arg13: memref<80x64xf32, #tpu.memory_space<vmem>>, %arg14: memref<10240x64xf32, #tpu.memory_space<vmem_shared>>, %arg15: memref<10240x64xf32, #tpu.memory_space<vmem_shared>>, %arg16: memref<!tpu.dma_semaphore, #tpu.memory_space<semaphore_mem>>, %arg17: memref<!tpu.dma_semaphore, #tpu.memory_space<semaphore_mem>>, %arg18: memref<!tpu.dma_semaphore, #tpu.memory_space<semaphore_mem>>, %arg19: memref<!tpu.dma_semaphore, #tpu.memory_space<semaphore_mem>>, %arg20: memref<!tpu.dma_semaphore, #tpu.memory_space<semaphore_mem>>, %arg21: memref<!tpu.dma_semaphore, #tpu.memory_space<semaphore_mem>>, %arg22: memref<!tpu.dma_semaphore, #tpu.memory_space<semaphore_mem>>, %arg23: memref<!tpu.dma_semaphore, #tpu.memory_space<semaphore_mem>>, %arg24: memref<!tpu.dma_semaphore, #tpu.memory_space<semaphore_mem>>, %arg25: memref<!tpu.dma_semaphore, #tpu.memory_space<semaphore_mem>>) attributes {dimension_semantics = [#tpu.dimension_semantics<core_parallel>, #tpu.dimension_semantics<subcore_parallel>], iteration_bounds = array<i64: 2, 16>, scalar_prefetch = 0 : i64, scratch_operands = 19 : i64, tpu.core_type = #tpu.core_type<sc_vector_subcore>, window_params = [{transform_indices = #map}, {transform_indices = #map1}, {transform_indices = #map1}, {transform_indices = #map}, {transform_indices = #map1}]} {
    %mul3A = arith.constant 16 : i32
    %mul3A_0 = arith.muli %arg0, %mul3A : i32
    %add3A = arith.addi %mul3A_0, %arg1 : i32
    "tpu.region"() ({
      %run_scoped3A = tpu.sem_alloc : memref<!tpu.dma_semaphore, #tpu.memory_space<semaphore_mem>>
      %dma_start3A = arith.constant 0 : i32
      %dma_start3A_9 = arith.constant 0 : i32
      %dma_start3A_10 = tpu.memref_slice %arg3[%add3A, %dma_start3A, %dma_start3A_9] : memref<32x125x80xi32, #tpu.memory_space<hbm>> -> memref<1x125x80xi32, #tpu.memory_space<hbm>>
      %dma_start3A_11 = tpu.memref_squeeze %dma_start3A_10 : memref<1x125x80xi32, #tpu.memory_space<hbm>> -> memref<125x80xi32, #tpu.memory_space<hbm>>
      %dma_start3A_12 = arith.constant 0 : i32
      %dma_start3A_13 = arith.constant 0 : i32
      %dma_start3A_14 = tpu.memref_slice %arg3[%add3A, %dma_start3A_12, %dma_start3A_13] : memref<32x125x80xi32, #tpu.memory_space<hbm>> -> memref<1x125x80xi32, #tpu.memory_space<hbm>>
      %dma_start3A_15 = tpu.memref_squeeze %dma_start3A_14 : memref<1x125x80xi32, #tpu.memory_space<hbm>> -> memref<125x80xi32, #tpu.memory_space<hbm>>
      tpu.enqueue_dma source(%dma_start3A_15 : memref<125x80xi32, #tpu.memory_space<hbm>>) target(%arg7 : memref<125x80xi32, #tpu.memory_space<vmem>>) target_semaphore(%run_scoped3A : memref<!tpu.dma_semaphore, #tpu.memory_space<semaphore_mem>>)
      %dma_wait3A = arith.constant 0 : i32
      %dma_wait3A_16 = arith.constant 0 : i32
      %dma_wait3A_17 = tpu.memref_slice %arg3[%add3A, %dma_wait3A, %dma_wait3A_16] : memref<32x125x80xi32, #tpu.memory_space<hbm>> -> memref<1x125x80xi32, #tpu.memory_space<hbm>>
      %dma_wait3A_18 = tpu.memref_squeeze %dma_wait3A_17 : memref<1x125x80xi32, #tpu.memory_space<hbm>> -> memref<125x80xi32, #tpu.memory_space<hbm>>
      %dma_wait3A_19 = arith.constant 0 : i32
      %dma_wait3A_20 = arith.constant 0 : i32
      %dma_wait3A_21 = tpu.memref_slice %arg3[%add3A, %dma_wait3A_19, %dma_wait3A_20] : memref<32x125x80xi32, #tpu.memory_space<hbm>> -> memref<1x125x80xi32, #tpu.memory_space<hbm>>
      %dma_wait3A_22 = tpu.memref_squeeze %dma_wait3A_21 : memref<1x125x80xi32, #tpu.memory_space<hbm>> -> memref<125x80xi32, #tpu.memory_space<hbm>>
      tpu.wait_dma2 semaphore(%run_scoped3A : memref<!tpu.dma_semaphore, #tpu.memory_space<semaphore_mem>>) src(%dma_wait3A_22 : memref<125x80xi32, #tpu.memory_space<hbm>>) dst(%arg7 : memref<125x80xi32, #tpu.memory_space<vmem>>)
      tpu.yield
    }) : () -> ()
    "tpu.region"() ({
      %run_scoped3A = tpu.sem_alloc : memref<!tpu.dma_semaphore, #tpu.memory_space<semaphore_mem>>
      %dma_start3A = arith.constant 0 : i32
      %dma_start3A_9 = arith.constant 0 : i32
      %dma_start3A_10 = tpu.memref_slice %arg4[%add3A, %dma_start3A, %dma_start3A_9] : memref<32x125x80xi32, #tpu.memory_space<hbm>> -> memref<1x125x80xi32, #tpu.memory_space<hbm>>
      %dma_start3A_11 = tpu.memref_squeeze %dma_start3A_10 : memref<1x125x80xi32, #tpu.memory_space<hbm>> -> memref<125x80xi32, #tpu.memory_space<hbm>>
      %dma_start3A_12 = arith.constant 0 : i32
      %dma_start3A_13 = arith.constant 0 : i32
      %dma_start3A_14 = tpu.memref_slice %arg4[%add3A, %dma_start3A_12, %dma_start3A_13] : memref<32x125x80xi32, #tpu.memory_space<hbm>> -> memref<1x125x80xi32, #tpu.memory_space<hbm>>
      %dma_start3A_15 = tpu.memref_squeeze %dma_start3A_14 : memref<1x125x80xi32, #tpu.memory_space<hbm>> -> memref<125x80xi32, #tpu.memory_space<hbm>>
      tpu.enqueue_dma source(%dma_start3A_15 : memref<125x80xi32, #tpu.memory_space<hbm>>) target(%arg8 : memref<125x80xi32, #tpu.memory_space<vmem>>) target_semaphore(%run_scoped3A : memref<!tpu.dma_semaphore, #tpu.memory_space<semaphore_mem>>)
      %dma_wait3A = arith.constant 0 : i32
      %dma_wait3A_16 = arith.constant 0 : i32
      %dma_wait3A_17 = tpu.memref_slice %arg4[%add3A, %dma_wait3A, %dma_wait3A_16] : memref<32x125x80xi32, #tpu.memory_space<hbm>> -> memref<1x125x80xi32, #tpu.memory_space<hbm>>
      %dma_wait3A_18 = tpu.memref_squeeze %dma_wait3A_17 : memref<1x125x80xi32, #tpu.memory_space<hbm>> -> memref<125x80xi32, #tpu.memory_space<hbm>>
      %dma_wait3A_19 = arith.constant 0 : i32
      %dma_wait3A_20 = arith.constant 0 : i32
      %dma_wait3A_21 = tpu.memref_slice %arg4[%add3A, %dma_wait3A_19, %dma_wait3A_20] : memref<32x125x80xi32, #tpu.memory_space<hbm>> -> memref<1x125x80xi32, #tpu.memory_space<hbm>>
      %dma_wait3A_22 = tpu.memref_squeeze %dma_wait3A_21 : memref<1x125x80xi32, #tpu.memory_space<hbm>> -> memref<125x80xi32, #tpu.memory_space<hbm>>
      tpu.wait_dma2 semaphore(%run_scoped3A : memref<!tpu.dma_semaphore, #tpu.memory_space<semaphore_mem>>) src(%dma_wait3A_22 : memref<125x80xi32, #tpu.memory_space<hbm>>) dst(%arg8 : memref<125x80xi32, #tpu.memory_space<vmem>>)
      tpu.yield
    }) : () -> ()
    %mul3A_1 = arith.constant 640 : i32
    %mul3A_2 = arith.muli %arg1, %mul3A_1 : i32
    "tpu.region"() ({
      %run_scoped3A = tpu.sem_alloc : memref<!tpu.dma_semaphore, #tpu.memory_space<semaphore_mem>>
      %dma_start3A = arith.constant 0 : i32
      %dma_start3A_9 = tpu.memref_slice %arg15[%mul3A_2, %dma_start3A] : memref<10240x64xf32, #tpu.memory_space<vmem_shared>> -> memref<640x64xf32, #tpu.memory_space<vmem_shared>>
      %dma_start3A_10 = arith.constant 0 : i32
      %dma_start3A_11 = tpu.memref_slice %arg2[%mul3A_2, %dma_start3A_10] : memref<10240x64xf32, #tpu.memory_space<hbm>> -> memref<640x64xf32, #tpu.memory_space<hbm>>
      tpu.enqueue_dma source(%dma_start3A_11 : memref<640x64xf32, #tpu.memory_space<hbm>>) target(%dma_start3A_9 : memref<640x64xf32, #tpu.memory_space<vmem_shared>>) target_semaphore(%run_scoped3A : memref<!tpu.dma_semaphore, #tpu.memory_space<semaphore_mem>>)
      %dma_wait3A = arith.constant 0 : i32
      %dma_wait3A_12 = tpu.memref_slice %arg15[%mul3A_2, %dma_wait3A] : memref<10240x64xf32, #tpu.memory_space<vmem_shared>> -> memref<640x64xf32, #tpu.memory_space<vmem_shared>>
      %dma_wait3A_13 = arith.constant 0 : i32
      %dma_wait3A_14 = tpu.memref_slice %arg2[%mul3A_2, %dma_wait3A_13] : memref<10240x64xf32, #tpu.memory_space<hbm>> -> memref<640x64xf32, #tpu.memory_space<hbm>>
      tpu.wait_dma2 semaphore(%run_scoped3A : memref<!tpu.dma_semaphore, #tpu.memory_space<semaphore_mem>>) src(%dma_wait3A_14 : memref<640x64xf32, #tpu.memory_space<hbm>>) dst(%dma_wait3A_12 : memref<640x64xf32, #tpu.memory_space<vmem_shared>>)
      tpu.yield
    }) : () -> ()
    "tpu.region"() ({
      %run_scoped3A = tpu.sem_alloc : memref<!tpu.dma_semaphore, #tpu.memory_space<semaphore_mem>>
      %dma_start3A = arith.constant 0 : i32
      %dma_start3A_9 = tpu.memref_slice %arg14[%mul3A_2, %dma_start3A] : memref<10240x64xf32, #tpu.memory_space<vmem_shared>> -> memref<640x64xf32, #tpu.memory_space<vmem_shared>>
      %dma_start3A_10 = arith.constant 0 : i32
      %dma_start3A_11 = tpu.memref_slice %arg5[%mul3A_2, %dma_start3A_10] : memref<10240x64xf32, #tpu.memory_space<hbm>> -> memref<640x64xf32, #tpu.memory_space<hbm>>
      tpu.enqueue_dma source(%dma_start3A_11 : memref<640x64xf32, #tpu.memory_space<hbm>>) target(%dma_start3A_9 : memref<640x64xf32, #tpu.memory_space<vmem_shared>>) target_semaphore(%run_scoped3A : memref<!tpu.dma_semaphore, #tpu.memory_space<semaphore_mem>>)
      %dma_wait3A = arith.constant 0 : i32
      %dma_wait3A_12 = tpu.memref_slice %arg14[%mul3A_2, %dma_wait3A] : memref<10240x64xf32, #tpu.memory_space<vmem_shared>> -> memref<640x64xf32, #tpu.memory_space<vmem_shared>>
      %dma_wait3A_13 = arith.constant 0 : i32
      %dma_wait3A_14 = tpu.memref_slice %arg5[%mul3A_2, %dma_wait3A_13] : memref<10240x64xf32, #tpu.memory_space<hbm>> -> memref<640x64xf32, #tpu.memory_space<hbm>>
      tpu.wait_dma2 semaphore(%run_scoped3A : memref<!tpu.dma_semaphore, #tpu.memory_space<semaphore_mem>>) src(%dma_wait3A_14 : memref<640x64xf32, #tpu.memory_space<hbm>>) dst(%dma_wait3A_12 : memref<640x64xf32, #tpu.memory_space<vmem_shared>>)
      tpu.yield
    }) : () -> ()
    %barrier3A = arith.constant 0 : index
    tpu.barrier barrier_id(%barrier3A)
    %scan3A = arith.constant 0 : i32
    %scan3A_3 = arith.constant 0 : i32
    %scan3A_4 = arith.constant 25 : i32
    %scan3A_5 = arith.addi %scan3A_3, %scan3A_4 : i32
    %scan3A_6 = arith.constant 1 : i32
    scf.for %scan3A_9 = %scan3A_3 to %scan3A_5 step %scan3A_6  : i32 {
      %mul3A_10 = arith.constant 5 : i32
      %mul3A_11 = arith.muli %scan3A_9, %mul3A_10 : i32
      %add3A_12 = arith.constant 0 : i32
      %add3A_13 = arith.addi %mul3A_11, %add3A_12 : i32
      %dma_start3A = arith.constant 0 : i32
      %dma_start3A_14 = tpu.memref_slice %arg7[%add3A_13, %dma_start3A] : memref<125x80xi32, #tpu.memory_space<vmem>> -> memref<1x80xi32, #tpu.memory_space<vmem>>
      %dma_start3A_15 = tpu.memref_squeeze %dma_start3A_14 : memref<1x80xi32, #tpu.memory_space<vmem>> -> memref<80xi32, #tpu.memory_space<vmem>>
      %dma_start3A_16 = arith.constant 0 : i32
      %dma_start3A_17 = arith.constant 0 : i32
      %dma_start3A_18 = tpu.memref_slice %arg15[%dma_start3A_16, %dma_start3A_17] : memref<10240x64xf32, #tpu.memory_space<vmem_shared>> -> memref<10240x64xf32, #tpu.memory_space<vmem_shared>>
      tpu.enqueue_indirect_dma source(%dma_start3A_18 : memref<10240x64xf32, #tpu.memory_space<vmem_shared>>) target(%arg9 : memref<80x64xf32, #tpu.memory_space<vmem>>) offsets(%dma_start3A_15 : memref<80xi32, #tpu.memory_space<vmem>>) semaphore(%arg16 : memref<!tpu.dma_semaphore, #tpu.memory_space<semaphore_mem>>)
      %add3A_19 = arith.constant 1 : i32
      %add3A_20 = arith.addi %mul3A_11, %add3A_19 : i32
      %dma_start3A_21 = arith.constant 0 : i32
      %dma_start3A_22 = tpu.memref_slice %arg7[%add3A_20, %dma_start3A_21] : memref<125x80xi32, #tpu.memory_space<vmem>> -> memref<1x80xi32, #tpu.memory_space<vmem>>
      %dma_start3A_23 = tpu.memref_squeeze %dma_start3A_22 : memref<1x80xi32, #tpu.memory_space<vmem>> -> memref<80xi32, #tpu.memory_space<vmem>>
      %dma_start3A_24 = arith.constant 0 : i32
      %dma_start3A_25 = arith.constant 0 : i32
      %dma_start3A_26 = tpu.memref_slice %arg15[%dma_start3A_24, %dma_start3A_25] : memref<10240x64xf32, #tpu.memory_space<vmem_shared>> -> memref<10240x64xf32, #tpu.memory_space<vmem_shared>>
      tpu.enqueue_indirect_dma source(%dma_start3A_26 : memref<10240x64xf32, #tpu.memory_space<vmem_shared>>) target(%arg10 : memref<80x64xf32, #tpu.memory_space<vmem>>) offsets(%dma_start3A_23 : memref<80xi32, #tpu.memory_space<vmem>>) semaphore(%arg17 : memref<!tpu.dma_semaphore, #tpu.memory_space<semaphore_mem>>)
      %add3A_27 = arith.constant 2 : i32
      %add3A_28 = arith.addi %mul3A_11, %add3A_27 : i32
      %dma_start3A_29 = arith.constant 0 : i32
      %dma_start3A_30 = tpu.memref_slice %arg7[%add3A_28, %dma_start3A_29] : memref<125x80xi32, #tpu.memory_space<vmem>> -> memref<1x80xi32, #tpu.memory_space<vmem>>
      %dma_start3A_31 = tpu.memref_squeeze %dma_start3A_30 : memref<1x80xi32, #tpu.memory_space<vmem>> -> memref<80xi32, #tpu.memory_space<vmem>>
      %dma_start3A_32 = arith.constant 0 : i32
      %dma_start3A_33 = arith.constant 0 : i32
      %dma_start3A_34 = tpu.memref_slice %arg15[%dma_start3A_32, %dma_start3A_33] : memref<10240x64xf32, #tpu.memory_space<vmem_shared>> -> memref<10240x64xf32, #tpu.memory_space<vmem_shared>>
      tpu.enqueue_indirect_dma source(%dma_start3A_34 : memref<10240x64xf32, #tpu.memory_space<vmem_shared>>) target(%arg11 : memref<80x64xf32, #tpu.memory_space<vmem>>) offsets(%dma_start3A_31 : memref<80xi32, #tpu.memory_space<vmem>>) semaphore(%arg18 : memref<!tpu.dma_semaphore, #tpu.memory_space<semaphore_mem>>)
      %add3A_35 = arith.constant 3 : i32
      %add3A_36 = arith.addi %mul3A_11, %add3A_35 : i32
      %dma_start3A_37 = arith.constant 0 : i32
      %dma_start3A_38 = tpu.memref_slice %arg7[%add3A_36, %dma_start3A_37] : memref<125x80xi32, #tpu.memory_space<vmem>> -> memref<1x80xi32, #tpu.memory_space<vmem>>
      %dma_start3A_39 = tpu.memref_squeeze %dma_start3A_38 : memref<1x80xi32, #tpu.memory_space<vmem>> -> memref<80xi32, #tpu.memory_space<vmem>>
      %dma_start3A_40 = arith.constant 0 : i32
      %dma_start3A_41 = arith.constant 0 : i32
      %dma_start3A_42 = tpu.memref_slice %arg15[%dma_start3A_40, %dma_start3A_41] : memref<10240x64xf32, #tpu.memory_space<vmem_shared>> -> memref<10240x64xf32, #tpu.memory_space<vmem_shared>>
      tpu.enqueue_indirect_dma source(%dma_start3A_42 : memref<10240x64xf32, #tpu.memory_space<vmem_shared>>) target(%arg12 : memref<80x64xf32, #tpu.memory_space<vmem>>) offsets(%dma_start3A_39 : memref<80xi32, #tpu.memory_space<vmem>>) semaphore(%arg19 : memref<!tpu.dma_semaphore, #tpu.memory_space<semaphore_mem>>)
      %add3A_43 = arith.constant 4 : i32
      %add3A_44 = arith.addi %mul3A_11, %add3A_43 : i32
      %dma_start3A_45 = arith.constant 0 : i32
      %dma_start3A_46 = tpu.memref_slice %arg7[%add3A_44, %dma_start3A_45] : memref<125x80xi32, #tpu.memory_space<vmem>> -> memref<1x80xi32, #tpu.memory_space<vmem>>
      %dma_start3A_47 = tpu.memref_squeeze %dma_start3A_46 : memref<1x80xi32, #tpu.memory_space<vmem>> -> memref<80xi32, #tpu.memory_space<vmem>>
      %dma_start3A_48 = arith.constant 0 : i32
      %dma_start3A_49 = arith.constant 0 : i32
      %dma_start3A_50 = tpu.memref_slice %arg15[%dma_start3A_48, %dma_start3A_49] : memref<10240x64xf32, #tpu.memory_space<vmem_shared>> -> memref<10240x64xf32, #tpu.memory_space<vmem_shared>>
      tpu.enqueue_indirect_dma source(%dma_start3A_50 : memref<10240x64xf32, #tpu.memory_space<vmem_shared>>) target(%arg13 : memref<80x64xf32, #tpu.memory_space<vmem>>) offsets(%dma_start3A_47 : memref<80xi32, #tpu.memory_space<vmem>>) semaphore(%arg20 : memref<!tpu.dma_semaphore, #tpu.memory_space<semaphore_mem>>)
      %dma_wait3A = arith.constant 0 : i32
      %dma_wait3A_51 = tpu.memref_slice %arg7[%add3A_13, %dma_wait3A] : memref<125x80xi32, #tpu.memory_space<vmem>> -> memref<1x80xi32, #tpu.memory_space<vmem>>
      %dma_wait3A_52 = tpu.memref_squeeze %dma_wait3A_51 : memref<1x80xi32, #tpu.memory_space<vmem>> -> memref<80xi32, #tpu.memory_space<vmem>>
      %dma_wait3A_53 = arith.constant 0 : i32
      %dma_wait3A_54 = arith.constant 0 : i32
      %dma_wait3A_55 = tpu.memref_slice %arg15[%dma_wait3A_53, %dma_wait3A_54] : memref<10240x64xf32, #tpu.memory_space<vmem_shared>> -> memref<10240x64xf32, #tpu.memory_space<vmem_shared>>
      tpu.wait_indirect_dma semaphore(%arg16 : memref<!tpu.dma_semaphore, #tpu.memory_space<semaphore_mem>>) src(%dma_wait3A_55 : memref<10240x64xf32, #tpu.memory_space<vmem_shared>>) dst(%arg9 : memref<80x64xf32, #tpu.memory_space<vmem>>)
      %add3A_56 = arith.constant 0 : i32
      %add3A_57 = arith.addi %mul3A_11, %add3A_56 : i32
      %dma_start3A_58 = arith.constant 0 : i32
      %dma_start3A_59 = tpu.memref_slice %arg8[%add3A_57, %dma_start3A_58] : memref<125x80xi32, #tpu.memory_space<vmem>> -> memref<1x80xi32, #tpu.memory_space<vmem>>
      %dma_start3A_60 = tpu.memref_squeeze %dma_start3A_59 : memref<1x80xi32, #tpu.memory_space<vmem>> -> memref<80xi32, #tpu.memory_space<vmem>>
      %dma_start3A_61 = arith.constant 0 : i32
      %dma_start3A_62 = arith.constant 0 : i32
      %dma_start3A_63 = tpu.memref_slice %arg14[%dma_start3A_61, %dma_start3A_62] : memref<10240x64xf32, #tpu.memory_space<vmem_shared>> -> memref<10240x64xf32, #tpu.memory_space<vmem_shared>>
      tpu.enqueue_indirect_dma source(%arg9 : memref<80x64xf32, #tpu.memory_space<vmem>>) target(%dma_start3A_63 : memref<10240x64xf32, #tpu.memory_space<vmem_shared>>) offsets(%dma_start3A_60 : memref<80xi32, #tpu.memory_space<vmem>>) semaphore(%arg21 : memref<!tpu.dma_semaphore, #tpu.memory_space<semaphore_mem>>) {add = true}
      %dma_wait3A_64 = arith.constant 0 : i32
      %dma_wait3A_65 = tpu.memref_slice %arg7[%add3A_20, %dma_wait3A_64] : memref<125x80xi32, #tpu.memory_space<vmem>> -> memref<1x80xi32, #tpu.memory_space<vmem>>
      %dma_wait3A_66 = tpu.memref_squeeze %dma_wait3A_65 : memref<1x80xi32, #tpu.memory_space<vmem>> -> memref<80xi32, #tpu.memory_space<vmem>>
      %dma_wait3A_67 = arith.constant 0 : i32
      %dma_wait3A_68 = arith.constant 0 : i32
      %dma_wait3A_69 = tpu.memref_slice %arg15[%dma_wait3A_67, %dma_wait3A_68] : memref<10240x64xf32, #tpu.memory_space<vmem_shared>> -> memref<10240x64xf32, #tpu.memory_space<vmem_shared>>
      tpu.wait_indirect_dma semaphore(%arg17 : memref<!tpu.dma_semaphore, #tpu.memory_space<semaphore_mem>>) src(%dma_wait3A_69 : memref<10240x64xf32, #tpu.memory_space<vmem_shared>>) dst(%arg10 : memref<80x64xf32, #tpu.memory_space<vmem>>)
      %add3A_70 = arith.constant 1 : i32
      %add3A_71 = arith.addi %mul3A_11, %add3A_70 : i32
      %dma_start3A_72 = arith.constant 0 : i32
      %dma_start3A_73 = tpu.memref_slice %arg8[%add3A_71, %dma_start3A_72] : memref<125x80xi32, #tpu.memory_space<vmem>> -> memref<1x80xi32, #tpu.memory_space<vmem>>
      %dma_start3A_74 = tpu.memref_squeeze %dma_start3A_73 : memref<1x80xi32, #tpu.memory_space<vmem>> -> memref<80xi32, #tpu.memory_space<vmem>>
      %dma_start3A_75 = arith.constant 0 : i32
      %dma_start3A_76 = arith.constant 0 : i32
      %dma_start3A_77 = tpu.memref_slice %arg14[%dma_start3A_75, %dma_start3A_76] : memref<10240x64xf32, #tpu.memory_space<vmem_shared>> -> memref<10240x64xf32, #tpu.memory_space<vmem_shared>>
      tpu.enqueue_indirect_dma source(%arg10 : memref<80x64xf32, #tpu.memory_space<vmem>>) target(%dma_start3A_77 : memref<10240x64xf32, #tpu.memory_space<vmem_shared>>) offsets(%dma_start3A_74 : memref<80xi32, #tpu.memory_space<vmem>>) semaphore(%arg22 : memref<!tpu.dma_semaphore, #tpu.memory_space<semaphore_mem>>) {add = true}
      %dma_wait3A_78 = arith.constant 0 : i32
      %dma_wait3A_79 = tpu.memref_slice %arg7[%add3A_28, %dma_wait3A_78] : memref<125x80xi32, #tpu.memory_space<vmem>> -> memref<1x80xi32, #tpu.memory_space<vmem>>
      %dma_wait3A_80 = tpu.memref_squeeze %dma_wait3A_79 : memref<1x80xi32, #tpu.memory_space<vmem>> -> memref<80xi32, #tpu.memory_space<vmem>>
      %dma_wait3A_81 = arith.constant 0 : i32
      %dma_wait3A_82 = arith.constant 0 : i32
      %dma_wait3A_83 = tpu.memref_slice %arg15[%dma_wait3A_81, %dma_wait3A_82] : memref<10240x64xf32, #tpu.memory_space<vmem_shared>> -> memref<10240x64xf32, #tpu.memory_space<vmem_shared>>
      tpu.wait_indirect_dma semaphore(%arg18 : memref<!tpu.dma_semaphore, #tpu.memory_space<semaphore_mem>>) src(%dma_wait3A_83 : memref<10240x64xf32, #tpu.memory_space<vmem_shared>>) dst(%arg11 : memref<80x64xf32, #tpu.memory_space<vmem>>)
      %add3A_84 = arith.constant 2 : i32
      %add3A_85 = arith.addi %mul3A_11, %add3A_84 : i32
      %dma_start3A_86 = arith.constant 0 : i32
      %dma_start3A_87 = tpu.memref_slice %arg8[%add3A_85, %dma_start3A_86] : memref<125x80xi32, #tpu.memory_space<vmem>> -> memref<1x80xi32, #tpu.memory_space<vmem>>
      %dma_start3A_88 = tpu.memref_squeeze %dma_start3A_87 : memref<1x80xi32, #tpu.memory_space<vmem>> -> memref<80xi32, #tpu.memory_space<vmem>>
      %dma_start3A_89 = arith.constant 0 : i32
      %dma_start3A_90 = arith.constant 0 : i32
      %dma_start3A_91 = tpu.memref_slice %arg14[%dma_start3A_89, %dma_start3A_90] : memref<10240x64xf32, #tpu.memory_space<vmem_shared>> -> memref<10240x64xf32, #tpu.memory_space<vmem_shared>>
      tpu.enqueue_indirect_dma source(%arg11 : memref<80x64xf32, #tpu.memory_space<vmem>>) target(%dma_start3A_91 : memref<10240x64xf32, #tpu.memory_space<vmem_shared>>) offsets(%dma_start3A_88 : memref<80xi32, #tpu.memory_space<vmem>>) semaphore(%arg23 : memref<!tpu.dma_semaphore, #tpu.memory_space<semaphore_mem>>) {add = true}
      %dma_wait3A_92 = arith.constant 0 : i32
      %dma_wait3A_93 = tpu.memref_slice %arg7[%add3A_36, %dma_wait3A_92] : memref<125x80xi32, #tpu.memory_space<vmem>> -> memref<1x80xi32, #tpu.memory_space<vmem>>
      %dma_wait3A_94 = tpu.memref_squeeze %dma_wait3A_93 : memref<1x80xi32, #tpu.memory_space<vmem>> -> memref<80xi32, #tpu.memory_space<vmem>>
      %dma_wait3A_95 = arith.constant 0 : i32
      %dma_wait3A_96 = arith.constant 0 : i32
      %dma_wait3A_97 = tpu.memref_slice %arg15[%dma_wait3A_95, %dma_wait3A_96] : memref<10240x64xf32, #tpu.memory_space<vmem_shared>> -> memref<10240x64xf32, #tpu.memory_space<vmem_shared>>
      tpu.wait_indirect_dma semaphore(%arg19 : memref<!tpu.dma_semaphore, #tpu.memory_space<semaphore_mem>>) src(%dma_wait3A_97 : memref<10240x64xf32, #tpu.memory_space<vmem_shared>>) dst(%arg12 : memref<80x64xf32, #tpu.memory_space<vmem>>)
      %add3A_98 = arith.constant 3 : i32
      %add3A_99 = arith.addi %mul3A_11, %add3A_98 : i32
      %dma_start3A_100 = arith.constant 0 : i32
      %dma_start3A_101 = tpu.memref_slice %arg8[%add3A_99, %dma_start3A_100] : memref<125x80xi32, #tpu.memory_space<vmem>> -> memref<1x80xi32, #tpu.memory_space<vmem>>
      %dma_start3A_102 = tpu.memref_squeeze %dma_start3A_101 : memref<1x80xi32, #tpu.memory_space<vmem>> -> memref<80xi32, #tpu.memory_space<vmem>>
      %dma_start3A_103 = arith.constant 0 : i32
      %dma_start3A_104 = arith.constant 0 : i32
      %dma_start3A_105 = tpu.memref_slice %arg14[%dma_start3A_103, %dma_start3A_104] : memref<10240x64xf32, #tpu.memory_space<vmem_shared>> -> memref<10240x64xf32, #tpu.memory_space<vmem_shared>>
      tpu.enqueue_indirect_dma source(%arg12 : memref<80x64xf32, #tpu.memory_space<vmem>>) target(%dma_start3A_105 : memref<10240x64xf32, #tpu.memory_space<vmem_shared>>) offsets(%dma_start3A_102 : memref<80xi32, #tpu.memory_space<vmem>>) semaphore(%arg24 : memref<!tpu.dma_semaphore, #tpu.memory_space<semaphore_mem>>) {add = true}
      %dma_wait3A_106 = arith.constant 0 : i32
      %dma_wait3A_107 = tpu.memref_slice %arg7[%add3A_44, %dma_wait3A_106] : memref<125x80xi32, #tpu.memory_space<vmem>> -> memref<1x80xi32, #tpu.memory_space<vmem>>
      %dma_wait3A_108 = tpu.memref_squeeze %dma_wait3A_107 : memref<1x80xi32, #tpu.memory_space<vmem>> -> memref<80xi32, #tpu.memory_space<vmem>>
      %dma_wait3A_109 = arith.constant 0 : i32
      %dma_wait3A_110 = arith.constant 0 : i32
      %dma_wait3A_111 = tpu.memref_slice %arg15[%dma_wait3A_109, %dma_wait3A_110] : memref<10240x64xf32, #tpu.memory_space<vmem_shared>> -> memref<10240x64xf32, #tpu.memory_space<vmem_shared>>
      tpu.wait_indirect_dma semaphore(%arg20 : memref<!tpu.dma_semaphore, #tpu.memory_space<semaphore_mem>>) src(%dma_wait3A_111 : memref<10240x64xf32, #tpu.memory_space<vmem_shared>>) dst(%arg13 : memref<80x64xf32, #tpu.memory_space<vmem>>)
      %add3A_112 = arith.constant 4 : i32
      %add3A_113 = arith.addi %mul3A_11, %add3A_112 : i32
      %dma_start3A_114 = arith.constant 0 : i32
      %dma_start3A_115 = tpu.memref_slice %arg8[%add3A_113, %dma_start3A_114] : memref<125x80xi32, #tpu.memory_space<vmem>> -> memref<1x80xi32, #tpu.memory_space<vmem>>
      %dma_start3A_116 = tpu.memref_squeeze %dma_start3A_115 : memref<1x80xi32, #tpu.memory_space<vmem>> -> memref<80xi32, #tpu.memory_space<vmem>>
      %dma_start3A_117 = arith.constant 0 : i32
      %dma_start3A_118 = arith.constant 0 : i32
      %dma_start3A_119 = tpu.memref_slice %arg14[%dma_start3A_117, %dma_start3A_118] : memref<10240x64xf32, #tpu.memory_space<vmem_shared>> -> memref<10240x64xf32, #tpu.memory_space<vmem_shared>>
      tpu.enqueue_indirect_dma source(%arg13 : memref<80x64xf32, #tpu.memory_space<vmem>>) target(%dma_start3A_119 : memref<10240x64xf32, #tpu.memory_space<vmem_shared>>) offsets(%dma_start3A_116 : memref<80xi32, #tpu.memory_space<vmem>>) semaphore(%arg25 : memref<!tpu.dma_semaphore, #tpu.memory_space<semaphore_mem>>) {add = true}
      %dma_wait3A_120 = arith.constant 0 : i32
      %dma_wait3A_121 = tpu.memref_slice %arg8[%add3A_57, %dma_wait3A_120] : memref<125x80xi32, #tpu.memory_space<vmem>> -> memref<1x80xi32, #tpu.memory_space<vmem>>
      %dma_wait3A_122 = tpu.memref_squeeze %dma_wait3A_121 : memref<1x80xi32, #tpu.memory_space<vmem>> -> memref<80xi32, #tpu.memory_space<vmem>>
      %dma_wait3A_123 = arith.constant 0 : i32
      %dma_wait3A_124 = arith.constant 0 : i32
      %dma_wait3A_125 = tpu.memref_slice %arg14[%dma_wait3A_123, %dma_wait3A_124] : memref<10240x64xf32, #tpu.memory_space<vmem_shared>> -> memref<10240x64xf32, #tpu.memory_space<vmem_shared>>
      tpu.wait_indirect_dma semaphore(%arg21 : memref<!tpu.dma_semaphore, #tpu.memory_space<semaphore_mem>>) src(%arg9 : memref<80x64xf32, #tpu.memory_space<vmem>>) dst(%dma_wait3A_125 : memref<10240x64xf32, #tpu.memory_space<vmem_shared>>)
      %dma_wait3A_126 = arith.constant 0 : i32
      %dma_wait3A_127 = tpu.memref_slice %arg8[%add3A_71, %dma_wait3A_126] : memref<125x80xi32, #tpu.memory_space<vmem>> -> memref<1x80xi32, #tpu.memory_space<vmem>>
      %dma_wait3A_128 = tpu.memref_squeeze %dma_wait3A_127 : memref<1x80xi32, #tpu.memory_space<vmem>> -> memref<80xi32, #tpu.memory_space<vmem>>
      %dma_wait3A_129 = arith.constant 0 : i32
      %dma_wait3A_130 = arith.constant 0 : i32
      %dma_wait3A_131 = tpu.memref_slice %arg14[%dma_wait3A_129, %dma_wait3A_130] : memref<10240x64xf32, #tpu.memory_space<vmem_shared>> -> memref<10240x64xf32, #tpu.memory_space<vmem_shared>>
      tpu.wait_indirect_dma semaphore(%arg22 : memref<!tpu.dma_semaphore, #tpu.memory_space<semaphore_mem>>) src(%arg10 : memref<80x64xf32, #tpu.memory_space<vmem>>) dst(%dma_wait3A_131 : memref<10240x64xf32, #tpu.memory_space<vmem_shared>>)
      %dma_wait3A_132 = arith.constant 0 : i32
      %dma_wait3A_133 = tpu.memref_slice %arg8[%add3A_85, %dma_wait3A_132] : memref<125x80xi32, #tpu.memory_space<vmem>> -> memref<1x80xi32, #tpu.memory_space<vmem>>
      %dma_wait3A_134 = tpu.memref_squeeze %dma_wait3A_133 : memref<1x80xi32, #tpu.memory_space<vmem>> -> memref<80xi32, #tpu.memory_space<vmem>>
      %dma_wait3A_135 = arith.constant 0 : i32
      %dma_wait3A_136 = arith.constant 0 : i32
      %dma_wait3A_137 = tpu.memref_slice %arg14[%dma_wait3A_135, %dma_wait3A_136] : memref<10240x64xf32, #tpu.memory_space<vmem_shared>> -> memref<10240x64xf32, #tpu.memory_space<vmem_shared>>
      tpu.wait_indirect_dma semaphore(%arg23 : memref<!tpu.dma_semaphore, #tpu.memory_space<semaphore_mem>>) src(%arg11 : memref<80x64xf32, #tpu.memory_space<vmem>>) dst(%dma_wait3A_137 : memref<10240x64xf32, #tpu.memory_space<vmem_shared>>)
      %dma_wait3A_138 = arith.constant 0 : i32
      %dma_wait3A_139 = tpu.memref_slice %arg8[%add3A_99, %dma_wait3A_138] : memref<125x80xi32, #tpu.memory_space<vmem>> -> memref<1x80xi32, #tpu.memory_space<vmem>>
      %dma_wait3A_140 = tpu.memref_squeeze %dma_wait3A_139 : memref<1x80xi32, #tpu.memory_space<vmem>> -> memref<80xi32, #tpu.memory_space<vmem>>
      %dma_wait3A_141 = arith.constant 0 : i32
      %dma_wait3A_142 = arith.constant 0 : i32
      %dma_wait3A_143 = tpu.memref_slice %arg14[%dma_wait3A_141, %dma_wait3A_142] : memref<10240x64xf32, #tpu.memory_space<vmem_shared>> -> memref<10240x64xf32, #tpu.memory_space<vmem_shared>>
      tpu.wait_indirect_dma semaphore(%arg24 : memref<!tpu.dma_semaphore, #tpu.memory_space<semaphore_mem>>) src(%arg12 : memref<80x64xf32, #tpu.memory_space<vmem>>) dst(%dma_wait3A_143 : memref<10240x64xf32, #tpu.memory_space<vmem_shared>>)
      %dma_wait3A_144 = arith.constant 0 : i32
      %dma_wait3A_145 = tpu.memref_slice %arg8[%add3A_113, %dma_wait3A_144] : memref<125x80xi32, #tpu.memory_space<vmem>> -> memref<1x80xi32, #tpu.memory_space<vmem>>
      %dma_wait3A_146 = tpu.memref_squeeze %dma_wait3A_145 : memref<1x80xi32, #tpu.memory_space<vmem>> -> memref<80xi32, #tpu.memory_space<vmem>>
      %dma_wait3A_147 = arith.constant 0 : i32
      %dma_wait3A_148 = arith.constant 0 : i32
      %dma_wait3A_149 = tpu.memref_slice %arg14[%dma_wait3A_147, %dma_wait3A_148] : memref<10240x64xf32, #tpu.memory_space<vmem_shared>> -> memref<10240x64xf32, #tpu.memory_space<vmem_shared>>
      tpu.wait_indirect_dma semaphore(%arg25 : memref<!tpu.dma_semaphore, #tpu.memory_space<semaphore_mem>>) src(%arg13 : memref<80x64xf32, #tpu.memory_space<vmem>>) dst(%dma_wait3A_149 : memref<10240x64xf32, #tpu.memory_space<vmem_shared>>)
    }
    %scan3A_7 = arith.constant 25 : i32
    %barrier3A_8 = arith.constant 0 : index
    tpu.barrier barrier_id(%barrier3A_8)
    "tpu.region"() ({
      %run_scoped3A = tpu.sem_alloc : memref<!tpu.dma_semaphore, #tpu.memory_space<semaphore_mem>>
      %dma_start3A = arith.constant 0 : i32
      %dma_start3A_9 = tpu.memref_slice %arg6[%arg0, %mul3A_2, %dma_start3A] : memref<2x10240x64xf32, #tpu.memory_space<hbm>> -> memref<1x640x64xf32, #tpu.memory_space<hbm>>
      %dma_start3A_10 = tpu.memref_squeeze %dma_start3A_9 : memref<1x640x64xf32, #tpu.memory_space<hbm>> -> memref<640x64xf32, #tpu.memory_space<hbm>>
      %dma_start3A_11 = arith.constant 0 : i32
      %dma_start3A_12 = tpu.memref_slice %arg14[%mul3A_2, %dma_start3A_11] : memref<10240x64xf32, #tpu.memory_space<vmem_shared>> -> memref<640x64xf32, #tpu.memory_space<vmem_shared>>
      tpu.enqueue_dma source(%dma_start3A_12 : memref<640x64xf32, #tpu.memory_space<vmem_shared>>) target(%dma_start3A_10 : memref<640x64xf32, #tpu.memory_space<hbm>>) target_semaphore(%run_scoped3A : memref<!tpu.dma_semaphore, #tpu.memory_space<semaphore_mem>>)
      %dma_wait3A = arith.constant 0 : i32
      %dma_wait3A_13 = tpu.memref_slice %arg6[%arg0, %mul3A_2, %dma_wait3A] : memref<2x10240x64xf32, #tpu.memory_space<hbm>> -> memref<1x640x64xf32, #tpu.memory_space<hbm>>
      %dma_wait3A_14 = tpu.memref_squeeze %dma_wait3A_13 : memref<1x640x64xf32, #tpu.memory_space<hbm>> -> memref<640x64xf32, #tpu.memory_space<hbm>>
      %dma_wait3A_15 = arith.constant 0 : i32
      %dma_wait3A_16 = tpu.memref_slice %arg14[%mul3A_2, %dma_wait3A_15] : memref<10240x64xf32, #tpu.memory_space<vmem_shared>> -> memref<640x64xf32, #tpu.memory_space<vmem_shared>>
      tpu.wait_dma2 semaphore(%run_scoped3A : memref<!tpu.dma_semaphore, #tpu.memory_space<semaphore_mem>>) src(%dma_wait3A_16 : memref<640x64xf32, #tpu.memory_space<vmem_shared>>) dst(%dma_wait3A_14 : memref<640x64xf32, #tpu.memory_space<hbm>>)
      tpu.yield
    }) : () -> ()
    return
  }
}

#map = affine_map<(d0, d1) -> (0, 0, 0)>
#map1 = affine_map<(d0, d1) -> (0, 0)>
module attributes {stable_mosaic.version = 14 : i64} {
  func.func @body(%arg0: i32, %arg1: i32, %arg2: memref<32x125x80xi32, #tpu.memory_space<hbm>>, %arg3: memref<10240x16xf32, #tpu.memory_space<hbm>>, %arg4: memref<80x16xf32, #tpu.memory_space<hbm>>, %arg5: memref<2x10240x16xf32, #tpu.memory_space<hbm>>, %arg6: memref<125x80xi32, #tpu.memory_space<vmem>>, %arg7: memref<80x16xf32, #tpu.memory_space<vmem>>, %arg8: memref<10240x16xf32, #tpu.memory_space<vmem_shared>>, %arg9: memref<!tpu.dma_semaphore, #tpu.memory_space<semaphore_mem>>, %arg10: memref<!tpu.dma_semaphore, #tpu.memory_space<semaphore_mem>>, %arg11: memref<!tpu.dma_semaphore, #tpu.memory_space<semaphore_mem>>, %arg12: memref<!tpu.dma_semaphore, #tpu.memory_space<semaphore_mem>>, %arg13: memref<!tpu.dma_semaphore, #tpu.memory_space<semaphore_mem>>) attributes {dimension_semantics = [#tpu.dimension_semantics<core_parallel>, #tpu.dimension_semantics<subcore_parallel>], iteration_bounds = array<i64: 2, 16>, scalar_prefetch = 0 : i64, scratch_operands = 8 : i64, tpu.core_type = #tpu.core_type<sc_vector_subcore>, window_params = [{transform_indices = #map}, {transform_indices = #map1}, {transform_indices = #map1}, {transform_indices = #map}]} {
    %mul3A = arith.constant 16 : i32
    %mul3A_0 = arith.muli %arg0, %mul3A : i32
    %add3A = arith.addi %mul3A_0, %arg1 : i32
    "tpu.region"() ({
      %run_scoped3A = tpu.sem_alloc : memref<!tpu.dma_semaphore, #tpu.memory_space<semaphore_mem>>
      %dma_start3A = arith.constant 0 : i32
      %dma_start3A_9 = arith.constant 0 : i32
      %dma_start3A_10 = tpu.memref_slice %arg2[%add3A, %dma_start3A, %dma_start3A_9] : memref<32x125x80xi32, #tpu.memory_space<hbm>> -> memref<1x125x80xi32, #tpu.memory_space<hbm>>
      %dma_start3A_11 = tpu.memref_squeeze %dma_start3A_10 : memref<1x125x80xi32, #tpu.memory_space<hbm>> -> memref<125x80xi32, #tpu.memory_space<hbm>>
      %dma_start3A_12 = arith.constant 0 : i32
      %dma_start3A_13 = arith.constant 0 : i32
      %dma_start3A_14 = tpu.memref_slice %arg2[%add3A, %dma_start3A_12, %dma_start3A_13] : memref<32x125x80xi32, #tpu.memory_space<hbm>> -> memref<1x125x80xi32, #tpu.memory_space<hbm>>
      %dma_start3A_15 = tpu.memref_squeeze %dma_start3A_14 : memref<1x125x80xi32, #tpu.memory_space<hbm>> -> memref<125x80xi32, #tpu.memory_space<hbm>>
      tpu.enqueue_dma source(%dma_start3A_15 : memref<125x80xi32, #tpu.memory_space<hbm>>) target(%arg6 : memref<125x80xi32, #tpu.memory_space<vmem>>) target_semaphore(%run_scoped3A : memref<!tpu.dma_semaphore, #tpu.memory_space<semaphore_mem>>)
      %dma_wait3A = arith.constant 0 : i32
      %dma_wait3A_16 = arith.constant 0 : i32
      %dma_wait3A_17 = tpu.memref_slice %arg2[%add3A, %dma_wait3A, %dma_wait3A_16] : memref<32x125x80xi32, #tpu.memory_space<hbm>> -> memref<1x125x80xi32, #tpu.memory_space<hbm>>
      %dma_wait3A_18 = tpu.memref_squeeze %dma_wait3A_17 : memref<1x125x80xi32, #tpu.memory_space<hbm>> -> memref<125x80xi32, #tpu.memory_space<hbm>>
      %dma_wait3A_19 = arith.constant 0 : i32
      %dma_wait3A_20 = arith.constant 0 : i32
      %dma_wait3A_21 = tpu.memref_slice %arg2[%add3A, %dma_wait3A_19, %dma_wait3A_20] : memref<32x125x80xi32, #tpu.memory_space<hbm>> -> memref<1x125x80xi32, #tpu.memory_space<hbm>>
      %dma_wait3A_22 = tpu.memref_squeeze %dma_wait3A_21 : memref<1x125x80xi32, #tpu.memory_space<hbm>> -> memref<125x80xi32, #tpu.memory_space<hbm>>
      tpu.wait_dma2 semaphore(%run_scoped3A : memref<!tpu.dma_semaphore, #tpu.memory_space<semaphore_mem>>) src(%dma_wait3A_22 : memref<125x80xi32, #tpu.memory_space<hbm>>) dst(%arg6 : memref<125x80xi32, #tpu.memory_space<vmem>>)
      tpu.yield
    }) : () -> ()
    %mul3A_1 = arith.constant 640 : i32
    %mul3A_2 = arith.muli %arg1, %mul3A_1 : i32
    "tpu.region"() ({
      %run_scoped3A = tpu.sem_alloc : memref<!tpu.dma_semaphore, #tpu.memory_space<semaphore_mem>>
      %dma_start3A = arith.constant 0 : i32
      %dma_start3A_9 = tpu.memref_slice %arg8[%mul3A_2, %dma_start3A] : memref<10240x16xf32, #tpu.memory_space<vmem_shared>> -> memref<640x16xf32, #tpu.memory_space<vmem_shared>>
      %dma_start3A_10 = arith.constant 0 : i32
      %dma_start3A_11 = tpu.memref_slice %arg3[%mul3A_2, %dma_start3A_10] : memref<10240x16xf32, #tpu.memory_space<hbm>> -> memref<640x16xf32, #tpu.memory_space<hbm>>
      tpu.enqueue_dma source(%dma_start3A_11 : memref<640x16xf32, #tpu.memory_space<hbm>>) target(%dma_start3A_9 : memref<640x16xf32, #tpu.memory_space<vmem_shared>>) target_semaphore(%run_scoped3A : memref<!tpu.dma_semaphore, #tpu.memory_space<semaphore_mem>>)
      %dma_wait3A = arith.constant 0 : i32
      %dma_wait3A_12 = tpu.memref_slice %arg8[%mul3A_2, %dma_wait3A] : memref<10240x16xf32, #tpu.memory_space<vmem_shared>> -> memref<640x16xf32, #tpu.memory_space<vmem_shared>>
      %dma_wait3A_13 = arith.constant 0 : i32
      %dma_wait3A_14 = tpu.memref_slice %arg3[%mul3A_2, %dma_wait3A_13] : memref<10240x16xf32, #tpu.memory_space<hbm>> -> memref<640x16xf32, #tpu.memory_space<hbm>>
      tpu.wait_dma2 semaphore(%run_scoped3A : memref<!tpu.dma_semaphore, #tpu.memory_space<semaphore_mem>>) src(%dma_wait3A_14 : memref<640x16xf32, #tpu.memory_space<hbm>>) dst(%dma_wait3A_12 : memref<640x16xf32, #tpu.memory_space<vmem_shared>>)
      tpu.yield
    }) : () -> ()
    "tpu.region"() ({
      %run_scoped3A = tpu.sem_alloc : memref<!tpu.dma_semaphore, #tpu.memory_space<semaphore_mem>>
      tpu.enqueue_dma source(%arg4 : memref<80x16xf32, #tpu.memory_space<hbm>>) target(%arg7 : memref<80x16xf32, #tpu.memory_space<vmem>>) target_semaphore(%run_scoped3A : memref<!tpu.dma_semaphore, #tpu.memory_space<semaphore_mem>>)
      tpu.wait_dma2 semaphore(%run_scoped3A : memref<!tpu.dma_semaphore, #tpu.memory_space<semaphore_mem>>) src(%arg4 : memref<80x16xf32, #tpu.memory_space<hbm>>) dst(%arg7 : memref<80x16xf32, #tpu.memory_space<vmem>>)
      tpu.yield
    }) : () -> ()
    %barrier3A = arith.constant 0 : index
    tpu.barrier barrier_id(%barrier3A)
    %scan3A = arith.constant 0 : i32
    %scan3A_3 = arith.constant 0 : i32
    %scan3A_4 = arith.constant 25 : i32
    %scan3A_5 = arith.addi %scan3A_3, %scan3A_4 : i32
    %scan3A_6 = arith.constant 1 : i32
    scf.for %scan3A_9 = %scan3A_3 to %scan3A_5 step %scan3A_6  : i32 {
      %mul3A_10 = arith.constant 5 : i32
      %mul3A_11 = arith.muli %scan3A_9, %mul3A_10 : i32
      %add3A_12 = arith.constant 0 : i32
      %add3A_13 = arith.addi %mul3A_11, %add3A_12 : i32
      %dma_start3A = arith.constant 0 : i32
      %dma_start3A_14 = tpu.memref_slice %arg6[%add3A_13, %dma_start3A] : memref<125x80xi32, #tpu.memory_space<vmem>> -> memref<1x80xi32, #tpu.memory_space<vmem>>
      %dma_start3A_15 = tpu.memref_squeeze %dma_start3A_14 : memref<1x80xi32, #tpu.memory_space<vmem>> -> memref<80xi32, #tpu.memory_space<vmem>>
      %dma_start3A_16 = arith.constant 0 : i32
      %dma_start3A_17 = arith.constant 0 : i32
      %dma_start3A_18 = tpu.memref_slice %arg8[%dma_start3A_16, %dma_start3A_17] : memref<10240x16xf32, #tpu.memory_space<vmem_shared>> -> memref<10240x16xf32, #tpu.memory_space<vmem_shared>>
      tpu.enqueue_indirect_dma source(%arg7 : memref<80x16xf32, #tpu.memory_space<vmem>>) target(%dma_start3A_18 : memref<10240x16xf32, #tpu.memory_space<vmem_shared>>) offsets(%dma_start3A_15 : memref<80xi32, #tpu.memory_space<vmem>>) semaphore(%arg9 : memref<!tpu.dma_semaphore, #tpu.memory_space<semaphore_mem>>) {add = true}
      %add3A_19 = arith.constant 1 : i32
      %add3A_20 = arith.addi %mul3A_11, %add3A_19 : i32
      %dma_start3A_21 = arith.constant 0 : i32
      %dma_start3A_22 = tpu.memref_slice %arg6[%add3A_20, %dma_start3A_21] : memref<125x80xi32, #tpu.memory_space<vmem>> -> memref<1x80xi32, #tpu.memory_space<vmem>>
      %dma_start3A_23 = tpu.memref_squeeze %dma_start3A_22 : memref<1x80xi32, #tpu.memory_space<vmem>> -> memref<80xi32, #tpu.memory_space<vmem>>
      %dma_start3A_24 = arith.constant 0 : i32
      %dma_start3A_25 = arith.constant 0 : i32
      %dma_start3A_26 = tpu.memref_slice %arg8[%dma_start3A_24, %dma_start3A_25] : memref<10240x16xf32, #tpu.memory_space<vmem_shared>> -> memref<10240x16xf32, #tpu.memory_space<vmem_shared>>
      tpu.enqueue_indirect_dma source(%arg7 : memref<80x16xf32, #tpu.memory_space<vmem>>) target(%dma_start3A_26 : memref<10240x16xf32, #tpu.memory_space<vmem_shared>>) offsets(%dma_start3A_23 : memref<80xi32, #tpu.memory_space<vmem>>) semaphore(%arg10 : memref<!tpu.dma_semaphore, #tpu.memory_space<semaphore_mem>>) {add = true}
      %add3A_27 = arith.constant 2 : i32
      %add3A_28 = arith.addi %mul3A_11, %add3A_27 : i32
      %dma_start3A_29 = arith.constant 0 : i32
      %dma_start3A_30 = tpu.memref_slice %arg6[%add3A_28, %dma_start3A_29] : memref<125x80xi32, #tpu.memory_space<vmem>> -> memref<1x80xi32, #tpu.memory_space<vmem>>
      %dma_start3A_31 = tpu.memref_squeeze %dma_start3A_30 : memref<1x80xi32, #tpu.memory_space<vmem>> -> memref<80xi32, #tpu.memory_space<vmem>>
      %dma_start3A_32 = arith.constant 0 : i32
      %dma_start3A_33 = arith.constant 0 : i32
      %dma_start3A_34 = tpu.memref_slice %arg8[%dma_start3A_32, %dma_start3A_33] : memref<10240x16xf32, #tpu.memory_space<vmem_shared>> -> memref<10240x16xf32, #tpu.memory_space<vmem_shared>>
      tpu.enqueue_indirect_dma source(%arg7 : memref<80x16xf32, #tpu.memory_space<vmem>>) target(%dma_start3A_34 : memref<10240x16xf32, #tpu.memory_space<vmem_shared>>) offsets(%dma_start3A_31 : memref<80xi32, #tpu.memory_space<vmem>>) semaphore(%arg11 : memref<!tpu.dma_semaphore, #tpu.memory_space<semaphore_mem>>) {add = true}
      %add3A_35 = arith.constant 3 : i32
      %add3A_36 = arith.addi %mul3A_11, %add3A_35 : i32
      %dma_start3A_37 = arith.constant 0 : i32
      %dma_start3A_38 = tpu.memref_slice %arg6[%add3A_36, %dma_start3A_37] : memref<125x80xi32, #tpu.memory_space<vmem>> -> memref<1x80xi32, #tpu.memory_space<vmem>>
      %dma_start3A_39 = tpu.memref_squeeze %dma_start3A_38 : memref<1x80xi32, #tpu.memory_space<vmem>> -> memref<80xi32, #tpu.memory_space<vmem>>
      %dma_start3A_40 = arith.constant 0 : i32
      %dma_start3A_41 = arith.constant 0 : i32
      %dma_start3A_42 = tpu.memref_slice %arg8[%dma_start3A_40, %dma_start3A_41] : memref<10240x16xf32, #tpu.memory_space<vmem_shared>> -> memref<10240x16xf32, #tpu.memory_space<vmem_shared>>
      tpu.enqueue_indirect_dma source(%arg7 : memref<80x16xf32, #tpu.memory_space<vmem>>) target(%dma_start3A_42 : memref<10240x16xf32, #tpu.memory_space<vmem_shared>>) offsets(%dma_start3A_39 : memref<80xi32, #tpu.memory_space<vmem>>) semaphore(%arg12 : memref<!tpu.dma_semaphore, #tpu.memory_space<semaphore_mem>>) {add = true}
      %add3A_43 = arith.constant 4 : i32
      %add3A_44 = arith.addi %mul3A_11, %add3A_43 : i32
      %dma_start3A_45 = arith.constant 0 : i32
      %dma_start3A_46 = tpu.memref_slice %arg6[%add3A_44, %dma_start3A_45] : memref<125x80xi32, #tpu.memory_space<vmem>> -> memref<1x80xi32, #tpu.memory_space<vmem>>
      %dma_start3A_47 = tpu.memref_squeeze %dma_start3A_46 : memref<1x80xi32, #tpu.memory_space<vmem>> -> memref<80xi32, #tpu.memory_space<vmem>>
      %dma_start3A_48 = arith.constant 0 : i32
      %dma_start3A_49 = arith.constant 0 : i32
      %dma_start3A_50 = tpu.memref_slice %arg8[%dma_start3A_48, %dma_start3A_49] : memref<10240x16xf32, #tpu.memory_space<vmem_shared>> -> memref<10240x16xf32, #tpu.memory_space<vmem_shared>>
      tpu.enqueue_indirect_dma source(%arg7 : memref<80x16xf32, #tpu.memory_space<vmem>>) target(%dma_start3A_50 : memref<10240x16xf32, #tpu.memory_space<vmem_shared>>) offsets(%dma_start3A_47 : memref<80xi32, #tpu.memory_space<vmem>>) semaphore(%arg13 : memref<!tpu.dma_semaphore, #tpu.memory_space<semaphore_mem>>) {add = true}
      %dma_wait3A = arith.constant 0 : i32
      %dma_wait3A_51 = tpu.memref_slice %arg6[%add3A_13, %dma_wait3A] : memref<125x80xi32, #tpu.memory_space<vmem>> -> memref<1x80xi32, #tpu.memory_space<vmem>>
      %dma_wait3A_52 = tpu.memref_squeeze %dma_wait3A_51 : memref<1x80xi32, #tpu.memory_space<vmem>> -> memref<80xi32, #tpu.memory_space<vmem>>
      %dma_wait3A_53 = arith.constant 0 : i32
      %dma_wait3A_54 = arith.constant 0 : i32
      %dma_wait3A_55 = tpu.memref_slice %arg8[%dma_wait3A_53, %dma_wait3A_54] : memref<10240x16xf32, #tpu.memory_space<vmem_shared>> -> memref<10240x16xf32, #tpu.memory_space<vmem_shared>>
      tpu.wait_indirect_dma semaphore(%arg9 : memref<!tpu.dma_semaphore, #tpu.memory_space<semaphore_mem>>) src(%arg7 : memref<80x16xf32, #tpu.memory_space<vmem>>) dst(%dma_wait3A_55 : memref<10240x16xf32, #tpu.memory_space<vmem_shared>>)
      %dma_wait3A_56 = arith.constant 0 : i32
      %dma_wait3A_57 = tpu.memref_slice %arg6[%add3A_20, %dma_wait3A_56] : memref<125x80xi32, #tpu.memory_space<vmem>> -> memref<1x80xi32, #tpu.memory_space<vmem>>
      %dma_wait3A_58 = tpu.memref_squeeze %dma_wait3A_57 : memref<1x80xi32, #tpu.memory_space<vmem>> -> memref<80xi32, #tpu.memory_space<vmem>>
      %dma_wait3A_59 = arith.constant 0 : i32
      %dma_wait3A_60 = arith.constant 0 : i32
      %dma_wait3A_61 = tpu.memref_slice %arg8[%dma_wait3A_59, %dma_wait3A_60] : memref<10240x16xf32, #tpu.memory_space<vmem_shared>> -> memref<10240x16xf32, #tpu.memory_space<vmem_shared>>
      tpu.wait_indirect_dma semaphore(%arg10 : memref<!tpu.dma_semaphore, #tpu.memory_space<semaphore_mem>>) src(%arg7 : memref<80x16xf32, #tpu.memory_space<vmem>>) dst(%dma_wait3A_61 : memref<10240x16xf32, #tpu.memory_space<vmem_shared>>)
      %dma_wait3A_62 = arith.constant 0 : i32
      %dma_wait3A_63 = tpu.memref_slice %arg6[%add3A_28, %dma_wait3A_62] : memref<125x80xi32, #tpu.memory_space<vmem>> -> memref<1x80xi32, #tpu.memory_space<vmem>>
      %dma_wait3A_64 = tpu.memref_squeeze %dma_wait3A_63 : memref<1x80xi32, #tpu.memory_space<vmem>> -> memref<80xi32, #tpu.memory_space<vmem>>
      %dma_wait3A_65 = arith.constant 0 : i32
      %dma_wait3A_66 = arith.constant 0 : i32
      %dma_wait3A_67 = tpu.memref_slice %arg8[%dma_wait3A_65, %dma_wait3A_66] : memref<10240x16xf32, #tpu.memory_space<vmem_shared>> -> memref<10240x16xf32, #tpu.memory_space<vmem_shared>>
      tpu.wait_indirect_dma semaphore(%arg11 : memref<!tpu.dma_semaphore, #tpu.memory_space<semaphore_mem>>) src(%arg7 : memref<80x16xf32, #tpu.memory_space<vmem>>) dst(%dma_wait3A_67 : memref<10240x16xf32, #tpu.memory_space<vmem_shared>>)
      %dma_wait3A_68 = arith.constant 0 : i32
      %dma_wait3A_69 = tpu.memref_slice %arg6[%add3A_36, %dma_wait3A_68] : memref<125x80xi32, #tpu.memory_space<vmem>> -> memref<1x80xi32, #tpu.memory_space<vmem>>
      %dma_wait3A_70 = tpu.memref_squeeze %dma_wait3A_69 : memref<1x80xi32, #tpu.memory_space<vmem>> -> memref<80xi32, #tpu.memory_space<vmem>>
      %dma_wait3A_71 = arith.constant 0 : i32
      %dma_wait3A_72 = arith.constant 0 : i32
      %dma_wait3A_73 = tpu.memref_slice %arg8[%dma_wait3A_71, %dma_wait3A_72] : memref<10240x16xf32, #tpu.memory_space<vmem_shared>> -> memref<10240x16xf32, #tpu.memory_space<vmem_shared>>
      tpu.wait_indirect_dma semaphore(%arg12 : memref<!tpu.dma_semaphore, #tpu.memory_space<semaphore_mem>>) src(%arg7 : memref<80x16xf32, #tpu.memory_space<vmem>>) dst(%dma_wait3A_73 : memref<10240x16xf32, #tpu.memory_space<vmem_shared>>)
      %dma_wait3A_74 = arith.constant 0 : i32
      %dma_wait3A_75 = tpu.memref_slice %arg6[%add3A_44, %dma_wait3A_74] : memref<125x80xi32, #tpu.memory_space<vmem>> -> memref<1x80xi32, #tpu.memory_space<vmem>>
      %dma_wait3A_76 = tpu.memref_squeeze %dma_wait3A_75 : memref<1x80xi32, #tpu.memory_space<vmem>> -> memref<80xi32, #tpu.memory_space<vmem>>
      %dma_wait3A_77 = arith.constant 0 : i32
      %dma_wait3A_78 = arith.constant 0 : i32
      %dma_wait3A_79 = tpu.memref_slice %arg8[%dma_wait3A_77, %dma_wait3A_78] : memref<10240x16xf32, #tpu.memory_space<vmem_shared>> -> memref<10240x16xf32, #tpu.memory_space<vmem_shared>>
      tpu.wait_indirect_dma semaphore(%arg13 : memref<!tpu.dma_semaphore, #tpu.memory_space<semaphore_mem>>) src(%arg7 : memref<80x16xf32, #tpu.memory_space<vmem>>) dst(%dma_wait3A_79 : memref<10240x16xf32, #tpu.memory_space<vmem_shared>>)
    }
    %scan3A_7 = arith.constant 25 : i32
    %barrier3A_8 = arith.constant 0 : index
    tpu.barrier barrier_id(%barrier3A_8)
    "tpu.region"() ({
      %run_scoped3A = tpu.sem_alloc : memref<!tpu.dma_semaphore, #tpu.memory_space<semaphore_mem>>
      %dma_start3A = arith.constant 0 : i32
      %dma_start3A_9 = tpu.memref_slice %arg5[%arg0, %mul3A_2, %dma_start3A] : memref<2x10240x16xf32, #tpu.memory_space<hbm>> -> memref<1x640x16xf32, #tpu.memory_space<hbm>>
      %dma_start3A_10 = tpu.memref_squeeze %dma_start3A_9 : memref<1x640x16xf32, #tpu.memory_space<hbm>> -> memref<640x16xf32, #tpu.memory_space<hbm>>
      %dma_start3A_11 = arith.constant 0 : i32
      %dma_start3A_12 = tpu.memref_slice %arg8[%mul3A_2, %dma_start3A_11] : memref<10240x16xf32, #tpu.memory_space<vmem_shared>> -> memref<640x16xf32, #tpu.memory_space<vmem_shared>>
      tpu.enqueue_dma source(%dma_start3A_12 : memref<640x16xf32, #tpu.memory_space<vmem_shared>>) target(%dma_start3A_10 : memref<640x16xf32, #tpu.memory_space<hbm>>) target_semaphore(%run_scoped3A : memref<!tpu.dma_semaphore, #tpu.memory_space<semaphore_mem>>)
      %dma_wait3A = arith.constant 0 : i32
      %dma_wait3A_13 = tpu.memref_slice %arg5[%arg0, %mul3A_2, %dma_wait3A] : memref<2x10240x16xf32, #tpu.memory_space<hbm>> -> memref<1x640x16xf32, #tpu.memory_space<hbm>>
      %dma_wait3A_14 = tpu.memref_squeeze %dma_wait3A_13 : memref<1x640x16xf32, #tpu.memory_space<hbm>> -> memref<640x16xf32, #tpu.memory_space<hbm>>
      %dma_wait3A_15 = arith.constant 0 : i32
      %dma_wait3A_16 = tpu.memref_slice %arg8[%mul3A_2, %dma_wait3A_15] : memref<10240x16xf32, #tpu.memory_space<vmem_shared>> -> memref<640x16xf32, #tpu.memory_space<vmem_shared>>
      tpu.wait_dma2 semaphore(%run_scoped3A : memref<!tpu.dma_semaphore, #tpu.memory_space<semaphore_mem>>) src(%dma_wait3A_16 : memref<640x16xf32, #tpu.memory_space<vmem_shared>>) dst(%dma_wait3A_14 : memref<640x16xf32, #tpu.memory_space<hbm>>)
      tpu.yield
    }) : () -> ()
    return
  }
}

#map = affine_map<(d0, d1) -> (0, 0)>
#map1 = affine_map<(d0, d1) -> (0, 0, 0)>
module attributes {stable_mosaic.version = 14 : i64} {
  func.func @body(%arg0: i32, %arg1: i32, %arg2: memref<10240x64xf32, #tpu.memory_space<hbm>>, %arg3: memref<32x125x80xi32, #tpu.memory_space<hbm>>, %arg4: memref<32x125x80xi32, #tpu.memory_space<hbm>>, %arg5: memref<10240x64xf32, #tpu.memory_space<hbm>>, %arg6: memref<2x10240x64xf32, #tpu.memory_space<hbm>>, %arg7: memref<125x80xi32, #tpu.memory_space<vmem>>, %arg8: memref<125x80xi32, #tpu.memory_space<vmem>>, %arg9: memref<80x64xf32, #tpu.memory_space<vmem>>, %arg10: memref<80x64xf32, #tpu.memory_space<vmem>>, %arg11: memref<80x64xf32, #tpu.memory_space<vmem>>, %arg12: memref<80x64xf32, #tpu.memory_space<vmem>>, %arg13: memref<80x64xf32, #tpu.memory_space<vmem>>, %arg14: memref<10240x64xf32, #tpu.memory_space<vmem_shared>>, %arg15: memref<10240x64xf32, #tpu.memory_space<vmem_shared>>, %arg16: memref<!tpu.dma_semaphore, #tpu.memory_space<semaphore_mem>>, %arg17: memref<!tpu.dma_semaphore, #tpu.memory_space<semaphore_mem>>, %arg18: memref<!tpu.dma_semaphore, #tpu.memory_space<semaphore_mem>>, %arg19: memref<!tpu.dma_semaphore, #tpu.memory_space<semaphore_mem>>, %arg20: memref<!tpu.dma_semaphore, #tpu.memory_space<semaphore_mem>>, %arg21: memref<!tpu.dma_semaphore, #tpu.memory_space<semaphore_mem>>, %arg22: memref<!tpu.dma_semaphore, #tpu.memory_space<semaphore_mem>>, %arg23: memref<!tpu.dma_semaphore, #tpu.memory_space<semaphore_mem>>, %arg24: memref<!tpu.dma_semaphore, #tpu.memory_space<semaphore_mem>>, %arg25: memref<!tpu.dma_semaphore, #tpu.memory_space<semaphore_mem>>) attributes {dimension_semantics = [#tpu.dimension_semantics<core_parallel>, #tpu.dimension_semantics<subcore_parallel>], iteration_bounds = array<i64: 2, 16>, scalar_prefetch = 0 : i64, scratch_operands = 19 : i64, tpu.core_type = #tpu.core_type<sc_vector_subcore>, window_params = [{transform_indices = #map}, {transform_indices = #map1}, {transform_indices = #map1}, {transform_indices = #map}, {transform_indices = #map1}]} {
    %mul3A = arith.constant 16 : i32
    %mul3A_0 = arith.muli %arg0, %mul3A : i32
    %add3A = arith.addi %mul3A_0, %arg1 : i32
    "tpu.region"() ({
      %run_scoped3A = tpu.sem_alloc : memref<!tpu.dma_semaphore, #tpu.memory_space<semaphore_mem>>
      %dma_start3A = arith.constant 0 : i32
      %dma_start3A_9 = arith.constant 0 : i32
      %dma_start3A_10 = tpu.memref_slice %arg3[%add3A, %dma_start3A, %dma_start3A_9] : memref<32x125x80xi32, #tpu.memory_space<hbm>> -> memref<1x125x80xi32, #tpu.memory_space<hbm>>
      %dma_start3A_11 = tpu.memref_squeeze %dma_start3A_10 : memref<1x125x80xi32, #tpu.memory_space<hbm>> -> memref<125x80xi32, #tpu.memory_space<hbm>>
      %dma_start3A_12 = arith.constant 0 : i32
      %dma_start3A_13 = arith.constant 0 : i32
      %dma_start3A_14 = tpu.memref_slice %arg3[%add3A, %dma_start3A_12, %dma_start3A_13] : memref<32x125x80xi32, #tpu.memory_space<hbm>> -> memref<1x125x80xi32, #tpu.memory_space<hbm>>
      %dma_start3A_15 = tpu.memref_squeeze %dma_start3A_14 : memref<1x125x80xi32, #tpu.memory_space<hbm>> -> memref<125x80xi32, #tpu.memory_space<hbm>>
      tpu.enqueue_dma source(%dma_start3A_15 : memref<125x80xi32, #tpu.memory_space<hbm>>) target(%arg7 : memref<125x80xi32, #tpu.memory_space<vmem>>) target_semaphore(%run_scoped3A : memref<!tpu.dma_semaphore, #tpu.memory_space<semaphore_mem>>)
      %dma_wait3A = arith.constant 0 : i32
      %dma_wait3A_16 = arith.constant 0 : i32
      %dma_wait3A_17 = tpu.memref_slice %arg3[%add3A, %dma_wait3A, %dma_wait3A_16] : memref<32x125x80xi32, #tpu.memory_space<hbm>> -> memref<1x125x80xi32, #tpu.memory_space<hbm>>
      %dma_wait3A_18 = tpu.memref_squeeze %dma_wait3A_17 : memref<1x125x80xi32, #tpu.memory_space<hbm>> -> memref<125x80xi32, #tpu.memory_space<hbm>>
      %dma_wait3A_19 = arith.constant 0 : i32
      %dma_wait3A_20 = arith.constant 0 : i32
      %dma_wait3A_21 = tpu.memref_slice %arg3[%add3A, %dma_wait3A_19, %dma_wait3A_20] : memref<32x125x80xi32, #tpu.memory_space<hbm>> -> memref<1x125x80xi32, #tpu.memory_space<hbm>>
      %dma_wait3A_22 = tpu.memref_squeeze %dma_wait3A_21 : memref<1x125x80xi32, #tpu.memory_space<hbm>> -> memref<125x80xi32, #tpu.memory_space<hbm>>
      tpu.wait_dma2 semaphore(%run_scoped3A : memref<!tpu.dma_semaphore, #tpu.memory_space<semaphore_mem>>) src(%dma_wait3A_22 : memref<125x80xi32, #tpu.memory_space<hbm>>) dst(%arg7 : memref<125x80xi32, #tpu.memory_space<vmem>>)
      tpu.yield
    }) : () -> ()
    "tpu.region"() ({
      %run_scoped3A = tpu.sem_alloc : memref<!tpu.dma_semaphore, #tpu.memory_space<semaphore_mem>>
      %dma_start3A = arith.constant 0 : i32
      %dma_start3A_9 = arith.constant 0 : i32
      %dma_start3A_10 = tpu.memref_slice %arg4[%add3A, %dma_start3A, %dma_start3A_9] : memref<32x125x80xi32, #tpu.memory_space<hbm>> -> memref<1x125x80xi32, #tpu.memory_space<hbm>>
      %dma_start3A_11 = tpu.memref_squeeze %dma_start3A_10 : memref<1x125x80xi32, #tpu.memory_space<hbm>> -> memref<125x80xi32, #tpu.memory_space<hbm>>
      %dma_start3A_12 = arith.constant 0 : i32
      %dma_start3A_13 = arith.constant 0 : i32
      %dma_start3A_14 = tpu.memref_slice %arg4[%add3A, %dma_start3A_12, %dma_start3A_13] : memref<32x125x80xi32, #tpu.memory_space<hbm>> -> memref<1x125x80xi32, #tpu.memory_space<hbm>>
      %dma_start3A_15 = tpu.memref_squeeze %dma_start3A_14 : memref<1x125x80xi32, #tpu.memory_space<hbm>> -> memref<125x80xi32, #tpu.memory_space<hbm>>
      tpu.enqueue_dma source(%dma_start3A_15 : memref<125x80xi32, #tpu.memory_space<hbm>>) target(%arg8 : memref<125x80xi32, #tpu.memory_space<vmem>>) target_semaphore(%run_scoped3A : memref<!tpu.dma_semaphore, #tpu.memory_space<semaphore_mem>>)
      %dma_wait3A = arith.constant 0 : i32
      %dma_wait3A_16 = arith.constant 0 : i32
      %dma_wait3A_17 = tpu.memref_slice %arg4[%add3A, %dma_wait3A, %dma_wait3A_16] : memref<32x125x80xi32, #tpu.memory_space<hbm>> -> memref<1x125x80xi32, #tpu.memory_space<hbm>>
      %dma_wait3A_18 = tpu.memref_squeeze %dma_wait3A_17 : memref<1x125x80xi32, #tpu.memory_space<hbm>> -> memref<125x80xi32, #tpu.memory_space<hbm>>
      %dma_wait3A_19 = arith.constant 0 : i32
      %dma_wait3A_20 = arith.constant 0 : i32
      %dma_wait3A_21 = tpu.memref_slice %arg4[%add3A, %dma_wait3A_19, %dma_wait3A_20] : memref<32x125x80xi32, #tpu.memory_space<hbm>> -> memref<1x125x80xi32, #tpu.memory_space<hbm>>
      %dma_wait3A_22 = tpu.memref_squeeze %dma_wait3A_21 : memref<1x125x80xi32, #tpu.memory_space<hbm>> -> memref<125x80xi32, #tpu.memory_space<hbm>>
      tpu.wait_dma2 semaphore(%run_scoped3A : memref<!tpu.dma_semaphore, #tpu.memory_space<semaphore_mem>>) src(%dma_wait3A_22 : memref<125x80xi32, #tpu.memory_space<hbm>>) dst(%arg8 : memref<125x80xi32, #tpu.memory_space<vmem>>)
      tpu.yield
    }) : () -> ()
    %mul3A_1 = arith.constant 640 : i32
    %mul3A_2 = arith.muli %arg1, %mul3A_1 : i32
    "tpu.region"() ({
      %run_scoped3A = tpu.sem_alloc : memref<!tpu.dma_semaphore, #tpu.memory_space<semaphore_mem>>
      %dma_start3A = arith.constant 0 : i32
      %dma_start3A_9 = tpu.memref_slice %arg15[%mul3A_2, %dma_start3A] : memref<10240x64xf32, #tpu.memory_space<vmem_shared>> -> memref<640x64xf32, #tpu.memory_space<vmem_shared>>
      %dma_start3A_10 = arith.constant 0 : i32
      %dma_start3A_11 = tpu.memref_slice %arg2[%mul3A_2, %dma_start3A_10] : memref<10240x64xf32, #tpu.memory_space<hbm>> -> memref<640x64xf32, #tpu.memory_space<hbm>>
      tpu.enqueue_dma source(%dma_start3A_11 : memref<640x64xf32, #tpu.memory_space<hbm>>) target(%dma_start3A_9 : memref<640x64xf32, #tpu.memory_space<vmem_shared>>) target_semaphore(%run_scoped3A : memref<!tpu.dma_semaphore, #tpu.memory_space<semaphore_mem>>)
      %dma_wait3A = arith.constant 0 : i32
      %dma_wait3A_12 = tpu.memref_slice %arg15[%mul3A_2, %dma_wait3A] : memref<10240x64xf32, #tpu.memory_space<vmem_shared>> -> memref<640x64xf32, #tpu.memory_space<vmem_shared>>
      %dma_wait3A_13 = arith.constant 0 : i32
      %dma_wait3A_14 = tpu.memref_slice %arg2[%mul3A_2, %dma_wait3A_13] : memref<10240x64xf32, #tpu.memory_space<hbm>> -> memref<640x64xf32, #tpu.memory_space<hbm>>
      tpu.wait_dma2 semaphore(%run_scoped3A : memref<!tpu.dma_semaphore, #tpu.memory_space<semaphore_mem>>) src(%dma_wait3A_14 : memref<640x64xf32, #tpu.memory_space<hbm>>) dst(%dma_wait3A_12 : memref<640x64xf32, #tpu.memory_space<vmem_shared>>)
      tpu.yield
    }) : () -> ()
    "tpu.region"() ({
      %run_scoped3A = tpu.sem_alloc : memref<!tpu.dma_semaphore, #tpu.memory_space<semaphore_mem>>
      %dma_start3A = arith.constant 0 : i32
      %dma_start3A_9 = tpu.memref_slice %arg14[%mul3A_2, %dma_start3A] : memref<10240x64xf32, #tpu.memory_space<vmem_shared>> -> memref<640x64xf32, #tpu.memory_space<vmem_shared>>
      %dma_start3A_10 = arith.constant 0 : i32
      %dma_start3A_11 = tpu.memref_slice %arg5[%mul3A_2, %dma_start3A_10] : memref<10240x64xf32, #tpu.memory_space<hbm>> -> memref<640x64xf32, #tpu.memory_space<hbm>>
      tpu.enqueue_dma source(%dma_start3A_11 : memref<640x64xf32, #tpu.memory_space<hbm>>) target(%dma_start3A_9 : memref<640x64xf32, #tpu.memory_space<vmem_shared>>) target_semaphore(%run_scoped3A : memref<!tpu.dma_semaphore, #tpu.memory_space<semaphore_mem>>)
      %dma_wait3A = arith.constant 0 : i32
      %dma_wait3A_12 = tpu.memref_slice %arg14[%mul3A_2, %dma_wait3A] : memref<10240x64xf32, #tpu.memory_space<vmem_shared>> -> memref<640x64xf32, #tpu.memory_space<vmem_shared>>
      %dma_wait3A_13 = arith.constant 0 : i32
      %dma_wait3A_14 = tpu.memref_slice %arg5[%mul3A_2, %dma_wait3A_13] : memref<10240x64xf32, #tpu.memory_space<hbm>> -> memref<640x64xf32, #tpu.memory_space<hbm>>
      tpu.wait_dma2 semaphore(%run_scoped3A : memref<!tpu.dma_semaphore, #tpu.memory_space<semaphore_mem>>) src(%dma_wait3A_14 : memref<640x64xf32, #tpu.memory_space<hbm>>) dst(%dma_wait3A_12 : memref<640x64xf32, #tpu.memory_space<vmem_shared>>)
      tpu.yield
    }) : () -> ()
    %barrier3A = arith.constant 0 : index
    tpu.barrier barrier_id(%barrier3A)
    %scan3A = arith.constant 0 : i32
    %scan3A_3 = arith.constant 0 : i32
    %scan3A_4 = arith.constant 25 : i32
    %scan3A_5 = arith.addi %scan3A_3, %scan3A_4 : i32
    %scan3A_6 = arith.constant 1 : i32
    scf.for %scan3A_9 = %scan3A_3 to %scan3A_5 step %scan3A_6  : i32 {
      %mul3A_10 = arith.constant 5 : i32
      %mul3A_11 = arith.muli %scan3A_9, %mul3A_10 : i32
      %add3A_12 = arith.constant 0 : i32
      %add3A_13 = arith.addi %mul3A_11, %add3A_12 : i32
      %dma_start3A = arith.constant 0 : i32
      %dma_start3A_14 = tpu.memref_slice %arg7[%add3A_13, %dma_start3A] : memref<125x80xi32, #tpu.memory_space<vmem>> -> memref<1x80xi32, #tpu.memory_space<vmem>>
      %dma_start3A_15 = tpu.memref_squeeze %dma_start3A_14 : memref<1x80xi32, #tpu.memory_space<vmem>> -> memref<80xi32, #tpu.memory_space<vmem>>
      %dma_start3A_16 = arith.constant 0 : i32
      %dma_start3A_17 = arith.constant 0 : i32
      %dma_start3A_18 = tpu.memref_slice %arg15[%dma_start3A_16, %dma_start3A_17] : memref<10240x64xf32, #tpu.memory_space<vmem_shared>> -> memref<10240x64xf32, #tpu.memory_space<vmem_shared>>
      tpu.enqueue_indirect_dma source(%dma_start3A_18 : memref<10240x64xf32, #tpu.memory_space<vmem_shared>>) target(%arg9 : memref<80x64xf32, #tpu.memory_space<vmem>>) offsets(%dma_start3A_15 : memref<80xi32, #tpu.memory_space<vmem>>) semaphore(%arg16 : memref<!tpu.dma_semaphore, #tpu.memory_space<semaphore_mem>>)
      %add3A_19 = arith.constant 1 : i32
      %add3A_20 = arith.addi %mul3A_11, %add3A_19 : i32
      %dma_start3A_21 = arith.constant 0 : i32
      %dma_start3A_22 = tpu.memref_slice %arg7[%add3A_20, %dma_start3A_21] : memref<125x80xi32, #tpu.memory_space<vmem>> -> memref<1x80xi32, #tpu.memory_space<vmem>>
      %dma_start3A_23 = tpu.memref_squeeze %dma_start3A_22 : memref<1x80xi32, #tpu.memory_space<vmem>> -> memref<80xi32, #tpu.memory_space<vmem>>
      %dma_start3A_24 = arith.constant 0 : i32
      %dma_start3A_25 = arith.constant 0 : i32
      %dma_start3A_26 = tpu.memref_slice %arg15[%dma_start3A_24, %dma_start3A_25] : memref<10240x64xf32, #tpu.memory_space<vmem_shared>> -> memref<10240x64xf32, #tpu.memory_space<vmem_shared>>
      tpu.enqueue_indirect_dma source(%dma_start3A_26 : memref<10240x64xf32, #tpu.memory_space<vmem_shared>>) target(%arg10 : memref<80x64xf32, #tpu.memory_space<vmem>>) offsets(%dma_start3A_23 : memref<80xi32, #tpu.memory_space<vmem>>) semaphore(%arg17 : memref<!tpu.dma_semaphore, #tpu.memory_space<semaphore_mem>>)
      %add3A_27 = arith.constant 2 : i32
      %add3A_28 = arith.addi %mul3A_11, %add3A_27 : i32
      %dma_start3A_29 = arith.constant 0 : i32
      %dma_start3A_30 = tpu.memref_slice %arg7[%add3A_28, %dma_start3A_29] : memref<125x80xi32, #tpu.memory_space<vmem>> -> memref<1x80xi32, #tpu.memory_space<vmem>>
      %dma_start3A_31 = tpu.memref_squeeze %dma_start3A_30 : memref<1x80xi32, #tpu.memory_space<vmem>> -> memref<80xi32, #tpu.memory_space<vmem>>
      %dma_start3A_32 = arith.constant 0 : i32
      %dma_start3A_33 = arith.constant 0 : i32
      %dma_start3A_34 = tpu.memref_slice %arg15[%dma_start3A_32, %dma_start3A_33] : memref<10240x64xf32, #tpu.memory_space<vmem_shared>> -> memref<10240x64xf32, #tpu.memory_space<vmem_shared>>
      tpu.enqueue_indirect_dma source(%dma_start3A_34 : memref<10240x64xf32, #tpu.memory_space<vmem_shared>>) target(%arg11 : memref<80x64xf32, #tpu.memory_space<vmem>>) offsets(%dma_start3A_31 : memref<80xi32, #tpu.memory_space<vmem>>) semaphore(%arg18 : memref<!tpu.dma_semaphore, #tpu.memory_space<semaphore_mem>>)
      %add3A_35 = arith.constant 3 : i32
      %add3A_36 = arith.addi %mul3A_11, %add3A_35 : i32
      %dma_start3A_37 = arith.constant 0 : i32
      %dma_start3A_38 = tpu.memref_slice %arg7[%add3A_36, %dma_start3A_37] : memref<125x80xi32, #tpu.memory_space<vmem>> -> memref<1x80xi32, #tpu.memory_space<vmem>>
      %dma_start3A_39 = tpu.memref_squeeze %dma_start3A_38 : memref<1x80xi32, #tpu.memory_space<vmem>> -> memref<80xi32, #tpu.memory_space<vmem>>
      %dma_start3A_40 = arith.constant 0 : i32
      %dma_start3A_41 = arith.constant 0 : i32
      %dma_start3A_42 = tpu.memref_slice %arg15[%dma_start3A_40, %dma_start3A_41] : memref<10240x64xf32, #tpu.memory_space<vmem_shared>> -> memref<10240x64xf32, #tpu.memory_space<vmem_shared>>
      tpu.enqueue_indirect_dma source(%dma_start3A_42 : memref<10240x64xf32, #tpu.memory_space<vmem_shared>>) target(%arg12 : memref<80x64xf32, #tpu.memory_space<vmem>>) offsets(%dma_start3A_39 : memref<80xi32, #tpu.memory_space<vmem>>) semaphore(%arg19 : memref<!tpu.dma_semaphore, #tpu.memory_space<semaphore_mem>>)
      %add3A_43 = arith.constant 4 : i32
      %add3A_44 = arith.addi %mul3A_11, %add3A_43 : i32
      %dma_start3A_45 = arith.constant 0 : i32
      %dma_start3A_46 = tpu.memref_slice %arg7[%add3A_44, %dma_start3A_45] : memref<125x80xi32, #tpu.memory_space<vmem>> -> memref<1x80xi32, #tpu.memory_space<vmem>>
      %dma_start3A_47 = tpu.memref_squeeze %dma_start3A_46 : memref<1x80xi32, #tpu.memory_space<vmem>> -> memref<80xi32, #tpu.memory_space<vmem>>
      %dma_start3A_48 = arith.constant 0 : i32
      %dma_start3A_49 = arith.constant 0 : i32
      %dma_start3A_50 = tpu.memref_slice %arg15[%dma_start3A_48, %dma_start3A_49] : memref<10240x64xf32, #tpu.memory_space<vmem_shared>> -> memref<10240x64xf32, #tpu.memory_space<vmem_shared>>
      tpu.enqueue_indirect_dma source(%dma_start3A_50 : memref<10240x64xf32, #tpu.memory_space<vmem_shared>>) target(%arg13 : memref<80x64xf32, #tpu.memory_space<vmem>>) offsets(%dma_start3A_47 : memref<80xi32, #tpu.memory_space<vmem>>) semaphore(%arg20 : memref<!tpu.dma_semaphore, #tpu.memory_space<semaphore_mem>>)
      %dma_wait3A = arith.constant 0 : i32
      %dma_wait3A_51 = tpu.memref_slice %arg7[%add3A_13, %dma_wait3A] : memref<125x80xi32, #tpu.memory_space<vmem>> -> memref<1x80xi32, #tpu.memory_space<vmem>>
      %dma_wait3A_52 = tpu.memref_squeeze %dma_wait3A_51 : memref<1x80xi32, #tpu.memory_space<vmem>> -> memref<80xi32, #tpu.memory_space<vmem>>
      %dma_wait3A_53 = arith.constant 0 : i32
      %dma_wait3A_54 = arith.constant 0 : i32
      %dma_wait3A_55 = tpu.memref_slice %arg15[%dma_wait3A_53, %dma_wait3A_54] : memref<10240x64xf32, #tpu.memory_space<vmem_shared>> -> memref<10240x64xf32, #tpu.memory_space<vmem_shared>>
      tpu.wait_indirect_dma semaphore(%arg16 : memref<!tpu.dma_semaphore, #tpu.memory_space<semaphore_mem>>) src(%dma_wait3A_55 : memref<10240x64xf32, #tpu.memory_space<vmem_shared>>) dst(%arg9 : memref<80x64xf32, #tpu.memory_space<vmem>>)
      %add3A_56 = arith.constant 0 : i32
      %add3A_57 = arith.addi %mul3A_11, %add3A_56 : i32
      %dma_start3A_58 = arith.constant 0 : i32
      %dma_start3A_59 = tpu.memref_slice %arg8[%add3A_57, %dma_start3A_58] : memref<125x80xi32, #tpu.memory_space<vmem>> -> memref<1x80xi32, #tpu.memory_space<vmem>>
      %dma_start3A_60 = tpu.memref_squeeze %dma_start3A_59 : memref<1x80xi32, #tpu.memory_space<vmem>> -> memref<80xi32, #tpu.memory_space<vmem>>
      %dma_start3A_61 = arith.constant 0 : i32
      %dma_start3A_62 = arith.constant 0 : i32
      %dma_start3A_63 = tpu.memref_slice %arg14[%dma_start3A_61, %dma_start3A_62] : memref<10240x64xf32, #tpu.memory_space<vmem_shared>> -> memref<10240x64xf32, #tpu.memory_space<vmem_shared>>
      tpu.enqueue_indirect_dma source(%arg9 : memref<80x64xf32, #tpu.memory_space<vmem>>) target(%dma_start3A_63 : memref<10240x64xf32, #tpu.memory_space<vmem_shared>>) offsets(%dma_start3A_60 : memref<80xi32, #tpu.memory_space<vmem>>) semaphore(%arg21 : memref<!tpu.dma_semaphore, #tpu.memory_space<semaphore_mem>>) {add = true}
      %dma_wait3A_64 = arith.constant 0 : i32
      %dma_wait3A_65 = tpu.memref_slice %arg7[%add3A_20, %dma_wait3A_64] : memref<125x80xi32, #tpu.memory_space<vmem>> -> memref<1x80xi32, #tpu.memory_space<vmem>>
      %dma_wait3A_66 = tpu.memref_squeeze %dma_wait3A_65 : memref<1x80xi32, #tpu.memory_space<vmem>> -> memref<80xi32, #tpu.memory_space<vmem>>
      %dma_wait3A_67 = arith.constant 0 : i32
      %dma_wait3A_68 = arith.constant 0 : i32
      %dma_wait3A_69 = tpu.memref_slice %arg15[%dma_wait3A_67, %dma_wait3A_68] : memref<10240x64xf32, #tpu.memory_space<vmem_shared>> -> memref<10240x64xf32, #tpu.memory_space<vmem_shared>>
      tpu.wait_indirect_dma semaphore(%arg17 : memref<!tpu.dma_semaphore, #tpu.memory_space<semaphore_mem>>) src(%dma_wait3A_69 : memref<10240x64xf32, #tpu.memory_space<vmem_shared>>) dst(%arg10 : memref<80x64xf32, #tpu.memory_space<vmem>>)
      %add3A_70 = arith.constant 1 : i32
      %add3A_71 = arith.addi %mul3A_11, %add3A_70 : i32
      %dma_start3A_72 = arith.constant 0 : i32
      %dma_start3A_73 = tpu.memref_slice %arg8[%add3A_71, %dma_start3A_72] : memref<125x80xi32, #tpu.memory_space<vmem>> -> memref<1x80xi32, #tpu.memory_space<vmem>>
      %dma_start3A_74 = tpu.memref_squeeze %dma_start3A_73 : memref<1x80xi32, #tpu.memory_space<vmem>> -> memref<80xi32, #tpu.memory_space<vmem>>
      %dma_start3A_75 = arith.constant 0 : i32
      %dma_start3A_76 = arith.constant 0 : i32
      %dma_start3A_77 = tpu.memref_slice %arg14[%dma_start3A_75, %dma_start3A_76] : memref<10240x64xf32, #tpu.memory_space<vmem_shared>> -> memref<10240x64xf32, #tpu.memory_space<vmem_shared>>
      tpu.enqueue_indirect_dma source(%arg10 : memref<80x64xf32, #tpu.memory_space<vmem>>) target(%dma_start3A_77 : memref<10240x64xf32, #tpu.memory_space<vmem_shared>>) offsets(%dma_start3A_74 : memref<80xi32, #tpu.memory_space<vmem>>) semaphore(%arg22 : memref<!tpu.dma_semaphore, #tpu.memory_space<semaphore_mem>>) {add = true}
      %dma_wait3A_78 = arith.constant 0 : i32
      %dma_wait3A_79 = tpu.memref_slice %arg7[%add3A_28, %dma_wait3A_78] : memref<125x80xi32, #tpu.memory_space<vmem>> -> memref<1x80xi32, #tpu.memory_space<vmem>>
      %dma_wait3A_80 = tpu.memref_squeeze %dma_wait3A_79 : memref<1x80xi32, #tpu.memory_space<vmem>> -> memref<80xi32, #tpu.memory_space<vmem>>
      %dma_wait3A_81 = arith.constant 0 : i32
      %dma_wait3A_82 = arith.constant 0 : i32
      %dma_wait3A_83 = tpu.memref_slice %arg15[%dma_wait3A_81, %dma_wait3A_82] : memref<10240x64xf32, #tpu.memory_space<vmem_shared>> -> memref<10240x64xf32, #tpu.memory_space<vmem_shared>>
      tpu.wait_indirect_dma semaphore(%arg18 : memref<!tpu.dma_semaphore, #tpu.memory_space<semaphore_mem>>) src(%dma_wait3A_83 : memref<10240x64xf32, #tpu.memory_space<vmem_shared>>) dst(%arg11 : memref<80x64xf32, #tpu.memory_space<vmem>>)
      %add3A_84 = arith.constant 2 : i32
      %add3A_85 = arith.addi %mul3A_11, %add3A_84 : i32
      %dma_start3A_86 = arith.constant 0 : i32
      %dma_start3A_87 = tpu.memref_slice %arg8[%add3A_85, %dma_start3A_86] : memref<125x80xi32, #tpu.memory_space<vmem>> -> memref<1x80xi32, #tpu.memory_space<vmem>>
      %dma_start3A_88 = tpu.memref_squeeze %dma_start3A_87 : memref<1x80xi32, #tpu.memory_space<vmem>> -> memref<80xi32, #tpu.memory_space<vmem>>
      %dma_start3A_89 = arith.constant 0 : i32
      %dma_start3A_90 = arith.constant 0 : i32
      %dma_start3A_91 = tpu.memref_slice %arg14[%dma_start3A_89, %dma_start3A_90] : memref<10240x64xf32, #tpu.memory_space<vmem_shared>> -> memref<10240x64xf32, #tpu.memory_space<vmem_shared>>
      tpu.enqueue_indirect_dma source(%arg11 : memref<80x64xf32, #tpu.memory_space<vmem>>) target(%dma_start3A_91 : memref<10240x64xf32, #tpu.memory_space<vmem_shared>>) offsets(%dma_start3A_88 : memref<80xi32, #tpu.memory_space<vmem>>) semaphore(%arg23 : memref<!tpu.dma_semaphore, #tpu.memory_space<semaphore_mem>>) {add = true}
      %dma_wait3A_92 = arith.constant 0 : i32
      %dma_wait3A_93 = tpu.memref_slice %arg7[%add3A_36, %dma_wait3A_92] : memref<125x80xi32, #tpu.memory_space<vmem>> -> memref<1x80xi32, #tpu.memory_space<vmem>>
      %dma_wait3A_94 = tpu.memref_squeeze %dma_wait3A_93 : memref<1x80xi32, #tpu.memory_space<vmem>> -> memref<80xi32, #tpu.memory_space<vmem>>
      %dma_wait3A_95 = arith.constant 0 : i32
      %dma_wait3A_96 = arith.constant 0 : i32
      %dma_wait3A_97 = tpu.memref_slice %arg15[%dma_wait3A_95, %dma_wait3A_96] : memref<10240x64xf32, #tpu.memory_space<vmem_shared>> -> memref<10240x64xf32, #tpu.memory_space<vmem_shared>>
      tpu.wait_indirect_dma semaphore(%arg19 : memref<!tpu.dma_semaphore, #tpu.memory_space<semaphore_mem>>) src(%dma_wait3A_97 : memref<10240x64xf32, #tpu.memory_space<vmem_shared>>) dst(%arg12 : memref<80x64xf32, #tpu.memory_space<vmem>>)
      %add3A_98 = arith.constant 3 : i32
      %add3A_99 = arith.addi %mul3A_11, %add3A_98 : i32
      %dma_start3A_100 = arith.constant 0 : i32
      %dma_start3A_101 = tpu.memref_slice %arg8[%add3A_99, %dma_start3A_100] : memref<125x80xi32, #tpu.memory_space<vmem>> -> memref<1x80xi32, #tpu.memory_space<vmem>>
      %dma_start3A_102 = tpu.memref_squeeze %dma_start3A_101 : memref<1x80xi32, #tpu.memory_space<vmem>> -> memref<80xi32, #tpu.memory_space<vmem>>
      %dma_start3A_103 = arith.constant 0 : i32
      %dma_start3A_104 = arith.constant 0 : i32
      %dma_start3A_105 = tpu.memref_slice %arg14[%dma_start3A_103, %dma_start3A_104] : memref<10240x64xf32, #tpu.memory_space<vmem_shared>> -> memref<10240x64xf32, #tpu.memory_space<vmem_shared>>
      tpu.enqueue_indirect_dma source(%arg12 : memref<80x64xf32, #tpu.memory_space<vmem>>) target(%dma_start3A_105 : memref<10240x64xf32, #tpu.memory_space<vmem_shared>>) offsets(%dma_start3A_102 : memref<80xi32, #tpu.memory_space<vmem>>) semaphore(%arg24 : memref<!tpu.dma_semaphore, #tpu.memory_space<semaphore_mem>>) {add = true}
      %dma_wait3A_106 = arith.constant 0 : i32
      %dma_wait3A_107 = tpu.memref_slice %arg7[%add3A_44, %dma_wait3A_106] : memref<125x80xi32, #tpu.memory_space<vmem>> -> memref<1x80xi32, #tpu.memory_space<vmem>>
      %dma_wait3A_108 = tpu.memref_squeeze %dma_wait3A_107 : memref<1x80xi32, #tpu.memory_space<vmem>> -> memref<80xi32, #tpu.memory_space<vmem>>
      %dma_wait3A_109 = arith.constant 0 : i32
      %dma_wait3A_110 = arith.constant 0 : i32
      %dma_wait3A_111 = tpu.memref_slice %arg15[%dma_wait3A_109, %dma_wait3A_110] : memref<10240x64xf32, #tpu.memory_space<vmem_shared>> -> memref<10240x64xf32, #tpu.memory_space<vmem_shared>>
      tpu.wait_indirect_dma semaphore(%arg20 : memref<!tpu.dma_semaphore, #tpu.memory_space<semaphore_mem>>) src(%dma_wait3A_111 : memref<10240x64xf32, #tpu.memory_space<vmem_shared>>) dst(%arg13 : memref<80x64xf32, #tpu.memory_space<vmem>>)
      %add3A_112 = arith.constant 4 : i32
      %add3A_113 = arith.addi %mul3A_11, %add3A_112 : i32
      %dma_start3A_114 = arith.constant 0 : i32
      %dma_start3A_115 = tpu.memref_slice %arg8[%add3A_113, %dma_start3A_114] : memref<125x80xi32, #tpu.memory_space<vmem>> -> memref<1x80xi32, #tpu.memory_space<vmem>>
      %dma_start3A_116 = tpu.memref_squeeze %dma_start3A_115 : memref<1x80xi32, #tpu.memory_space<vmem>> -> memref<80xi32, #tpu.memory_space<vmem>>
      %dma_start3A_117 = arith.constant 0 : i32
      %dma_start3A_118 = arith.constant 0 : i32
      %dma_start3A_119 = tpu.memref_slice %arg14[%dma_start3A_117, %dma_start3A_118] : memref<10240x64xf32, #tpu.memory_space<vmem_shared>> -> memref<10240x64xf32, #tpu.memory_space<vmem_shared>>
      tpu.enqueue_indirect_dma source(%arg13 : memref<80x64xf32, #tpu.memory_space<vmem>>) target(%dma_start3A_119 : memref<10240x64xf32, #tpu.memory_space<vmem_shared>>) offsets(%dma_start3A_116 : memref<80xi32, #tpu.memory_space<vmem>>) semaphore(%arg25 : memref<!tpu.dma_semaphore, #tpu.memory_space<semaphore_mem>>) {add = true}
      %dma_wait3A_120 = arith.constant 0 : i32
      %dma_wait3A_121 = tpu.memref_slice %arg8[%add3A_57, %dma_wait3A_120] : memref<125x80xi32, #tpu.memory_space<vmem>> -> memref<1x80xi32, #tpu.memory_space<vmem>>
      %dma_wait3A_122 = tpu.memref_squeeze %dma_wait3A_121 : memref<1x80xi32, #tpu.memory_space<vmem>> -> memref<80xi32, #tpu.memory_space<vmem>>
      %dma_wait3A_123 = arith.constant 0 : i32
      %dma_wait3A_124 = arith.constant 0 : i32
      %dma_wait3A_125 = tpu.memref_slice %arg14[%dma_wait3A_123, %dma_wait3A_124] : memref<10240x64xf32, #tpu.memory_space<vmem_shared>> -> memref<10240x64xf32, #tpu.memory_space<vmem_shared>>
      tpu.wait_indirect_dma semaphore(%arg21 : memref<!tpu.dma_semaphore, #tpu.memory_space<semaphore_mem>>) src(%arg9 : memref<80x64xf32, #tpu.memory_space<vmem>>) dst(%dma_wait3A_125 : memref<10240x64xf32, #tpu.memory_space<vmem_shared>>)
      %dma_wait3A_126 = arith.constant 0 : i32
      %dma_wait3A_127 = tpu.memref_slice %arg8[%add3A_71, %dma_wait3A_126] : memref<125x80xi32, #tpu.memory_space<vmem>> -> memref<1x80xi32, #tpu.memory_space<vmem>>
      %dma_wait3A_128 = tpu.memref_squeeze %dma_wait3A_127 : memref<1x80xi32, #tpu.memory_space<vmem>> -> memref<80xi32, #tpu.memory_space<vmem>>
      %dma_wait3A_129 = arith.constant 0 : i32
      %dma_wait3A_130 = arith.constant 0 : i32
      %dma_wait3A_131 = tpu.memref_slice %arg14[%dma_wait3A_129, %dma_wait3A_130] : memref<10240x64xf32, #tpu.memory_space<vmem_shared>> -> memref<10240x64xf32, #tpu.memory_space<vmem_shared>>
      tpu.wait_indirect_dma semaphore(%arg22 : memref<!tpu.dma_semaphore, #tpu.memory_space<semaphore_mem>>) src(%arg10 : memref<80x64xf32, #tpu.memory_space<vmem>>) dst(%dma_wait3A_131 : memref<10240x64xf32, #tpu.memory_space<vmem_shared>>)
      %dma_wait3A_132 = arith.constant 0 : i32
      %dma_wait3A_133 = tpu.memref_slice %arg8[%add3A_85, %dma_wait3A_132] : memref<125x80xi32, #tpu.memory_space<vmem>> -> memref<1x80xi32, #tpu.memory_space<vmem>>
      %dma_wait3A_134 = tpu.memref_squeeze %dma_wait3A_133 : memref<1x80xi32, #tpu.memory_space<vmem>> -> memref<80xi32, #tpu.memory_space<vmem>>
      %dma_wait3A_135 = arith.constant 0 : i32
      %dma_wait3A_136 = arith.constant 0 : i32
      %dma_wait3A_137 = tpu.memref_slice %arg14[%dma_wait3A_135, %dma_wait3A_136] : memref<10240x64xf32, #tpu.memory_space<vmem_shared>> -> memref<10240x64xf32, #tpu.memory_space<vmem_shared>>
      tpu.wait_indirect_dma semaphore(%arg23 : memref<!tpu.dma_semaphore, #tpu.memory_space<semaphore_mem>>) src(%arg11 : memref<80x64xf32, #tpu.memory_space<vmem>>) dst(%dma_wait3A_137 : memref<10240x64xf32, #tpu.memory_space<vmem_shared>>)
      %dma_wait3A_138 = arith.constant 0 : i32
      %dma_wait3A_139 = tpu.memref_slice %arg8[%add3A_99, %dma_wait3A_138] : memref<125x80xi32, #tpu.memory_space<vmem>> -> memref<1x80xi32, #tpu.memory_space<vmem>>
      %dma_wait3A_140 = tpu.memref_squeeze %dma_wait3A_139 : memref<1x80xi32, #tpu.memory_space<vmem>> -> memref<80xi32, #tpu.memory_space<vmem>>
      %dma_wait3A_141 = arith.constant 0 : i32
      %dma_wait3A_142 = arith.constant 0 : i32
      %dma_wait3A_143 = tpu.memref_slice %arg14[%dma_wait3A_141, %dma_wait3A_142] : memref<10240x64xf32, #tpu.memory_space<vmem_shared>> -> memref<10240x64xf32, #tpu.memory_space<vmem_shared>>
      tpu.wait_indirect_dma semaphore(%arg24 : memref<!tpu.dma_semaphore, #tpu.memory_space<semaphore_mem>>) src(%arg12 : memref<80x64xf32, #tpu.memory_space<vmem>>) dst(%dma_wait3A_143 : memref<10240x64xf32, #tpu.memory_space<vmem_shared>>)
      %dma_wait3A_144 = arith.constant 0 : i32
      %dma_wait3A_145 = tpu.memref_slice %arg8[%add3A_113, %dma_wait3A_144] : memref<125x80xi32, #tpu.memory_space<vmem>> -> memref<1x80xi32, #tpu.memory_space<vmem>>
      %dma_wait3A_146 = tpu.memref_squeeze %dma_wait3A_145 : memref<1x80xi32, #tpu.memory_space<vmem>> -> memref<80xi32, #tpu.memory_space<vmem>>
      %dma_wait3A_147 = arith.constant 0 : i32
      %dma_wait3A_148 = arith.constant 0 : i32
      %dma_wait3A_149 = tpu.memref_slice %arg14[%dma_wait3A_147, %dma_wait3A_148] : memref<10240x64xf32, #tpu.memory_space<vmem_shared>> -> memref<10240x64xf32, #tpu.memory_space<vmem_shared>>
      tpu.wait_indirect_dma semaphore(%arg25 : memref<!tpu.dma_semaphore, #tpu.memory_space<semaphore_mem>>) src(%arg13 : memref<80x64xf32, #tpu.memory_space<vmem>>) dst(%dma_wait3A_149 : memref<10240x64xf32, #tpu.memory_space<vmem_shared>>)
    }
    %scan3A_7 = arith.constant 25 : i32
    %barrier3A_8 = arith.constant 0 : index
    tpu.barrier barrier_id(%barrier3A_8)
    "tpu.region"() ({
      %run_scoped3A = tpu.sem_alloc : memref<!tpu.dma_semaphore, #tpu.memory_space<semaphore_mem>>
      %dma_start3A = arith.constant 0 : i32
      %dma_start3A_9 = tpu.memref_slice %arg6[%arg0, %mul3A_2, %dma_start3A] : memref<2x10240x64xf32, #tpu.memory_space<hbm>> -> memref<1x640x64xf32, #tpu.memory_space<hbm>>
      %dma_start3A_10 = tpu.memref_squeeze %dma_start3A_9 : memref<1x640x64xf32, #tpu.memory_space<hbm>> -> memref<640x64xf32, #tpu.memory_space<hbm>>
      %dma_start3A_11 = arith.constant 0 : i32
      %dma_start3A_12 = tpu.memref_slice %arg14[%mul3A_2, %dma_start3A_11] : memref<10240x64xf32, #tpu.memory_space<vmem_shared>> -> memref<640x64xf32, #tpu.memory_space<vmem_shared>>
      tpu.enqueue_dma source(%dma_start3A_12 : memref<640x64xf32, #tpu.memory_space<vmem_shared>>) target(%dma_start3A_10 : memref<640x64xf32, #tpu.memory_space<hbm>>) target_semaphore(%run_scoped3A : memref<!tpu.dma_semaphore, #tpu.memory_space<semaphore_mem>>)
      %dma_wait3A = arith.constant 0 : i32
      %dma_wait3A_13 = tpu.memref_slice %arg6[%arg0, %mul3A_2, %dma_wait3A] : memref<2x10240x64xf32, #tpu.memory_space<hbm>> -> memref<1x640x64xf32, #tpu.memory_space<hbm>>
      %dma_wait3A_14 = tpu.memref_squeeze %dma_wait3A_13 : memref<1x640x64xf32, #tpu.memory_space<hbm>> -> memref<640x64xf32, #tpu.memory_space<hbm>>
      %dma_wait3A_15 = arith.constant 0 : i32
      %dma_wait3A_16 = tpu.memref_slice %arg14[%mul3A_2, %dma_wait3A_15] : memref<10240x64xf32, #tpu.memory_space<vmem_shared>> -> memref<640x64xf32, #tpu.memory_space<vmem_shared>>
      tpu.wait_dma2 semaphore(%run_scoped3A : memref<!tpu.dma_semaphore, #tpu.memory_space<semaphore_mem>>) src(%dma_wait3A_16 : memref<640x64xf32, #tpu.memory_space<vmem_shared>>) dst(%dma_wait3A_14 : memref<640x64xf32, #tpu.memory_space<hbm>>)
      tpu.yield
    }) : () -> ()
    return
  }
}

#map = affine_map<(d0, d1) -> (0, 0)>
#map1 = affine_map<(d0, d1) -> (0, 0, 0)>
module attributes {stable_mosaic.version = 14 : i64} {
  func.func @body(%arg0: i32, %arg1: i32, %arg2: memref<10240x64xf32, #tpu.memory_space<hbm>>, %arg3: memref<32x125x80xi32, #tpu.memory_space<hbm>>, %arg4: memref<32x125x80xi32, #tpu.memory_space<hbm>>, %arg5: memref<10240x64xf32, #tpu.memory_space<hbm>>, %arg6: memref<2x10240x64xf32, #tpu.memory_space<hbm>>, %arg7: memref<125x80xi32, #tpu.memory_space<vmem>>, %arg8: memref<125x80xi32, #tpu.memory_space<vmem>>, %arg9: memref<80x64xf32, #tpu.memory_space<vmem>>, %arg10: memref<80x64xf32, #tpu.memory_space<vmem>>, %arg11: memref<80x64xf32, #tpu.memory_space<vmem>>, %arg12: memref<80x64xf32, #tpu.memory_space<vmem>>, %arg13: memref<80x64xf32, #tpu.memory_space<vmem>>, %arg14: memref<10240x64xf32, #tpu.memory_space<vmem_shared>>, %arg15: memref<10240x64xf32, #tpu.memory_space<vmem_shared>>, %arg16: memref<!tpu.dma_semaphore, #tpu.memory_space<semaphore_mem>>, %arg17: memref<!tpu.dma_semaphore, #tpu.memory_space<semaphore_mem>>, %arg18: memref<!tpu.dma_semaphore, #tpu.memory_space<semaphore_mem>>, %arg19: memref<!tpu.dma_semaphore, #tpu.memory_space<semaphore_mem>>, %arg20: memref<!tpu.dma_semaphore, #tpu.memory_space<semaphore_mem>>, %arg21: memref<!tpu.dma_semaphore, #tpu.memory_space<semaphore_mem>>, %arg22: memref<!tpu.dma_semaphore, #tpu.memory_space<semaphore_mem>>, %arg23: memref<!tpu.dma_semaphore, #tpu.memory_space<semaphore_mem>>, %arg24: memref<!tpu.dma_semaphore, #tpu.memory_space<semaphore_mem>>, %arg25: memref<!tpu.dma_semaphore, #tpu.memory_space<semaphore_mem>>) attributes {dimension_semantics = [#tpu.dimension_semantics<core_parallel>, #tpu.dimension_semantics<subcore_parallel>], iteration_bounds = array<i64: 2, 16>, scalar_prefetch = 0 : i64, scratch_operands = 19 : i64, tpu.core_type = #tpu.core_type<sc_vector_subcore>, window_params = [{transform_indices = #map}, {transform_indices = #map1}, {transform_indices = #map1}, {transform_indices = #map}, {transform_indices = #map1}]} {
    %mul3A = arith.constant 16 : i32
    %mul3A_0 = arith.muli %arg0, %mul3A : i32
    %add3A = arith.addi %mul3A_0, %arg1 : i32
    "tpu.region"() ({
      %run_scoped3A = tpu.sem_alloc : memref<!tpu.dma_semaphore, #tpu.memory_space<semaphore_mem>>
      %dma_start3A = arith.constant 0 : i32
      %dma_start3A_9 = arith.constant 0 : i32
      %dma_start3A_10 = tpu.memref_slice %arg3[%add3A, %dma_start3A, %dma_start3A_9] : memref<32x125x80xi32, #tpu.memory_space<hbm>> -> memref<1x125x80xi32, #tpu.memory_space<hbm>>
      %dma_start3A_11 = tpu.memref_squeeze %dma_start3A_10 : memref<1x125x80xi32, #tpu.memory_space<hbm>> -> memref<125x80xi32, #tpu.memory_space<hbm>>
      %dma_start3A_12 = arith.constant 0 : i32
      %dma_start3A_13 = arith.constant 0 : i32
      %dma_start3A_14 = tpu.memref_slice %arg3[%add3A, %dma_start3A_12, %dma_start3A_13] : memref<32x125x80xi32, #tpu.memory_space<hbm>> -> memref<1x125x80xi32, #tpu.memory_space<hbm>>
      %dma_start3A_15 = tpu.memref_squeeze %dma_start3A_14 : memref<1x125x80xi32, #tpu.memory_space<hbm>> -> memref<125x80xi32, #tpu.memory_space<hbm>>
      tpu.enqueue_dma source(%dma_start3A_15 : memref<125x80xi32, #tpu.memory_space<hbm>>) target(%arg7 : memref<125x80xi32, #tpu.memory_space<vmem>>) target_semaphore(%run_scoped3A : memref<!tpu.dma_semaphore, #tpu.memory_space<semaphore_mem>>)
      %dma_wait3A = arith.constant 0 : i32
      %dma_wait3A_16 = arith.constant 0 : i32
      %dma_wait3A_17 = tpu.memref_slice %arg3[%add3A, %dma_wait3A, %dma_wait3A_16] : memref<32x125x80xi32, #tpu.memory_space<hbm>> -> memref<1x125x80xi32, #tpu.memory_space<hbm>>
      %dma_wait3A_18 = tpu.memref_squeeze %dma_wait3A_17 : memref<1x125x80xi32, #tpu.memory_space<hbm>> -> memref<125x80xi32, #tpu.memory_space<hbm>>
      %dma_wait3A_19 = arith.constant 0 : i32
      %dma_wait3A_20 = arith.constant 0 : i32
      %dma_wait3A_21 = tpu.memref_slice %arg3[%add3A, %dma_wait3A_19, %dma_wait3A_20] : memref<32x125x80xi32, #tpu.memory_space<hbm>> -> memref<1x125x80xi32, #tpu.memory_space<hbm>>
      %dma_wait3A_22 = tpu.memref_squeeze %dma_wait3A_21 : memref<1x125x80xi32, #tpu.memory_space<hbm>> -> memref<125x80xi32, #tpu.memory_space<hbm>>
      tpu.wait_dma2 semaphore(%run_scoped3A : memref<!tpu.dma_semaphore, #tpu.memory_space<semaphore_mem>>) src(%dma_wait3A_22 : memref<125x80xi32, #tpu.memory_space<hbm>>) dst(%arg7 : memref<125x80xi32, #tpu.memory_space<vmem>>)
      tpu.yield
    }) : () -> ()
    "tpu.region"() ({
      %run_scoped3A = tpu.sem_alloc : memref<!tpu.dma_semaphore, #tpu.memory_space<semaphore_mem>>
      %dma_start3A = arith.constant 0 : i32
      %dma_start3A_9 = arith.constant 0 : i32
      %dma_start3A_10 = tpu.memref_slice %arg4[%add3A, %dma_start3A, %dma_start3A_9] : memref<32x125x80xi32, #tpu.memory_space<hbm>> -> memref<1x125x80xi32, #tpu.memory_space<hbm>>
      %dma_start3A_11 = tpu.memref_squeeze %dma_start3A_10 : memref<1x125x80xi32, #tpu.memory_space<hbm>> -> memref<125x80xi32, #tpu.memory_space<hbm>>
      %dma_start3A_12 = arith.constant 0 : i32
      %dma_start3A_13 = arith.constant 0 : i32
      %dma_start3A_14 = tpu.memref_slice %arg4[%add3A, %dma_start3A_12, %dma_start3A_13] : memref<32x125x80xi32, #tpu.memory_space<hbm>> -> memref<1x125x80xi32, #tpu.memory_space<hbm>>
      %dma_start3A_15 = tpu.memref_squeeze %dma_start3A_14 : memref<1x125x80xi32, #tpu.memory_space<hbm>> -> memref<125x80xi32, #tpu.memory_space<hbm>>
      tpu.enqueue_dma source(%dma_start3A_15 : memref<125x80xi32, #tpu.memory_space<hbm>>) target(%arg8 : memref<125x80xi32, #tpu.memory_space<vmem>>) target_semaphore(%run_scoped3A : memref<!tpu.dma_semaphore, #tpu.memory_space<semaphore_mem>>)
      %dma_wait3A = arith.constant 0 : i32
      %dma_wait3A_16 = arith.constant 0 : i32
      %dma_wait3A_17 = tpu.memref_slice %arg4[%add3A, %dma_wait3A, %dma_wait3A_16] : memref<32x125x80xi32, #tpu.memory_space<hbm>> -> memref<1x125x80xi32, #tpu.memory_space<hbm>>
      %dma_wait3A_18 = tpu.memref_squeeze %dma_wait3A_17 : memref<1x125x80xi32, #tpu.memory_space<hbm>> -> memref<125x80xi32, #tpu.memory_space<hbm>>
      %dma_wait3A_19 = arith.constant 0 : i32
      %dma_wait3A_20 = arith.constant 0 : i32
      %dma_wait3A_21 = tpu.memref_slice %arg4[%add3A, %dma_wait3A_19, %dma_wait3A_20] : memref<32x125x80xi32, #tpu.memory_space<hbm>> -> memref<1x125x80xi32, #tpu.memory_space<hbm>>
      %dma_wait3A_22 = tpu.memref_squeeze %dma_wait3A_21 : memref<1x125x80xi32, #tpu.memory_space<hbm>> -> memref<125x80xi32, #tpu.memory_space<hbm>>
      tpu.wait_dma2 semaphore(%run_scoped3A : memref<!tpu.dma_semaphore, #tpu.memory_space<semaphore_mem>>) src(%dma_wait3A_22 : memref<125x80xi32, #tpu.memory_space<hbm>>) dst(%arg8 : memref<125x80xi32, #tpu.memory_space<vmem>>)
      tpu.yield
    }) : () -> ()
    %mul3A_1 = arith.constant 640 : i32
    %mul3A_2 = arith.muli %arg1, %mul3A_1 : i32
    "tpu.region"() ({
      %run_scoped3A = tpu.sem_alloc : memref<!tpu.dma_semaphore, #tpu.memory_space<semaphore_mem>>
      %dma_start3A = arith.constant 0 : i32
      %dma_start3A_9 = tpu.memref_slice %arg15[%mul3A_2, %dma_start3A] : memref<10240x64xf32, #tpu.memory_space<vmem_shared>> -> memref<640x64xf32, #tpu.memory_space<vmem_shared>>
      %dma_start3A_10 = arith.constant 0 : i32
      %dma_start3A_11 = tpu.memref_slice %arg2[%mul3A_2, %dma_start3A_10] : memref<10240x64xf32, #tpu.memory_space<hbm>> -> memref<640x64xf32, #tpu.memory_space<hbm>>
      tpu.enqueue_dma source(%dma_start3A_11 : memref<640x64xf32, #tpu.memory_space<hbm>>) target(%dma_start3A_9 : memref<640x64xf32, #tpu.memory_space<vmem_shared>>) target_semaphore(%run_scoped3A : memref<!tpu.dma_semaphore, #tpu.memory_space<semaphore_mem>>)
      %dma_wait3A = arith.constant 0 : i32
      %dma_wait3A_12 = tpu.memref_slice %arg15[%mul3A_2, %dma_wait3A] : memref<10240x64xf32, #tpu.memory_space<vmem_shared>> -> memref<640x64xf32, #tpu.memory_space<vmem_shared>>
      %dma_wait3A_13 = arith.constant 0 : i32
      %dma_wait3A_14 = tpu.memref_slice %arg2[%mul3A_2, %dma_wait3A_13] : memref<10240x64xf32, #tpu.memory_space<hbm>> -> memref<640x64xf32, #tpu.memory_space<hbm>>
      tpu.wait_dma2 semaphore(%run_scoped3A : memref<!tpu.dma_semaphore, #tpu.memory_space<semaphore_mem>>) src(%dma_wait3A_14 : memref<640x64xf32, #tpu.memory_space<hbm>>) dst(%dma_wait3A_12 : memref<640x64xf32, #tpu.memory_space<vmem_shared>>)
      tpu.yield
    }) : () -> ()
    "tpu.region"() ({
      %run_scoped3A = tpu.sem_alloc : memref<!tpu.dma_semaphore, #tpu.memory_space<semaphore_mem>>
      %dma_start3A = arith.constant 0 : i32
      %dma_start3A_9 = tpu.memref_slice %arg14[%mul3A_2, %dma_start3A] : memref<10240x64xf32, #tpu.memory_space<vmem_shared>> -> memref<640x64xf32, #tpu.memory_space<vmem_shared>>
      %dma_start3A_10 = arith.constant 0 : i32
      %dma_start3A_11 = tpu.memref_slice %arg5[%mul3A_2, %dma_start3A_10] : memref<10240x64xf32, #tpu.memory_space<hbm>> -> memref<640x64xf32, #tpu.memory_space<hbm>>
      tpu.enqueue_dma source(%dma_start3A_11 : memref<640x64xf32, #tpu.memory_space<hbm>>) target(%dma_start3A_9 : memref<640x64xf32, #tpu.memory_space<vmem_shared>>) target_semaphore(%run_scoped3A : memref<!tpu.dma_semaphore, #tpu.memory_space<semaphore_mem>>)
      %dma_wait3A = arith.constant 0 : i32
      %dma_wait3A_12 = tpu.memref_slice %arg14[%mul3A_2, %dma_wait3A] : memref<10240x64xf32, #tpu.memory_space<vmem_shared>> -> memref<640x64xf32, #tpu.memory_space<vmem_shared>>
      %dma_wait3A_13 = arith.constant 0 : i32
      %dma_wait3A_14 = tpu.memref_slice %arg5[%mul3A_2, %dma_wait3A_13] : memref<10240x64xf32, #tpu.memory_space<hbm>> -> memref<640x64xf32, #tpu.memory_space<hbm>>
      tpu.wait_dma2 semaphore(%run_scoped3A : memref<!tpu.dma_semaphore, #tpu.memory_space<semaphore_mem>>) src(%dma_wait3A_14 : memref<640x64xf32, #tpu.memory_space<hbm>>) dst(%dma_wait3A_12 : memref<640x64xf32, #tpu.memory_space<vmem_shared>>)
      tpu.yield
    }) : () -> ()
    %barrier3A = arith.constant 0 : index
    tpu.barrier barrier_id(%barrier3A)
    %scan3A = arith.constant 0 : i32
    %scan3A_3 = arith.constant 0 : i32
    %scan3A_4 = arith.constant 25 : i32
    %scan3A_5 = arith.addi %scan3A_3, %scan3A_4 : i32
    %scan3A_6 = arith.constant 1 : i32
    scf.for %scan3A_9 = %scan3A_3 to %scan3A_5 step %scan3A_6  : i32 {
      %mul3A_10 = arith.constant 5 : i32
      %mul3A_11 = arith.muli %scan3A_9, %mul3A_10 : i32
      %add3A_12 = arith.constant 0 : i32
      %add3A_13 = arith.addi %mul3A_11, %add3A_12 : i32
      %dma_start3A = arith.constant 0 : i32
      %dma_start3A_14 = tpu.memref_slice %arg7[%add3A_13, %dma_start3A] : memref<125x80xi32, #tpu.memory_space<vmem>> -> memref<1x80xi32, #tpu.memory_space<vmem>>
      %dma_start3A_15 = tpu.memref_squeeze %dma_start3A_14 : memref<1x80xi32, #tpu.memory_space<vmem>> -> memref<80xi32, #tpu.memory_space<vmem>>
      %dma_start3A_16 = arith.constant 0 : i32
      %dma_start3A_17 = arith.constant 0 : i32
      %dma_start3A_18 = tpu.memref_slice %arg15[%dma_start3A_16, %dma_start3A_17] : memref<10240x64xf32, #tpu.memory_space<vmem_shared>> -> memref<10240x64xf32, #tpu.memory_space<vmem_shared>>
      tpu.enqueue_indirect_dma source(%dma_start3A_18 : memref<10240x64xf32, #tpu.memory_space<vmem_shared>>) target(%arg9 : memref<80x64xf32, #tpu.memory_space<vmem>>) offsets(%dma_start3A_15 : memref<80xi32, #tpu.memory_space<vmem>>) semaphore(%arg16 : memref<!tpu.dma_semaphore, #tpu.memory_space<semaphore_mem>>)
      %add3A_19 = arith.constant 1 : i32
      %add3A_20 = arith.addi %mul3A_11, %add3A_19 : i32
      %dma_start3A_21 = arith.constant 0 : i32
      %dma_start3A_22 = tpu.memref_slice %arg7[%add3A_20, %dma_start3A_21] : memref<125x80xi32, #tpu.memory_space<vmem>> -> memref<1x80xi32, #tpu.memory_space<vmem>>
      %dma_start3A_23 = tpu.memref_squeeze %dma_start3A_22 : memref<1x80xi32, #tpu.memory_space<vmem>> -> memref<80xi32, #tpu.memory_space<vmem>>
      %dma_start3A_24 = arith.constant 0 : i32
      %dma_start3A_25 = arith.constant 0 : i32
      %dma_start3A_26 = tpu.memref_slice %arg15[%dma_start3A_24, %dma_start3A_25] : memref<10240x64xf32, #tpu.memory_space<vmem_shared>> -> memref<10240x64xf32, #tpu.memory_space<vmem_shared>>
      tpu.enqueue_indirect_dma source(%dma_start3A_26 : memref<10240x64xf32, #tpu.memory_space<vmem_shared>>) target(%arg10 : memref<80x64xf32, #tpu.memory_space<vmem>>) offsets(%dma_start3A_23 : memref<80xi32, #tpu.memory_space<vmem>>) semaphore(%arg17 : memref<!tpu.dma_semaphore, #tpu.memory_space<semaphore_mem>>)
      %add3A_27 = arith.constant 2 : i32
      %add3A_28 = arith.addi %mul3A_11, %add3A_27 : i32
      %dma_start3A_29 = arith.constant 0 : i32
      %dma_start3A_30 = tpu.memref_slice %arg7[%add3A_28, %dma_start3A_29] : memref<125x80xi32, #tpu.memory_space<vmem>> -> memref<1x80xi32, #tpu.memory_space<vmem>>
      %dma_start3A_31 = tpu.memref_squeeze %dma_start3A_30 : memref<1x80xi32, #tpu.memory_space<vmem>> -> memref<80xi32, #tpu.memory_space<vmem>>
      %dma_start3A_32 = arith.constant 0 : i32
      %dma_start3A_33 = arith.constant 0 : i32
      %dma_start3A_34 = tpu.memref_slice %arg15[%dma_start3A_32, %dma_start3A_33] : memref<10240x64xf32, #tpu.memory_space<vmem_shared>> -> memref<10240x64xf32, #tpu.memory_space<vmem_shared>>
      tpu.enqueue_indirect_dma source(%dma_start3A_34 : memref<10240x64xf32, #tpu.memory_space<vmem_shared>>) target(%arg11 : memref<80x64xf32, #tpu.memory_space<vmem>>) offsets(%dma_start3A_31 : memref<80xi32, #tpu.memory_space<vmem>>) semaphore(%arg18 : memref<!tpu.dma_semaphore, #tpu.memory_space<semaphore_mem>>)
      %add3A_35 = arith.constant 3 : i32
      %add3A_36 = arith.addi %mul3A_11, %add3A_35 : i32
      %dma_start3A_37 = arith.constant 0 : i32
      %dma_start3A_38 = tpu.memref_slice %arg7[%add3A_36, %dma_start3A_37] : memref<125x80xi32, #tpu.memory_space<vmem>> -> memref<1x80xi32, #tpu.memory_space<vmem>>
      %dma_start3A_39 = tpu.memref_squeeze %dma_start3A_38 : memref<1x80xi32, #tpu.memory_space<vmem>> -> memref<80xi32, #tpu.memory_space<vmem>>
      %dma_start3A_40 = arith.constant 0 : i32
      %dma_start3A_41 = arith.constant 0 : i32
      %dma_start3A_42 = tpu.memref_slice %arg15[%dma_start3A_40, %dma_start3A_41] : memref<10240x64xf32, #tpu.memory_space<vmem_shared>> -> memref<10240x64xf32, #tpu.memory_space<vmem_shared>>
      tpu.enqueue_indirect_dma source(%dma_start3A_42 : memref<10240x64xf32, #tpu.memory_space<vmem_shared>>) target(%arg12 : memref<80x64xf32, #tpu.memory_space<vmem>>) offsets(%dma_start3A_39 : memref<80xi32, #tpu.memory_space<vmem>>) semaphore(%arg19 : memref<!tpu.dma_semaphore, #tpu.memory_space<semaphore_mem>>)
      %add3A_43 = arith.constant 4 : i32
      %add3A_44 = arith.addi %mul3A_11, %add3A_43 : i32
      %dma_start3A_45 = arith.constant 0 : i32
      %dma_start3A_46 = tpu.memref_slice %arg7[%add3A_44, %dma_start3A_45] : memref<125x80xi32, #tpu.memory_space<vmem>> -> memref<1x80xi32, #tpu.memory_space<vmem>>
      %dma_start3A_47 = tpu.memref_squeeze %dma_start3A_46 : memref<1x80xi32, #tpu.memory_space<vmem>> -> memref<80xi32, #tpu.memory_space<vmem>>
      %dma_start3A_48 = arith.constant 0 : i32
      %dma_start3A_49 = arith.constant 0 : i32
      %dma_start3A_50 = tpu.memref_slice %arg15[%dma_start3A_48, %dma_start3A_49] : memref<10240x64xf32, #tpu.memory_space<vmem_shared>> -> memref<10240x64xf32, #tpu.memory_space<vmem_shared>>
      tpu.enqueue_indirect_dma source(%dma_start3A_50 : memref<10240x64xf32, #tpu.memory_space<vmem_shared>>) target(%arg13 : memref<80x64xf32, #tpu.memory_space<vmem>>) offsets(%dma_start3A_47 : memref<80xi32, #tpu.memory_space<vmem>>) semaphore(%arg20 : memref<!tpu.dma_semaphore, #tpu.memory_space<semaphore_mem>>)
      %dma_wait3A = arith.constant 0 : i32
      %dma_wait3A_51 = tpu.memref_slice %arg7[%add3A_13, %dma_wait3A] : memref<125x80xi32, #tpu.memory_space<vmem>> -> memref<1x80xi32, #tpu.memory_space<vmem>>
      %dma_wait3A_52 = tpu.memref_squeeze %dma_wait3A_51 : memref<1x80xi32, #tpu.memory_space<vmem>> -> memref<80xi32, #tpu.memory_space<vmem>>
      %dma_wait3A_53 = arith.constant 0 : i32
      %dma_wait3A_54 = arith.constant 0 : i32
      %dma_wait3A_55 = tpu.memref_slice %arg15[%dma_wait3A_53, %dma_wait3A_54] : memref<10240x64xf32, #tpu.memory_space<vmem_shared>> -> memref<10240x64xf32, #tpu.memory_space<vmem_shared>>
      tpu.wait_indirect_dma semaphore(%arg16 : memref<!tpu.dma_semaphore, #tpu.memory_space<semaphore_mem>>) src(%dma_wait3A_55 : memref<10240x64xf32, #tpu.memory_space<vmem_shared>>) dst(%arg9 : memref<80x64xf32, #tpu.memory_space<vmem>>)
      %add3A_56 = arith.constant 0 : i32
      %add3A_57 = arith.addi %mul3A_11, %add3A_56 : i32
      %dma_start3A_58 = arith.constant 0 : i32
      %dma_start3A_59 = tpu.memref_slice %arg8[%add3A_57, %dma_start3A_58] : memref<125x80xi32, #tpu.memory_space<vmem>> -> memref<1x80xi32, #tpu.memory_space<vmem>>
      %dma_start3A_60 = tpu.memref_squeeze %dma_start3A_59 : memref<1x80xi32, #tpu.memory_space<vmem>> -> memref<80xi32, #tpu.memory_space<vmem>>
      %dma_start3A_61 = arith.constant 0 : i32
      %dma_start3A_62 = arith.constant 0 : i32
      %dma_start3A_63 = tpu.memref_slice %arg14[%dma_start3A_61, %dma_start3A_62] : memref<10240x64xf32, #tpu.memory_space<vmem_shared>> -> memref<10240x64xf32, #tpu.memory_space<vmem_shared>>
      tpu.enqueue_indirect_dma source(%arg9 : memref<80x64xf32, #tpu.memory_space<vmem>>) target(%dma_start3A_63 : memref<10240x64xf32, #tpu.memory_space<vmem_shared>>) offsets(%dma_start3A_60 : memref<80xi32, #tpu.memory_space<vmem>>) semaphore(%arg21 : memref<!tpu.dma_semaphore, #tpu.memory_space<semaphore_mem>>) {add = true}
      %dma_wait3A_64 = arith.constant 0 : i32
      %dma_wait3A_65 = tpu.memref_slice %arg7[%add3A_20, %dma_wait3A_64] : memref<125x80xi32, #tpu.memory_space<vmem>> -> memref<1x80xi32, #tpu.memory_space<vmem>>
      %dma_wait3A_66 = tpu.memref_squeeze %dma_wait3A_65 : memref<1x80xi32, #tpu.memory_space<vmem>> -> memref<80xi32, #tpu.memory_space<vmem>>
      %dma_wait3A_67 = arith.constant 0 : i32
      %dma_wait3A_68 = arith.constant 0 : i32
      %dma_wait3A_69 = tpu.memref_slice %arg15[%dma_wait3A_67, %dma_wait3A_68] : memref<10240x64xf32, #tpu.memory_space<vmem_shared>> -> memref<10240x64xf32, #tpu.memory_space<vmem_shared>>
      tpu.wait_indirect_dma semaphore(%arg17 : memref<!tpu.dma_semaphore, #tpu.memory_space<semaphore_mem>>) src(%dma_wait3A_69 : memref<10240x64xf32, #tpu.memory_space<vmem_shared>>) dst(%arg10 : memref<80x64xf32, #tpu.memory_space<vmem>>)
      %add3A_70 = arith.constant 1 : i32
      %add3A_71 = arith.addi %mul3A_11, %add3A_70 : i32
      %dma_start3A_72 = arith.constant 0 : i32
      %dma_start3A_73 = tpu.memref_slice %arg8[%add3A_71, %dma_start3A_72] : memref<125x80xi32, #tpu.memory_space<vmem>> -> memref<1x80xi32, #tpu.memory_space<vmem>>
      %dma_start3A_74 = tpu.memref_squeeze %dma_start3A_73 : memref<1x80xi32, #tpu.memory_space<vmem>> -> memref<80xi32, #tpu.memory_space<vmem>>
      %dma_start3A_75 = arith.constant 0 : i32
      %dma_start3A_76 = arith.constant 0 : i32
      %dma_start3A_77 = tpu.memref_slice %arg14[%dma_start3A_75, %dma_start3A_76] : memref<10240x64xf32, #tpu.memory_space<vmem_shared>> -> memref<10240x64xf32, #tpu.memory_space<vmem_shared>>
      tpu.enqueue_indirect_dma source(%arg10 : memref<80x64xf32, #tpu.memory_space<vmem>>) target(%dma_start3A_77 : memref<10240x64xf32, #tpu.memory_space<vmem_shared>>) offsets(%dma_start3A_74 : memref<80xi32, #tpu.memory_space<vmem>>) semaphore(%arg22 : memref<!tpu.dma_semaphore, #tpu.memory_space<semaphore_mem>>) {add = true}
      %dma_wait3A_78 = arith.constant 0 : i32
      %dma_wait3A_79 = tpu.memref_slice %arg7[%add3A_28, %dma_wait3A_78] : memref<125x80xi32, #tpu.memory_space<vmem>> -> memref<1x80xi32, #tpu.memory_space<vmem>>
      %dma_wait3A_80 = tpu.memref_squeeze %dma_wait3A_79 : memref<1x80xi32, #tpu.memory_space<vmem>> -> memref<80xi32, #tpu.memory_space<vmem>>
      %dma_wait3A_81 = arith.constant 0 : i32
      %dma_wait3A_82 = arith.constant 0 : i32
      %dma_wait3A_83 = tpu.memref_slice %arg15[%dma_wait3A_81, %dma_wait3A_82] : memref<10240x64xf32, #tpu.memory_space<vmem_shared>> -> memref<10240x64xf32, #tpu.memory_space<vmem_shared>>
      tpu.wait_indirect_dma semaphore(%arg18 : memref<!tpu.dma_semaphore, #tpu.memory_space<semaphore_mem>>) src(%dma_wait3A_83 : memref<10240x64xf32, #tpu.memory_space<vmem_shared>>) dst(%arg11 : memref<80x64xf32, #tpu.memory_space<vmem>>)
      %add3A_84 = arith.constant 2 : i32
      %add3A_85 = arith.addi %mul3A_11, %add3A_84 : i32
      %dma_start3A_86 = arith.constant 0 : i32
      %dma_start3A_87 = tpu.memref_slice %arg8[%add3A_85, %dma_start3A_86] : memref<125x80xi32, #tpu.memory_space<vmem>> -> memref<1x80xi32, #tpu.memory_space<vmem>>
      %dma_start3A_88 = tpu.memref_squeeze %dma_start3A_87 : memref<1x80xi32, #tpu.memory_space<vmem>> -> memref<80xi32, #tpu.memory_space<vmem>>
      %dma_start3A_89 = arith.constant 0 : i32
      %dma_start3A_90 = arith.constant 0 : i32
      %dma_start3A_91 = tpu.memref_slice %arg14[%dma_start3A_89, %dma_start3A_90] : memref<10240x64xf32, #tpu.memory_space<vmem_shared>> -> memref<10240x64xf32, #tpu.memory_space<vmem_shared>>
      tpu.enqueue_indirect_dma source(%arg11 : memref<80x64xf32, #tpu.memory_space<vmem>>) target(%dma_start3A_91 : memref<10240x64xf32, #tpu.memory_space<vmem_shared>>) offsets(%dma_start3A_88 : memref<80xi32, #tpu.memory_space<vmem>>) semaphore(%arg23 : memref<!tpu.dma_semaphore, #tpu.memory_space<semaphore_mem>>) {add = true}
      %dma_wait3A_92 = arith.constant 0 : i32
      %dma_wait3A_93 = tpu.memref_slice %arg7[%add3A_36, %dma_wait3A_92] : memref<125x80xi32, #tpu.memory_space<vmem>> -> memref<1x80xi32, #tpu.memory_space<vmem>>
      %dma_wait3A_94 = tpu.memref_squeeze %dma_wait3A_93 : memref<1x80xi32, #tpu.memory_space<vmem>> -> memref<80xi32, #tpu.memory_space<vmem>>
      %dma_wait3A_95 = arith.constant 0 : i32
      %dma_wait3A_96 = arith.constant 0 : i32
      %dma_wait3A_97 = tpu.memref_slice %arg15[%dma_wait3A_95, %dma_wait3A_96] : memref<10240x64xf32, #tpu.memory_space<vmem_shared>> -> memref<10240x64xf32, #tpu.memory_space<vmem_shared>>
      tpu.wait_indirect_dma semaphore(%arg19 : memref<!tpu.dma_semaphore, #tpu.memory_space<semaphore_mem>>) src(%dma_wait3A_97 : memref<10240x64xf32, #tpu.memory_space<vmem_shared>>) dst(%arg12 : memref<80x64xf32, #tpu.memory_space<vmem>>)
      %add3A_98 = arith.constant 3 : i32
      %add3A_99 = arith.addi %mul3A_11, %add3A_98 : i32
      %dma_start3A_100 = arith.constant 0 : i32
      %dma_start3A_101 = tpu.memref_slice %arg8[%add3A_99, %dma_start3A_100] : memref<125x80xi32, #tpu.memory_space<vmem>> -> memref<1x80xi32, #tpu.memory_space<vmem>>
      %dma_start3A_102 = tpu.memref_squeeze %dma_start3A_101 : memref<1x80xi32, #tpu.memory_space<vmem>> -> memref<80xi32, #tpu.memory_space<vmem>>
      %dma_start3A_103 = arith.constant 0 : i32
      %dma_start3A_104 = arith.constant 0 : i32
      %dma_start3A_105 = tpu.memref_slice %arg14[%dma_start3A_103, %dma_start3A_104] : memref<10240x64xf32, #tpu.memory_space<vmem_shared>> -> memref<10240x64xf32, #tpu.memory_space<vmem_shared>>
      tpu.enqueue_indirect_dma source(%arg12 : memref<80x64xf32, #tpu.memory_space<vmem>>) target(%dma_start3A_105 : memref<10240x64xf32, #tpu.memory_space<vmem_shared>>) offsets(%dma_start3A_102 : memref<80xi32, #tpu.memory_space<vmem>>) semaphore(%arg24 : memref<!tpu.dma_semaphore, #tpu.memory_space<semaphore_mem>>) {add = true}
      %dma_wait3A_106 = arith.constant 0 : i32
      %dma_wait3A_107 = tpu.memref_slice %arg7[%add3A_44, %dma_wait3A_106] : memref<125x80xi32, #tpu.memory_space<vmem>> -> memref<1x80xi32, #tpu.memory_space<vmem>>
      %dma_wait3A_108 = tpu.memref_squeeze %dma_wait3A_107 : memref<1x80xi32, #tpu.memory_space<vmem>> -> memref<80xi32, #tpu.memory_space<vmem>>
      %dma_wait3A_109 = arith.constant 0 : i32
      %dma_wait3A_110 = arith.constant 0 : i32
      %dma_wait3A_111 = tpu.memref_slice %arg15[%dma_wait3A_109, %dma_wait3A_110] : memref<10240x64xf32, #tpu.memory_space<vmem_shared>> -> memref<10240x64xf32, #tpu.memory_space<vmem_shared>>
      tpu.wait_indirect_dma semaphore(%arg20 : memref<!tpu.dma_semaphore, #tpu.memory_space<semaphore_mem>>) src(%dma_wait3A_111 : memref<10240x64xf32, #tpu.memory_space<vmem_shared>>) dst(%arg13 : memref<80x64xf32, #tpu.memory_space<vmem>>)
      %add3A_112 = arith.constant 4 : i32
      %add3A_113 = arith.addi %mul3A_11, %add3A_112 : i32
      %dma_start3A_114 = arith.constant 0 : i32
      %dma_start3A_115 = tpu.memref_slice %arg8[%add3A_113, %dma_start3A_114] : memref<125x80xi32, #tpu.memory_space<vmem>> -> memref<1x80xi32, #tpu.memory_space<vmem>>
      %dma_start3A_116 = tpu.memref_squeeze %dma_start3A_115 : memref<1x80xi32, #tpu.memory_space<vmem>> -> memref<80xi32, #tpu.memory_space<vmem>>
      %dma_start3A_117 = arith.constant 0 : i32
      %dma_start3A_118 = arith.constant 0 : i32
      %dma_start3A_119 = tpu.memref_slice %arg14[%dma_start3A_117, %dma_start3A_118] : memref<10240x64xf32, #tpu.memory_space<vmem_shared>> -> memref<10240x64xf32, #tpu.memory_space<vmem_shared>>
      tpu.enqueue_indirect_dma source(%arg13 : memref<80x64xf32, #tpu.memory_space<vmem>>) target(%dma_start3A_119 : memref<10240x64xf32, #tpu.memory_space<vmem_shared>>) offsets(%dma_start3A_116 : memref<80xi32, #tpu.memory_space<vmem>>) semaphore(%arg25 : memref<!tpu.dma_semaphore, #tpu.memory_space<semaphore_mem>>) {add = true}
      %dma_wait3A_120 = arith.constant 0 : i32
      %dma_wait3A_121 = tpu.memref_slice %arg8[%add3A_57, %dma_wait3A_120] : memref<125x80xi32, #tpu.memory_space<vmem>> -> memref<1x80xi32, #tpu.memory_space<vmem>>
      %dma_wait3A_122 = tpu.memref_squeeze %dma_wait3A_121 : memref<1x80xi32, #tpu.memory_space<vmem>> -> memref<80xi32, #tpu.memory_space<vmem>>
      %dma_wait3A_123 = arith.constant 0 : i32
      %dma_wait3A_124 = arith.constant 0 : i32
      %dma_wait3A_125 = tpu.memref_slice %arg14[%dma_wait3A_123, %dma_wait3A_124] : memref<10240x64xf32, #tpu.memory_space<vmem_shared>> -> memref<10240x64xf32, #tpu.memory_space<vmem_shared>>
      tpu.wait_indirect_dma semaphore(%arg21 : memref<!tpu.dma_semaphore, #tpu.memory_space<semaphore_mem>>) src(%arg9 : memref<80x64xf32, #tpu.memory_space<vmem>>) dst(%dma_wait3A_125 : memref<10240x64xf32, #tpu.memory_space<vmem_shared>>)
      %dma_wait3A_126 = arith.constant 0 : i32
      %dma_wait3A_127 = tpu.memref_slice %arg8[%add3A_71, %dma_wait3A_126] : memref<125x80xi32, #tpu.memory_space<vmem>> -> memref<1x80xi32, #tpu.memory_space<vmem>>
      %dma_wait3A_128 = tpu.memref_squeeze %dma_wait3A_127 : memref<1x80xi32, #tpu.memory_space<vmem>> -> memref<80xi32, #tpu.memory_space<vmem>>
      %dma_wait3A_129 = arith.constant 0 : i32
      %dma_wait3A_130 = arith.constant 0 : i32
      %dma_wait3A_131 = tpu.memref_slice %arg14[%dma_wait3A_129, %dma_wait3A_130] : memref<10240x64xf32, #tpu.memory_space<vmem_shared>> -> memref<10240x64xf32, #tpu.memory_space<vmem_shared>>
      tpu.wait_indirect_dma semaphore(%arg22 : memref<!tpu.dma_semaphore, #tpu.memory_space<semaphore_mem>>) src(%arg10 : memref<80x64xf32, #tpu.memory_space<vmem>>) dst(%dma_wait3A_131 : memref<10240x64xf32, #tpu.memory_space<vmem_shared>>)
      %dma_wait3A_132 = arith.constant 0 : i32
      %dma_wait3A_133 = tpu.memref_slice %arg8[%add3A_85, %dma_wait3A_132] : memref<125x80xi32, #tpu.memory_space<vmem>> -> memref<1x80xi32, #tpu.memory_space<vmem>>
      %dma_wait3A_134 = tpu.memref_squeeze %dma_wait3A_133 : memref<1x80xi32, #tpu.memory_space<vmem>> -> memref<80xi32, #tpu.memory_space<vmem>>
      %dma_wait3A_135 = arith.constant 0 : i32
      %dma_wait3A_136 = arith.constant 0 : i32
      %dma_wait3A_137 = tpu.memref_slice %arg14[%dma_wait3A_135, %dma_wait3A_136] : memref<10240x64xf32, #tpu.memory_space<vmem_shared>> -> memref<10240x64xf32, #tpu.memory_space<vmem_shared>>
      tpu.wait_indirect_dma semaphore(%arg23 : memref<!tpu.dma_semaphore, #tpu.memory_space<semaphore_mem>>) src(%arg11 : memref<80x64xf32, #tpu.memory_space<vmem>>) dst(%dma_wait3A_137 : memref<10240x64xf32, #tpu.memory_space<vmem_shared>>)
      %dma_wait3A_138 = arith.constant 0 : i32
      %dma_wait3A_139 = tpu.memref_slice %arg8[%add3A_99, %dma_wait3A_138] : memref<125x80xi32, #tpu.memory_space<vmem>> -> memref<1x80xi32, #tpu.memory_space<vmem>>
      %dma_wait3A_140 = tpu.memref_squeeze %dma_wait3A_139 : memref<1x80xi32, #tpu.memory_space<vmem>> -> memref<80xi32, #tpu.memory_space<vmem>>
      %dma_wait3A_141 = arith.constant 0 : i32
      %dma_wait3A_142 = arith.constant 0 : i32
      %dma_wait3A_143 = tpu.memref_slice %arg14[%dma_wait3A_141, %dma_wait3A_142] : memref<10240x64xf32, #tpu.memory_space<vmem_shared>> -> memref<10240x64xf32, #tpu.memory_space<vmem_shared>>
      tpu.wait_indirect_dma semaphore(%arg24 : memref<!tpu.dma_semaphore, #tpu.memory_space<semaphore_mem>>) src(%arg12 : memref<80x64xf32, #tpu.memory_space<vmem>>) dst(%dma_wait3A_143 : memref<10240x64xf32, #tpu.memory_space<vmem_shared>>)
      %dma_wait3A_144 = arith.constant 0 : i32
      %dma_wait3A_145 = tpu.memref_slice %arg8[%add3A_113, %dma_wait3A_144] : memref<125x80xi32, #tpu.memory_space<vmem>> -> memref<1x80xi32, #tpu.memory_space<vmem>>
      %dma_wait3A_146 = tpu.memref_squeeze %dma_wait3A_145 : memref<1x80xi32, #tpu.memory_space<vmem>> -> memref<80xi32, #tpu.memory_space<vmem>>
      %dma_wait3A_147 = arith.constant 0 : i32
      %dma_wait3A_148 = arith.constant 0 : i32
      %dma_wait3A_149 = tpu.memref_slice %arg14[%dma_wait3A_147, %dma_wait3A_148] : memref<10240x64xf32, #tpu.memory_space<vmem_shared>> -> memref<10240x64xf32, #tpu.memory_space<vmem_shared>>
      tpu.wait_indirect_dma semaphore(%arg25 : memref<!tpu.dma_semaphore, #tpu.memory_space<semaphore_mem>>) src(%arg13 : memref<80x64xf32, #tpu.memory_space<vmem>>) dst(%dma_wait3A_149 : memref<10240x64xf32, #tpu.memory_space<vmem_shared>>)
    }
    %scan3A_7 = arith.constant 25 : i32
    %barrier3A_8 = arith.constant 0 : index
    tpu.barrier barrier_id(%barrier3A_8)
    "tpu.region"() ({
      %run_scoped3A = tpu.sem_alloc : memref<!tpu.dma_semaphore, #tpu.memory_space<semaphore_mem>>
      %dma_start3A = arith.constant 0 : i32
      %dma_start3A_9 = tpu.memref_slice %arg6[%arg0, %mul3A_2, %dma_start3A] : memref<2x10240x64xf32, #tpu.memory_space<hbm>> -> memref<1x640x64xf32, #tpu.memory_space<hbm>>
      %dma_start3A_10 = tpu.memref_squeeze %dma_start3A_9 : memref<1x640x64xf32, #tpu.memory_space<hbm>> -> memref<640x64xf32, #tpu.memory_space<hbm>>
      %dma_start3A_11 = arith.constant 0 : i32
      %dma_start3A_12 = tpu.memref_slice %arg14[%mul3A_2, %dma_start3A_11] : memref<10240x64xf32, #tpu.memory_space<vmem_shared>> -> memref<640x64xf32, #tpu.memory_space<vmem_shared>>
      tpu.enqueue_dma source(%dma_start3A_12 : memref<640x64xf32, #tpu.memory_space<vmem_shared>>) target(%dma_start3A_10 : memref<640x64xf32, #tpu.memory_space<hbm>>) target_semaphore(%run_scoped3A : memref<!tpu.dma_semaphore, #tpu.memory_space<semaphore_mem>>)
      %dma_wait3A = arith.constant 0 : i32
      %dma_wait3A_13 = tpu.memref_slice %arg6[%arg0, %mul3A_2, %dma_wait3A] : memref<2x10240x64xf32, #tpu.memory_space<hbm>> -> memref<1x640x64xf32, #tpu.memory_space<hbm>>
      %dma_wait3A_14 = tpu.memref_squeeze %dma_wait3A_13 : memref<1x640x64xf32, #tpu.memory_space<hbm>> -> memref<640x64xf32, #tpu.memory_space<hbm>>
      %dma_wait3A_15 = arith.constant 0 : i32
      %dma_wait3A_16 = tpu.memref_slice %arg14[%mul3A_2, %dma_wait3A_15] : memref<10240x64xf32, #tpu.memory_space<vmem_shared>> -> memref<640x64xf32, #tpu.memory_space<vmem_shared>>
      tpu.wait_dma2 semaphore(%run_scoped3A : memref<!tpu.dma_semaphore, #tpu.memory_space<semaphore_mem>>) src(%dma_wait3A_16 : memref<640x64xf32, #tpu.memory_space<vmem_shared>>) dst(%dma_wait3A_14 : memref<640x64xf32, #tpu.memory_space<hbm>>)
      tpu.yield
    }) : () -> ()
    return
  }
}

module attributes {stable_mosaic.version = 14 : i64} {
  func.func @_tc1_body(%arg0: memref<10000x128xf32, #tpu.memory_space<vmem>>, %arg1: memref<64x128xf32, #tpu.memory_space<vmem>>, %arg2: memref<64x128xf32, #tpu.memory_space<vmem>>, %arg3: memref<1x64xf32, #tpu.memory_space<vmem>>, %arg4: memref<10240x64xf32, #tpu.memory_space<vmem>>, %arg5: memref<10000x64xf32, #tpu.memory_space<vmem>>) attributes {dimension_semantics = [], scalar_prefetch = 0 : i64, scratch_operands = 0 : i64, tpu.core_type = #tpu.core_type<tc>} {
    %get3A = arith.constant 0 : index
    %get3A_0 = arith.constant 0 : index
    %get3A_1 = vector.load %arg0[%get3A, %get3A_0] : memref<10000x128xf32, #tpu.memory_space<vmem>>, vector<10000x128xf32>
    %get3A_2 = arith.constant 0 : index
    %get3A_3 = arith.constant 0 : index
    %get3A_4 = vector.load %arg1[%get3A_2, %get3A_3] : memref<64x128xf32, #tpu.memory_space<vmem>>, vector<64x128xf32>
    %dot_general3A = arith.constant dense<0.000000e+00> : vector<10000x64xf32>
    %dot_general3A_5 = tpu.matmul %get3A_1, %get3A_4, %dot_general3A {dimension_numbers = #tpu.dot_dimension_numbers<[1], [1], [0], [0], [0, 0, 1, 0], [], []>, transpose_lhs_hint = false} : vector<10000x128xf32>, vector<64x128xf32>, vector<10000x64xf32> -> vector<10000x64xf32>
    %swap3A = arith.constant 0 : index
    %swap3A_6 = arith.constant 0 : index
    %swap3A_7 = vector.load %arg4[%swap3A, %swap3A_6] : memref<10240x64xf32, #tpu.memory_space<vmem>>, vector<10000x64xf32>
    tpu.vector_store %arg4[%swap3A, %swap3A_6], %dot_general3A_5 {strides = array<i32>} : memref<10240x64xf32, #tpu.memory_space<vmem>>, vector<10000x64xf32>,
    %broadcast_in_dim3A = arith.constant 0.000000e+00 : f32
    %broadcast_in_dim3A_8 = vector.broadcast %broadcast_in_dim3A : f32 to vector<240x64xf32>
    %swap3A_9 = arith.constant 10000 : index
    %swap3A_10 = arith.constant 0 : index
    %swap3A_11 = vector.load %arg4[%swap3A_9, %swap3A_10] : memref<10240x64xf32, #tpu.memory_space<vmem>>, vector<240x64xf32>
    tpu.vector_store %arg4[%swap3A_9, %swap3A_10], %broadcast_in_dim3A_8 {strides = array<i32>} : memref<10240x64xf32, #tpu.memory_space<vmem>>, vector<240x64xf32>,
    %get3A_12 = arith.constant 0 : index
    %get3A_13 = arith.constant 0 : index
    %get3A_14 = vector.load %arg2[%get3A_12, %get3A_13] : memref<64x128xf32, #tpu.memory_space<vmem>>, vector<64x128xf32>
    %dot_general3A_15 = arith.constant dense<0.000000e+00> : vector<10000x64xf32>
    %dot_general3A_16 = tpu.matmul %get3A_1, %get3A_14, %dot_general3A_15 {dimension_numbers = #tpu.dot_dimension_numbers<[1], [1], [0], [0], [0, 0, 1, 0], [], []>, transpose_lhs_hint = false} : vector<10000x128xf32>, vector<64x128xf32>, vector<10000x64xf32> -> vector<10000x64xf32>
    %get3A_17 = arith.constant 0 : index
    %get3A_18 = arith.constant 0 : index
    %get3A_19 = vector.load %arg3[%get3A_17, %get3A_18] : memref<1x64xf32, #tpu.memory_space<vmem>>, vector<1x64xf32>
    %add3A = vector.broadcast %get3A_19 : vector<1x64xf32> to vector<10000x64xf32>
    %add3A_20 = arith.addf %dot_general3A_16, %add3A : vector<10000x64xf32>
    %swap3A_21 = arith.constant 0 : index
    %swap3A_22 = arith.constant 0 : index
    %swap3A_23 = vector.load %arg5[%swap3A_21, %swap3A_22] : memref<10000x64xf32, #tpu.memory_space<vmem>>, vector<10000x64xf32>
    tpu.vector_store %arg5[%swap3A_21, %swap3A_22], %add3A_20 {strides = array<i32>} : memref<10000x64xf32, #tpu.memory_space<vmem>>, vector<10000x64xf32>,
    return
  }
}

module attributes {stable_mosaic.version = 14 : i64} {
  func.func @_tc_mid_body(%arg0: memref<2x10240x64xf32, #tpu.memory_space<vmem>>, %arg1: memref<2x10240x16xf32, #tpu.memory_space<vmem>>, %arg2: memref<10000x64xf32, #tpu.memory_space<vmem>>, %arg3: memref<64x64xf32, #tpu.memory_space<vmem>>, %arg4: memref<64x64xf32, #tpu.memory_space<vmem>>, %arg5: memref<1x64xf32, #tpu.memory_space<vmem>>, %arg6: memref<10240x64xf32, #tpu.memory_space<vmem>>, %arg7: memref<10000x64xf32, #tpu.memory_space<vmem>>) attributes {dimension_semantics = [], scalar_prefetch = 0 : i64, scratch_operands = 0 : i64, tpu.core_type = #tpu.core_type<tc>} {
    %get3A = arith.constant 0 : index
    %get3A_0 = arith.constant 0 : index
    %get3A_1 = arith.constant 0 : index
    %get3A_2 = vector.load %arg0[%get3A, %get3A_0, %get3A_1] : memref<2x10240x64xf32, #tpu.memory_space<vmem>>, vector<1x10000x64xf32>
    %get3A_3 = vector.shape_cast %get3A_2 : vector<1x10000x64xf32> to vector<10000x64xf32>
    %get3A_4 = arith.constant 1 : index
    %get3A_5 = arith.constant 0 : index
    %get3A_6 = arith.constant 0 : index
    %get3A_7 = vector.load %arg0[%get3A_4, %get3A_5, %get3A_6] : memref<2x10240x64xf32, #tpu.memory_space<vmem>>, vector<1x10000x64xf32>
    %get3A_8 = vector.shape_cast %get3A_7 : vector<1x10000x64xf32> to vector<10000x64xf32>
    %add3A = arith.addf %get3A_3, %get3A_8 : vector<10000x64xf32>
    %get3A_9 = arith.constant 0 : index
    %get3A_10 = arith.constant 0 : index
    %get3A_11 = arith.constant 0 : index
    %get3A_12 = vector.load %arg1[%get3A_9, %get3A_10, %get3A_11] : memref<2x10240x16xf32, #tpu.memory_space<vmem>>, vector<1x10000x16xf32>
    %get3A_13 = vector.shape_cast %get3A_12 : vector<1x10000x16xf32> to vector<10000x16xf32>
    %reduce_sum3A = arith.constant dense<0.000000e+00> : vector<10000xf32>
    %reduce_sum3A_14 = vector.multi_reduction <add>, %get3A_13, %reduce_sum3A [1] : vector<10000x16xf32> to vector<10000xf32>
    %get3A_15 = arith.constant 1 : index
    %get3A_16 = arith.constant 0 : index
    %get3A_17 = arith.constant 0 : index
    %get3A_18 = vector.load %arg1[%get3A_15, %get3A_16, %get3A_17] : memref<2x10240x16xf32, #tpu.memory_space<vmem>>, vector<1x10000x16xf32>
    %get3A_19 = vector.shape_cast %get3A_18 : vector<1x10000x16xf32> to vector<10000x16xf32>
    %reduce_sum3A_20 = arith.constant dense<0.000000e+00> : vector<10000xf32>
    %reduce_sum3A_21 = vector.multi_reduction <add>, %get3A_19, %reduce_sum3A_20 [1] : vector<10000x16xf32> to vector<10000xf32>
    %add3A_22 = arith.addf %reduce_sum3A_14, %reduce_sum3A_21 : vector<10000xf32>
    %max3A = arith.constant 1.600000e+01 : f32
    %max3A_23 = vector.broadcast %max3A : f32 to vector<10000xf32>
    %max3A_24 = arith.maximumf %add3A_22, %max3A_23 : vector<10000xf32>
    %div3A = arith.constant 1.600000e+01 : f32
    %div3A_25 = vector.broadcast %div3A : f32 to vector<10000xf32>
    %div3A_26 = arith.divf %div3A_25, %max3A_24 : vector<10000xf32>
    %broadcast_in_dim3A = vector.shape_cast %div3A_26 : vector<10000xf32> to vector<10000x1xf32>
    %mul3A = vector.broadcast %broadcast_in_dim3A : vector<10000x1xf32> to vector<10000x64xf32>
    %mul3A_27 = arith.mulf %add3A, %mul3A : vector<10000x64xf32>
    %get3A_28 = arith.constant 0 : index
    %get3A_29 = arith.constant 0 : index
    %get3A_30 = vector.load %arg2[%get3A_28, %get3A_29] : memref<10000x64xf32, #tpu.memory_space<vmem>>, vector<10000x64xf32>
    %add3A_31 = arith.addf %mul3A_27, %get3A_30 : vector<10000x64xf32>
    %gt3A = arith.constant 0.000000e+00 : f32
    %gt3A_32 = vector.broadcast %gt3A : f32 to vector<10000x64xf32>
    %gt3A_33 = arith.cmpf ogt, %add3A_31, %gt3A_32 : vector<10000x64xf32>
    %min3A = arith.constant 0.000000e+00 : f32
    %min3A_34 = vector.broadcast %min3A : f32 to vector<10000x64xf32>
    %min3A_35 = arith.minimumf %add3A_31, %min3A_34 : vector<10000x64xf32>
    %exp3A = math.exp %min3A_35 : vector<10000x64xf32>
    %sub3A = arith.constant 1.000000e+00 : f32
    %sub3A_36 = vector.broadcast %sub3A : f32 to vector<10000x64xf32>
    %sub3A_37 = arith.subf %exp3A, %sub3A_36 : vector<10000x64xf32>
    %select_n3A = arith.select %gt3A_33, %add3A_31, %sub3A_37 : vector<10000x64xi1>, vector<10000x64xf32>
    %get3A_38 = arith.constant 0 : index
    %get3A_39 = arith.constant 0 : index
    %get3A_40 = vector.load %arg3[%get3A_38, %get3A_39] : memref<64x64xf32, #tpu.memory_space<vmem>>, vector<64x64xf32>
    %dot_general3A = arith.constant dense<0.000000e+00> : vector<10000x64xf32>
    %dot_general3A_41 = tpu.matmul %select_n3A, %get3A_40, %dot_general3A {dimension_numbers = #tpu.dot_dimension_numbers<[1], [1], [0], [0], [0, 0, 1, 0], [], []>, transpose_lhs_hint = false} : vector<10000x64xf32>, vector<64x64xf32>, vector<10000x64xf32> -> vector<10000x64xf32>
    %swap3A = arith.constant 0 : index
    %swap3A_42 = arith.constant 0 : index
    %swap3A_43 = vector.load %arg6[%swap3A, %swap3A_42] : memref<10240x64xf32, #tpu.memory_space<vmem>>, vector<10000x64xf32>
    tpu.vector_store %arg6[%swap3A, %swap3A_42], %dot_general3A_41 {strides = array<i32>} : memref<10240x64xf32, #tpu.memory_space<vmem>>, vector<10000x64xf32>,
    %broadcast_in_dim3A_44 = arith.constant 0.000000e+00 : f32
    %broadcast_in_dim3A_45 = vector.broadcast %broadcast_in_dim3A_44 : f32 to vector<240x64xf32>
    %swap3A_46 = arith.constant 10000 : index
    %swap3A_47 = arith.constant 0 : index
    %swap3A_48 = vector.load %arg6[%swap3A_46, %swap3A_47] : memref<10240x64xf32, #tpu.memory_space<vmem>>, vector<240x64xf32>
    tpu.vector_store %arg6[%swap3A_46, %swap3A_47], %broadcast_in_dim3A_45 {strides = array<i32>} : memref<10240x64xf32, #tpu.memory_space<vmem>>, vector<240x64xf32>,
    %get3A_49 = arith.constant 0 : index
    %get3A_50 = arith.constant 0 : index
    %get3A_51 = vector.load %arg4[%get3A_49, %get3A_50] : memref<64x64xf32, #tpu.memory_space<vmem>>, vector<64x64xf32>
    %dot_general3A_52 = arith.constant dense<0.000000e+00> : vector<10000x64xf32>
    %dot_general3A_53 = tpu.matmul %select_n3A, %get3A_51, %dot_general3A_52 {dimension_numbers = #tpu.dot_dimension_numbers<[1], [1], [0], [0], [0, 0, 1, 0], [], []>, transpose_lhs_hint = false} : vector<10000x64xf32>, vector<64x64xf32>, vector<10000x64xf32> -> vector<10000x64xf32>
    %get3A_54 = arith.constant 0 : index
    %get3A_55 = arith.constant 0 : index
    %get3A_56 = vector.load %arg5[%get3A_54, %get3A_55] : memref<1x64xf32, #tpu.memory_space<vmem>>, vector<1x64xf32>
    %add3A_57 = vector.broadcast %get3A_56 : vector<1x64xf32> to vector<10000x64xf32>
    %add3A_58 = arith.addf %dot_general3A_53, %add3A_57 : vector<10000x64xf32>
    %swap3A_59 = arith.constant 0 : index
    %swap3A_60 = arith.constant 0 : index
    %swap3A_61 = vector.load %arg7[%swap3A_59, %swap3A_60] : memref<10000x64xf32, #tpu.memory_space<vmem>>, vector<10000x64xf32>
    tpu.vector_store %arg7[%swap3A_59, %swap3A_60], %add3A_58 {strides = array<i32>} : memref<10000x64xf32, #tpu.memory_space<vmem>>, vector<10000x64xf32>,
    return
  }
}

module attributes {stable_mosaic.version = 14 : i64} {
  func.func @_tc_out_body(%arg0: memref<2x10240x64xf32, #tpu.memory_space<vmem>>, %arg1: memref<2x10240x16xf32, #tpu.memory_space<vmem>>, %arg2: memref<10000x64xf32, #tpu.memory_space<vmem>>, %arg3: memref<64x64xf32, #tpu.memory_space<vmem>>, %arg4: memref<1x64xf32, #tpu.memory_space<vmem>>, %arg5: memref<10000x64xf32, #tpu.memory_space<vmem>>) attributes {dimension_semantics = [], scalar_prefetch = 0 : i64, scratch_operands = 0 : i64, tpu.core_type = #tpu.core_type<tc>} {
    %get3A = arith.constant 0 : index
    %get3A_0 = arith.constant 0 : index
    %get3A_1 = arith.constant 0 : index
    %get3A_2 = vector.load %arg0[%get3A, %get3A_0, %get3A_1] : memref<2x10240x64xf32, #tpu.memory_space<vmem>>, vector<1x10000x64xf32>
    %get3A_3 = vector.shape_cast %get3A_2 : vector<1x10000x64xf32> to vector<10000x64xf32>
    %get3A_4 = arith.constant 1 : index
    %get3A_5 = arith.constant 0 : index
    %get3A_6 = arith.constant 0 : index
    %get3A_7 = vector.load %arg0[%get3A_4, %get3A_5, %get3A_6] : memref<2x10240x64xf32, #tpu.memory_space<vmem>>, vector<1x10000x64xf32>
    %get3A_8 = vector.shape_cast %get3A_7 : vector<1x10000x64xf32> to vector<10000x64xf32>
    %add3A = arith.addf %get3A_3, %get3A_8 : vector<10000x64xf32>
    %get3A_9 = arith.constant 0 : index
    %get3A_10 = arith.constant 0 : index
    %get3A_11 = arith.constant 0 : index
    %get3A_12 = vector.load %arg1[%get3A_9, %get3A_10, %get3A_11] : memref<2x10240x16xf32, #tpu.memory_space<vmem>>, vector<1x10000x16xf32>
    %get3A_13 = vector.shape_cast %get3A_12 : vector<1x10000x16xf32> to vector<10000x16xf32>
    %reduce_sum3A = arith.constant dense<0.000000e+00> : vector<10000xf32>
    %reduce_sum3A_14 = vector.multi_reduction <add>, %get3A_13, %reduce_sum3A [1] : vector<10000x16xf32> to vector<10000xf32>
    %get3A_15 = arith.constant 1 : index
    %get3A_16 = arith.constant 0 : index
    %get3A_17 = arith.constant 0 : index
    %get3A_18 = vector.load %arg1[%get3A_15, %get3A_16, %get3A_17] : memref<2x10240x16xf32, #tpu.memory_space<vmem>>, vector<1x10000x16xf32>
    %get3A_19 = vector.shape_cast %get3A_18 : vector<1x10000x16xf32> to vector<10000x16xf32>
    %reduce_sum3A_20 = arith.constant dense<0.000000e+00> : vector<10000xf32>
    %reduce_sum3A_21 = vector.multi_reduction <add>, %get3A_19, %reduce_sum3A_20 [1] : vector<10000x16xf32> to vector<10000xf32>
    %add3A_22 = arith.addf %reduce_sum3A_14, %reduce_sum3A_21 : vector<10000xf32>
    %max3A = arith.constant 1.600000e+01 : f32
    %max3A_23 = vector.broadcast %max3A : f32 to vector<10000xf32>
    %max3A_24 = arith.maximumf %add3A_22, %max3A_23 : vector<10000xf32>
    %div3A = arith.constant 1.600000e+01 : f32
    %div3A_25 = vector.broadcast %div3A : f32 to vector<10000xf32>
    %div3A_26 = arith.divf %div3A_25, %max3A_24 : vector<10000xf32>
    %broadcast_in_dim3A = vector.shape_cast %div3A_26 : vector<10000xf32> to vector<10000x1xf32>
    %mul3A = vector.broadcast %broadcast_in_dim3A : vector<10000x1xf32> to vector<10000x64xf32>
    %mul3A_27 = arith.mulf %add3A, %mul3A : vector<10000x64xf32>
    %get3A_28 = arith.constant 0 : index
    %get3A_29 = arith.constant 0 : index
    %get3A_30 = vector.load %arg2[%get3A_28, %get3A_29] : memref<10000x64xf32, #tpu.memory_space<vmem>>, vector<10000x64xf32>
    %add3A_31 = arith.addf %mul3A_27, %get3A_30 : vector<10000x64xf32>
    %get3A_32 = arith.constant 0 : index
    %get3A_33 = arith.constant 0 : index
    %get3A_34 = vector.load %arg3[%get3A_32, %get3A_33] : memref<64x64xf32, #tpu.memory_space<vmem>>, vector<64x64xf32>
    %dot_general3A = arith.constant dense<0.000000e+00> : vector<10000x64xf32>
    %dot_general3A_35 = tpu.matmul %add3A_31, %get3A_34, %dot_general3A {dimension_numbers = #tpu.dot_dimension_numbers<[1], [1], [0], [0], [0, 0, 1, 0], [], []>, transpose_lhs_hint = false} : vector<10000x64xf32>, vector<64x64xf32>, vector<10000x64xf32> -> vector<10000x64xf32>
    %get3A_36 = arith.constant 0 : index
    %get3A_37 = arith.constant 0 : index
    %get3A_38 = vector.load %arg4[%get3A_36, %get3A_37] : memref<1x64xf32, #tpu.memory_space<vmem>>, vector<1x64xf32>
    %add3A_39 = vector.broadcast %get3A_38 : vector<1x64xf32> to vector<10000x64xf32>
    %add3A_40 = arith.addf %dot_general3A_35, %add3A_39 : vector<10000x64xf32>
    %swap3A = arith.constant 0 : index
    %swap3A_41 = arith.constant 0 : index
    %swap3A_42 = vector.load %arg5[%swap3A, %swap3A_41] : memref<10000x64xf32, #tpu.memory_space<vmem>>, vector<10000x64xf32>
    tpu.vector_store %arg5[%swap3A, %swap3A_41], %add3A_40 {strides = array<i32>} : memref<10000x64xf32, #tpu.memory_space<vmem>>, vector<10000x64xf32>,
    return
  }
}

</mosaic_0001>

<sc_bundles>
// kernel: kernel.10.cloned.1.call-start
scs
__scs_entry_jumppad:
0x0: {  	(pc) =	sbr.rel $0x88, $3  }
0x1: {  	(tag) =	ssettag $0x0;
	lr =	simm.s32 $0x1  }
0x2: {  	[smem:$0x3F94] =	sst lr;
	_ =	strace $0xD0000000  }
0x3: {  	_ = 	snop  }
0x4: {  	_ = 	snop  }
0x5: {  	_ = 	snop  }
0x6: {  	_ = 	snop  }
0x7: {  	_ = 	snop  }
__scs_overlays_trampoline_lowered:
0x8: {  	[smem:$0x3FA3] =	sst s0  }
0x9: {  	[smem:$0x3FA4] =	sst s1  }
0xa: {  	[smem:$0x3FA5] =	sst s2  }
0xb: {  	[smem:$0x3FA6] =	sst s3  }
0xc: {  	[smem:$0x3FA7] =	sst s4  }
0xd: {  	[smem:$0x3FA8] =	sst s5  }
0xe: {  	[smem:$0x3FA9] =	sst s6  }
0xf: {  	[smem:$0x3FAA] =	sst s7  }
0x10: {  	[smem:$0x3FAB] =	sst s8  }
0x11: {  	[smem:$0x3FAC] =	sst s9;
	s0 =	simm.s32 @!p0 $0x0  }
0x12: {  	s1 =	sld [smem:$0x3F92];
	s0 =	simm.s32 @p0 $0x1  }
0x13: {  	[smem:$0x3FAD] =	sst s0;
	s0 =	simm.s32 @!p1 $0x0  }
0x14: {  	s2 =	sld [smem:$0x3F91];
	s0 =	simm.s32 @p1 $0x1  }
0x15: {  	[smem:$0x3FAE] =	sst s0;
	s0 =	simm.s32 @!p2 $0x0  }
0x16: {  	s3 =	sld [smem:$0x3FDB];
	s0 =	simm.s32 @p2 $0x1  }
0x17: {  	s4 =	simm.s32 $0x1BF5;
	[smem:$0x3FB0] =	sst s0  }
0x18: {  	s0 =	sld [smem:$0x3F93];
	_ =	swait.ge [sflag:s4], $0x0  }
0x19: {  	s7 =	sld [smem:$0x3F94]  }
0x1a: {  	s8 =	sadd.s32 $0xFFFFE003, lr  }
0x1b: {  	s9 =	sadd.s32 $0xFFFFFEF7, lr;
	s5 =	simm.s32 $0xFFFFFFFF;
	p2 =	slt.u32 s8, $0xFFFFF086  }
0x1c: {  	p1 =	slt.u32 s9, $0xF7A;
	s5 =	simm.s32 @!p2 $0x0  }
0x1d: {  	s5 =	simm.s32 @p1 $0x1;
	p0 =	seq.s32 s7, s2  }
0x1e: {  	s7 =	smul.u32 @!p0 $0xF7A, s2;
	p2 =	seq.s32 @!p0 s5, $0x0  }
0x1f: {  	s9 =	smul.u32 $0xF7A, s1;
	s8 =	simm.s32 @!p0 $0x1BF5;
	p2 =	por !p2, p0  }
0x20: {  	[sflag:s8] =	ssyncset.s32 @!p0 $0xFFFFF086;
	s6 =	sadd.s32 @!p0 s3, s7;
	s7 =	simm.s32 @!p0 $0x108  }
0x21: {  	s3 =	sadd.s32 s3, s9;
	s6 =	sadd.s32 @!p0 $0x88, s6;
	s7 =	simm.s32 @p2 $0x1082  }
0x22: {  	[simem:s7], [sflag:s8] =	dma.local @!p0 [hbm:s6], $0xF7A  }
0x23: {  	s9 =	sor.u32 $0xD0000000, s2;
	s6 =	simm.s32 $0x108;
	_ =	swait.ge @!p0 [sflag:s8], $0x0  }
0x24: {  	s3 =	sadd.s32 $0x88, s3;
	s6 =	simm.s32 @!p1 $0x1082;
	[sflag:s4] =	ssyncset.s32 $0xFFFFF086  }
0x25: {  	[simem:s6], [sflag:s4] =	dma.local [hbm:s3], $0xF7A  }
0x26: {  	[smem:$0x3F94] =	sst s1;
	(tag) =	ssettag s2;
	_ =	strace s9  }
0x27: {  	s1 =	sld [smem:$0x3FA4]  }
0x28: {  	s2 =	sld [smem:$0x3FA5]  }
0x29: {  	s4 =	sld [smem:$0x3FA7]  }
0x2a: {  	p0 =	seq.s32 s5, $0x0;
	s5 =	sld [smem:$0x3FA8]  }
0x2b: {  	s6 =	sld [smem:$0x3FA9]  }
0x2c: {  	s7 =	sld [smem:$0x3FAA]  }
0x2d: {  	s3 =	simm.s32 $0x108;
	s8 =	sld [smem:$0x3FAB]  }
0x2e: {  	s3 =	simm.s32 @!p0 $0x1082;
	s9 =	sld [smem:$0x3FAC]  }
0x2f: {  	lr =	sadd.s32 s0, s3;
	s0 =	sld [smem:$0x3FA3]  }
0x30: {  	s3 =	sld [smem:$0x3FA6]  }
0x31: {  	[smem:$0x3FAF] =	sst s10  }
0x32: {  	s10 =	sld [smem:$0x3FAD];
	_ =	sdelay $0x3  }
0x33: {  	p0 =	seq.s32 s10, $0x1;
	s10 =	sld [smem:$0x3FAF];
	_ =	sdelay $0x3  }
0x34: {  	[smem:$0x3FAF] =	sst s10  }
0x35: {  	s10 =	sld [smem:$0x3FAE];
	_ =	sdelay $0x3  }
0x36: {  	p1 =	seq.s32 s10, $0x1;
	s10 =	sld [smem:$0x3FAF];
	_ =	sdelay $0x3  }
0x37: {  	[smem:$0x3FAF] =	sst s10  }
0x38: {  	s10 =	sld [smem:$0x3FB0]  }
0x39: {  	_ = 	snop;
	(pc) =	sbr.ind lr, $3  }
0x3a: {  	_ = 	snop  }
0x3b: {  	_ = 	snop  }
0x3c: {  	p2 =	seq.s32 s10, $0x1;
	s10 =	sld [smem:$0x3FAF]  }
0x3d: {  	_ =	shalt  }
0x3e: {  	_ =	shalt  }
0x3f: {  	_ =	shalt  }
0x40: {  	_ =	shalt  }
0x41: {  	_ =	shalt  }
0x42: {  	_ =	shalt  }
0x43: {  	_ =	shalt  }
0x44: {  	_ =	shalt  }
0x45: {  	_ =	shalt  }
0x46: {  	_ =	shalt  }
0x47: {  	_ =	shalt  }
0x48: {  	_ =	shalt  }
0x49: {  	_ =	shalt  }
0x4a: {  	_ =	shalt  }
0x4b: {  	_ =	shalt  }
0x4c: {  	_ =	shalt  }
0x4d: {  	_ =	shalt  }
0x4e: {  	_ =	shalt  }
0x4f: {  	_ =	shalt  }
0x50: {  	_ =	shalt  }
0x51: {  	_ =	shalt  }
0x52: {  	_ =	shalt  }
0x53: {  	_ =	shalt  }
0x54: {  	_ =	shalt  }
0x55: {  	_ =	shalt  }
0x56: {  	_ =	shalt  }
0x57: {  	_ =	shalt  }
0x58: {  	_ =	shalt  }
0x59: {  	_ =	shalt  }
0x5a: {  	_ =	shalt  }
0x5b: {  	_ =	shalt  }
0x5c: {  	_ =	shalt  }
0x5d: {  	_ =	shalt  }
0x5e: {  	_ =	shalt  }
0x5f: {  	_ =	shalt  }
0x60: {  	_ =	shalt  }
0x61: {  	_ =	shalt  }
0x62: {  	_ =	shalt  }
0x63: {  	_ =	shalt  }
0x64: {  	_ =	shalt  }
0x65: {  	_ =	shalt  }
0x66: {  	_ =	shalt  }
0x67: {  	_ =	shalt  }
0x68: {  	_ =	shalt  }
0x69: {  	_ =	shalt  }
0x6a: {  	_ =	shalt  }
0x6b: {  	_ =	shalt  }
0x6c: {  	_ =	shalt  }
0x6d: {  	_ =	shalt  }
0x6e: {  	_ =	shalt  }
0x6f: {  	_ =	shalt  }
0x70: {  	_ =	shalt  }
0x71: {  	_ =	shalt  }
0x72: {  	_ =	shalt  }
0x73: {  	_ =	shalt  }
0x74: {  	_ =	shalt  }
0x75: {  	_ =	shalt  }
0x76: {  	_ =	shalt  }
0x77: {  	_ =	shalt  }
0x78: {  	_ =	shalt  }
0x79: {  	_ =	shalt  }
0x7a: {  	_ =	shalt  }
0x7b: {  	_ =	shalt  }
0x7c: {  	_ =	shalt  }
0x7d: {  	_ =	shalt  }
0x7e: {  	_ =	shalt  }
0x7f: {  	_ =	shalt  }
0x80: {  	_ =	shalt  }
0x81: {  	_ =	shalt  }
0x82: {  	_ =	shalt  }
0x83: {  	_ =	shalt  }
0x84: {  	_ =	shalt  }
0x85: {  	_ =	shalt  }
0x86: {  	_ =	shalt  }
0x87: {  	_ =	shalt  }
.Lfunc_end0:
.L_simem_size_0:
called_computation_lowered:
.L_overlay_start_0:
0x88: {  	s2 =	sld [smem:$0x3FD9]  }
0x89: {  	s3 =	sld [smem:$0x3FFE];
	_ =	sdelay $0x1  }
0x8a: {  	s1 =	srdreg.scid  }
0x8b: {  	s0 =	sand.u32 $0x1, s1  }
0x8c: {  	s17 =	sshll.u32 s0, $0xA;
	s2 =	sadd.s32 s3, s2  }
0x8d: {  	s2 =	sadd.s32 s2, s17  }
0x8e: {  	[smem:$0x3FBB] =	sst s2  }
0x8f: {  	_ = 	snop  }
0x90: {  	s2 =	sld [smem:$0x3FD0];
	(tm) =	ssettm $0x1  }
0x91: {  	s18 =	sld [smem:$0x3FFB];
	_ =	sdelay $0x3  }
0x92: {  	_ =	strace s18  }
0x93: {  	s3 =	sld [smem:$0x3FFC];
	_ =	sdelay $0x3  }
0x94: {  	_ =	strace s3  }
0x95: {  	s3 =	sld [smem:$0x3FFD];
	_ =	sdelay $0x3  }
0x96: {  	_ =	strace s3  }
0x97: {  	_ =	strace $0x8FFFFFFF  }
0x98: {  	s19 =	sld [smem:$0x3FDB];
	_ =	sdelay $0x1  }
0x99: {  	s4 =	simm.s32 $_scs_section_size  }
0x9a: {  	s5 =	simm.s32 $_size__tile_overlayer_lowered;
	s6 =	simm.s32 $_tile_overlayer_lowered  }
0x9b: {  	s22 =	simm.s32 $0x1BFF;
	s21 =	sshll.u32 s6, $0x1;
	s3 =	sadd.s32 s4, s19  }
0x9c: {  	s7 =	simm.s32 $0x0;
	s20 =	sshll.u32 s5, $0x1;
	s5 =	sadd.s32 s21, s3  }
0x9d: {  	[timem:s7], [sflag:s22] =	dma.local [hbm:s5], s20  }
0x9e: {  	_ =	swait.ge [sflag:s22], s20  }
0x9f: {  	s4 =	ssub.s32 $0x0, s20;
	[sflag:s22] =	ssyncset.done $0x0  }
0xa0: {  	[sflag:s22] =	ssyncadd.s32 s4;
	_ =	sdelay $0x1  }
0xa1: {  	s23 =	simm.s32 $0x1B8B  }
0xa2: {  	_ =	swait.ge [sflag:s23], $0x1  }
0xa3: {  	[sflag:s23] =	ssyncset.done $0x0  }
0xa4: {  	s25 =	simm.s32 $0x1B8E;
	s24 =	sld [smem:$0x3FFE];
	[sflag:s23] =	ssyncadd.s32 $0xFFFFFFFF  }
0xa5: {  	s26 =	simm.s32 $execute0_lowered;
	[smem:$0x3FD2] =	sst s25  }
0xa6: {  	s5 =	sshll.u32 s26, $0x1;
	_ =	strace $0x80000046;
	[dreg:$0x1] =	wrdreg $0xFFFFFFFF  }
0xa7: {  	s28 =	simm.s32 $_size_execute0_lowered;
	s3 =	sadd.s32 s3, s5;
	[dreg:$0x0] =	wrdreg $0x0  }
0xa8: {  	s5 =	sshll.u32 s28, $0x1;
	[dreg:$0x2] =	wrdreg s3  }
0xa9: {  	[dreg:$0x3] =	wrdreg s5  }
0xaa: {  	[dreg:$0x4] =	wrdreg $0xC0  }
0xab: {  	_ =	task [dreg:s7], $0x5FFFF  }
0xac: {  	[dreg:$0x1] =	wrdreg $0xFFFFFFFF  }
0xad: {  	[dreg:$0x0] =	wrdreg $0x60  }
0xae: {  	[dreg:$0x2] =	wrdreg s24  }
0xaf: {  	[dreg:$0x3] =	wrdreg s2  }
0xb0: {  	[dreg:$0x4] =	wrdreg $0x2C100  }
0xb1: {  	[dreg:$0x5] =	wrdreg $0x9  }
0xb2: {  	_ =	task.clear_ibuf [dreg:s7], $0x6FFFF;
	_ =	strace $0x90000046  }
0xb3: {  	s29 =	simm.s32 $0x9;
	_ =	strace $0x80000048  }
0xb4: {  	_ =	swait.ge [sflag:s29], $0x1  }
0xb5: {  	[sflag:s29] =	ssyncadd.s32 $0xFFFFFFFF  }
0xb6: {  	_ =	strace $0x90000048  }
0xb7: {  	_ =	sfence  }
0xb8: {  	s30 =	sld [smem:$0x0];
	_ =	sdelay $0x2  }
0xb9: {  	s31 =	sshll.u32 s1, $0xD;
	s1 =	sshrl.u32 s1, $0x2  }
0xba: {  	s3 =	sand.u32 $0x4000, s31;
	s1 =	sadd.s32 s1, s30  }
0xbb: {  	s0 =	sor.u32 s3, s0;
	s1 =	sshll.u32 s1, $0x11  }
0xbc: {  	s0 =	sor.u32 s1, s0  }
0xbd: {  	s0 =	sadd.s32 $0x8F2B, s0  }
0xbe: {  	[sflag:s0] =	ssyncadd.remote.s32 $0x1  }
0xbf: {  	_ =	sfence.sel $0xFFFF  }
0xc0: {  	[dreg:$0x0] =	wrdreg $0xFFFFFFFF;
	(pc) =	sbr.abs _section_cstart, $3  }
0xc1: {  	[dreg:$0x1] =	wrdreg $0xFFFFFFFF  }
0xc2: {  	_ =	task.clear_ibuf [dreg:s7], $0x2FFFF;
	_ =	strace $0x9FFFFFFF  }
0xc3: {  	(tm) =	ssettm $0x7FFFFFFF  }
tec
execute0_lowered:
.L_overlay_start_1:
0x0: {  	(tag) =	ssettag $0x1  }
0x1: {  	s4 =	rddreg [dreg:$0x0]  }
0x2: {  	s7 =	rddreg [dreg:$0x1]  }
0x3: {  	s1 =	rddreg [dreg:$0x2]  }
0x4: {  	s2 =	srdreg.scid;
	s0 =	rddreg [dreg:$0x3]  }
0x5: {  	s3 =	simm.s32 $0x0;
	s13 =	simm.s32 $0x50;
	s14 =	simm.s32 $0x1  }
0x6: {  	s15 =	simm.s32 $0x2;
	s16 =	simm.s32 $0x3;
	s17 =	simm.s32 $0x4  }
0x7: {  	s18 =	simm.s32 $0x5;
	s19 =	simm.s32 $0x0;
	s5 =	sand.u32 $0x1, s2  }
0x8: {  	s2 =	stileid.u32;
	[smem:$0x7FF] =	sst s3;
	s6 =	sshll.u32 s5, $0x4  }
0x9: {  	s8 =	smul.u32 $0x2800, s2;
	_ =	strace $0x80000047;
	s10 =	ssub.s32 $0x2, s5  }
0xa: {  	s5 =	smul.u32 $0x28000, s5;
	s31 =	sshll.u32 s2, $0x6;
	s6 =	sor.u32 s2, s6  }
0xb: {  	s11 =	sshrl.u32 s10, $0x1;
	s6 =	smul.u32 $0x4E2, s6;
	s9 =	sshrl.u32 s8, $0x3  }
0xc: {  	s10 =	ssub.s32 s10, s11;
	s29 =	sadd.s32 s8, s5;
	s12 =	sadd.s32 s8, s1  }
0xd: {  	s9 =	sadd.s32 s9, s4;
	s30 =	sshrl.u32 s29, $0x3;
	s8 =	smax.u32 s10, $0x1  }
0xe: {  	s10 =	sor.u32 $0x1C06, s31;
	s11 =	sshrl.u32 s12, $0x3;
	s12 =	simm.s32 $0x2710  }
0xf: {  	s6 =	sadd.s32 s6, s4;
	s4 =	sadd.s32 $0x16800, s4;
	s7 =	sadd.s32 s7, s30  }
0x10: {  	s5 =	sadd.s32 $0x2C00, s6;
	s6 =	sadd.s32 $0x16A00, s9;
	s9 =	simm.s32 $0x6  }
.LBB2_1:
0x11: {  	[tilespmem:s3], [sflag:$0x6] =	stream.linear.gather [hbm4b:s5+s3], $0x2710, $0x38;
	[tilespmem:$0x5410] =	vst v63  }
0x12: {  	_ =	swait.ge [sflag:s9], $0x2710  }
0x13: {  	[sflag:s9] =	ssyncset.done $0x0  }
0x14: {  	[sflag:s9] =	ssyncadd.s32 $0xFFFFD8F0  }
0x15: {  	[spmem:s11], [sflag:s10] =	dma.local [hbm:s6], $0x500  }
0x16: {  	_ =	swait.ge [sflag:s9], $0x500  }
0x17: {  	[sflag:s9] =	ssyncset.done $0x0  }
0x18: {  	[sflag:s9] =	ssyncadd.s32 $0xFFFFFB00  }
0x19: {  	[tilespmem:s12], [sflag:$0x6] =	stream.linear.gather [hbm4b:s4+s3], $0x500, $0x38;
	[tilespmem:$0x5410] =	vst v63  }
0x1a: {  	_ =	swait.ge [sflag:s9], $0x500  }
0x1b: {  	[sflag:s9] =	ssyncset.done $0x0  }
0x1c: {  	[sflag:s9] =	ssyncadd.s32 $0xFFFFFB00  }
0x1d: {  	s20 =	simm.s32 $0x0;
	[bflag:$0x0] =	sbarrier.arrive $0xFFFF  }
0x1e: {  	[spmem:s1] =	stream.indirect.scatter.add.f32 [tilespmem:s12], [sflag:$0x1], $0x10, s20, s13, $0xb8;
	[tilespmem:$0x5410] =	vst v63  }
0x1f: {  	s28 =	simm.s32 $0x50  }
0x20: {  	[spmem:s1] =	stream.indirect.scatter.add.f32 [tilespmem:s12], [sflag:$0x2], $0x10, s28, s13, $0xb8;
	[tilespmem:$0x5410] =	vst v63  }
0x21: {  	s29 =	simm.s32 $0xA0  }
0x22: {  	[spmem:s1] =	stream.indirect.scatter.add.f32 [tilespmem:s12], [sflag:$0x3], $0x10, s29, s13, $0xb8;
	[tilespmem:$0x5410] =	vst v63  }
0x23: {  	s30 =	simm.s32 $0xF0  }
0x24: {  	[spmem:s1] =	stream.indirect.scatter.add.f32 [tilespmem:s12], [sflag:$0x4], $0x10, s30, s13, $0xb8;
	[tilespmem:$0x5410] =	vst v63  }
0x25: {  	s31 =	simm.s32 $0x140  }
0x26: {  	[spmem:s1] =	stream.indirect.scatter.add.f32 [tilespmem:s12], [sflag:$0x5], $0x10, s31, s13, $0xb8;
	[tilespmem:$0x5410] =	vst v63  }
0x27: {  	_ =	swait.ge [sflag:s14], $0x500  }
0x28: {  	[sflag:s14] =	ssyncset.done $0x0  }
0x29: {  	[sflag:s14] =	ssyncadd.s32 $0xFFFFFB00  }
0x2a: {  	_ =	swait.ge [sflag:s15], $0x500  }
0x2b: {  	[sflag:s15] =	ssyncset.done $0x0  }
0x2c: {  	[sflag:s15] =	ssyncadd.s32 $0xFFFFFB00  }
0x2d: {  	_ =	swait.ge [sflag:s16], $0x500  }
0x2e: {  	[sflag:s16] =	ssyncset.done $0x0  }
0x2f: {  	[sflag:s16] =	ssyncadd.s32 $0xFFFFFB00  }
0x30: {  	_ =	swait.ge [sflag:s17], $0x500  }
0x31: {  	[sflag:s17] =	ssyncset.done $0x0  }
0x32: {  	[sflag:s17] =	ssyncadd.s32 $0xFFFFFB00  }
0x33: {  	_ =	swait.ge [sflag:s18], $0x500  }
0x34: {  	s21 =	simm.s32 $0xC80;
	s20 =	simm.s32 $0x640;
	[sflag:s18] =	ssyncset.done $0x0  }
.LBB2_2:
0x35: {  	s22 =	sshra.s32 s20, $0x2  }
0x36: {  	[sflag:s18] =	ssyncadd.s32 $0xFFFFFB00;
	s20 =	smov.u32 s21;
	s23 =	sadd.s32 $0x640, s21  }
0x37: {  	[spmem:s1] =	stream.indirect.scatter.add.f32 [tilespmem:s12], [sflag:$0x1], $0x10, s22, s13, $0xb8;
	[tilespmem:$0x5410] =	vst v63  }
0x38: {  	p0 =	sne.s32 s21, $0x9600;
	s21 =	sadd.s32 $0x50, s22  }
0x39: {  	[spmem:s1] =	stream.indirect.scatter.add.f32 [tilespmem:s12], [sflag:$0x2], $0x10, s21, s13, $0xb8;
	[tilespmem:$0x5410] =	vst v63  }
0x3a: {  	s21 =	sadd.s32 $0xA0, s22  }
0x3b: {  	[spmem:s1] =	stream.indirect.scatter.add.f32 [tilespmem:s12], [sflag:$0x3], $0x10, s21, s13, $0xb8;
	[tilespmem:$0x5410] =	vst v63  }
0x3c: {  	s21 =	sadd.s32 $0xF0, s22  }
0x3d: {  	[spmem:s1] =	stream.indirect.scatter.add.f32 [tilespmem:s12], [sflag:$0x4], $0x10, s21, s13, $0xb8;
	[tilespmem:$0x5410] =	vst v63  }
0x3e: {  	s21 =	sadd.s32 $0x140, s22  }
0x3f: {  	[spmem:s1] =	stream.indirect.scatter.add.f32 [tilespmem:s12], [sflag:$0x5], $0x10, s21, s13, $0xb8;
	[tilespmem:$0x5410] =	vst v63  }
0x40: {  	_ =	swait.ge [sflag:s14], $0x500  }
0x41: {  	[sflag:s14] =	ssyncset.done $0x0  }
0x42: {  	[sflag:s14] =	ssyncadd.s32 $0xFFFFFB00  }
0x43: {  	_ =	swait.ge [sflag:s15], $0x500  }
0x44: {  	[sflag:s15] =	ssyncset.done $0x0  }
0x45: {  	[sflag:s15] =	ssyncadd.s32 $0xFFFFFB00  }
0x46: {  	_ =	swait.ge [sflag:s16], $0x500  }
0x47: {  	[sflag:s16] =	ssyncset.done $0x0  }
0x48: {  	[sflag:s16] =	ssyncadd.s32 $0xFFFFFB00  }
.Ltmp0:
0x49: {  	_ =	swait.ge [sflag:s17], $0x500;
	(pc) =	sbr.rel @p0 .LBB2_2-.Ltmp0, $4  }
0x4a: {  	[sflag:s17] =	ssyncset.done $0x0  }
0x4b: {  	[sflag:s17] =	ssyncadd.s32 $0xFFFFFB00  }
0x4c: {  	_ =	swait.ge [sflag:s18], $0x500  }
0x4d: {  	s21 =	smov.u32 s23;
	[sflag:s18] =	ssyncset.done $0x0  }
0x4e: {  	s20 =	sshra.s32 s20, $0x2;
	[sflag:s18] =	ssyncadd.s32 $0xFFFFFB00  }
0x4f: {  	[spmem:s1] =	stream.indirect.scatter.add.f32 [tilespmem:s12], [sflag:$0x1], $0x10, s20, s13, $0xb8;
	[tilespmem:$0x5410] =	vst v63  }
0x50: {  	s21 =	sadd.s32 $0x50, s20  }
0x51: {  	[spmem:s1] =	stream.indirect.scatter.add.f32 [tilespmem:s12], [sflag:$0x2], $0x10, s21, s13, $0xb8;
	[tilespmem:$0x5410] =	vst v63  }
0x52: {  	s30 =	sadd.s32 $0xA0, s20  }
0x53: {  	[spmem:s1] =	stream.indirect.scatter.add.f32 [tilespmem:s12], [sflag:$0x3], $0x10, s30, s13, $0xb8;
	[tilespmem:$0x5410] =	vst v63  }
0x54: {  	s31 =	sadd.s32 $0xF0, s20  }
0x55: {  	[spmem:s1] =	stream.indirect.scatter.add.f32 [tilespmem:s12], [sflag:$0x4], $0x10, s31, s13, $0xb8;
	[tilespmem:$0x5410] =	vst v63  }
0x56: {  	s20 =	sadd.s32 $0x140, s20  }
0x57: {  	[spmem:s1] =	stream.indirect.scatter.add.f32 [tilespmem:s12], [sflag:$0x5], $0x10, s20, s13, $0xb8;
	[tilespmem:$0x5410] =	vst v63  }
0x58: {  	_ =	swait.ge [sflag:s14], $0x500  }
0x59: {  	[sflag:s14] =	ssyncset.done $0x0  }
0x5a: {  	[sflag:s14] =	ssyncadd.s32 $0xFFFFFB00  }
0x5b: {  	_ =	swait.ge [sflag:s15], $0x500  }
0x5c: {  	[sflag:s15] =	ssyncset.done $0x0  }
0x5d: {  	[sflag:s15] =	ssyncadd.s32 $0xFFFFFB00  }
0x5e: {  	_ =	swait.ge [sflag:s16], $0x500  }
0x5f: {  	[sflag:s16] =	ssyncset.done $0x0  }
0x60: {  	[sflag:s16] =	ssyncadd.s32 $0xFFFFFB00  }
0x61: {  	_ =	swait.ge [sflag:s17], $0x500  }
0x62: {  	[sflag:s17] =	ssyncset.done $0x0  }
0x63: {  	[sflag:s17] =	ssyncadd.s32 $0xFFFFFB00  }
0x64: {  	_ =	swait.ge [sflag:s18], $0x500  }
0x65: {  	s19 =	sadd.s32 $0x1, s19;
	[sflag:s18] =	ssyncset.done $0x0  }
0x66: {  	p0 =	sne.s32 s19, s8;
	[sflag:s18] =	ssyncadd.s32 $0xFFFFFB00  }
.Ltmp1:
0x67: {  	[bflag:$0x0] =	sbarrier.arrive $0xFFFF;
	(pc) =	sbr.rel @p0 .LBB2_1-.Ltmp1, $4  }
0x68: {  	[hbm:s7], [sflag:s10] =	dma.local [spmem:s11], $0x500  }
0x69: {  	_ =	swait.ge [sflag:s9], $0x500  }
0x6a: {  	[sflag:s9] =	ssyncset.done $0x0  }
0x6b: {  	[sflag:s9] =	ssyncadd.s32 $0xFFFFFB00  }
0x6c: {  	_ =	sfence.sel $0x180000  }
0x6d: {  	[bflag:$0x0] =	sbarrier.arrive $0xFFFF  }
0x6e: {  	p0 =	sne.s32 s2, $0x0;
	_ =	strace $0x90000047  }
0x6f: {  	s0 =	sadd.s32 @!p0 $0x100000, s0;
	[bflag:$0x2] =	sbarrier.arrive $0xFFFF  }
0x70: {  	[sflag:s0] =	ssyncadd.tile.s32 @!p0 $0x1;
	_ =	shalt  }
.Lfunc_end2:
_tile_overlayer_lowered:
.L_overlay_start_2:
0x71: {  	(tag) =	ssettag $0x2  }
0x72: {  	s0 =	rddreg [dreg:$0x0];
	s2 =	stileid.u32  }
0x73: {  	s1 =	rddreg [dreg:$0x1];
	p0 =	sne.s32 s2, $0x0  }
0x74: {  	s3 =	rddreg [dreg:$0x2];
	[bflag:$0x3] =	sbarrier.arrive $0xFFFF;
	s2 =	simm.s32 @!p0 $0x1C06  }
0x75: {  	[timem:s3], [sflag:s2] =	dma.local @!p0 [hbm:s0], s1  }
0x76: {  	s0 =	simm.s32 @!p0 $0x6  }
0x77: {  	_ =	swait.ge @!p0 [sflag:s0], s1  }
0x78: {  	s1 =	ssub.s32 @!p0 $0x0, s1;
	[sflag:s0] =	ssyncset.done @!p0 $0x0  }
0x79: {  	[sflag:s0] =	ssyncadd.s32 @!p0 s1  }
0x7a: {  	[bflag:$0x3] =	sbarrier.arrive $0xFFFF  }
0x7b: {  	_ =	shalt  }

// kernel: kernel.13.cloned.1.call-start
scs
__scs_entry_jumppad:
0x0: {  	(pc) =	sbr.rel $0x88, $3  }
0x1: {  	(tag) =	ssettag $0x0;
	lr =	simm.s32 $0x1  }
0x2: {  	[smem:$0x3F94] =	sst lr;
	_ =	strace $0xD0000000  }
0x3: {  	_ = 	snop  }
0x4: {  	_ = 	snop  }
0x5: {  	_ = 	snop  }
0x6: {  	_ = 	snop  }
0x7: {  	_ = 	snop  }
__scs_overlays_trampoline_lowered:
0x8: {  	[smem:$0x3FA3] =	sst s0  }
0x9: {  	[smem:$0x3FA4] =	sst s1  }
0xa: {  	[smem:$0x3FA5] =	sst s2  }
0xb: {  	[smem:$0x3FA6] =	sst s3  }
0xc: {  	[smem:$0x3FA7] =	sst s4  }
0xd: {  	[smem:$0x3FA8] =	sst s5  }
0xe: {  	[smem:$0x3FA9] =	sst s6  }
0xf: {  	[smem:$0x3FAA] =	sst s7  }
0x10: {  	[smem:$0x3FAB] =	sst s8  }
0x11: {  	[smem:$0x3FAC] =	sst s9;
	s0 =	simm.s32 @!p0 $0x0  }
0x12: {  	s1 =	sld [smem:$0x3F92];
	s0 =	simm.s32 @p0 $0x1  }
0x13: {  	[smem:$0x3FAD] =	sst s0;
	s0 =	simm.s32 @!p1 $0x0  }
0x14: {  	s2 =	sld [smem:$0x3F91];
	s0 =	simm.s32 @p1 $0x1  }
0x15: {  	[smem:$0x3FAE] =	sst s0;
	s0 =	simm.s32 @!p2 $0x0  }
0x16: {  	s3 =	sld [smem:$0x3FDB];
	s0 =	simm.s32 @p2 $0x1  }
0x17: {  	s4 =	simm.s32 $0x1BF5;
	[smem:$0x3FB0] =	sst s0  }
0x18: {  	s0 =	sld [smem:$0x3F93];
	_ =	swait.ge [sflag:s4], $0x0  }
0x19: {  	s7 =	sld [smem:$0x3F94]  }
0x1a: {  	s8 =	sadd.s32 $0xFFFFE003, lr  }
0x1b: {  	s9 =	sadd.s32 $0xFFFFFEF7, lr;
	s5 =	simm.s32 $0xFFFFFFFF;
	p2 =	slt.u32 s8, $0xFFFFF086  }
0x1c: {  	p1 =	slt.u32 s9, $0xF7A;
	s5 =	simm.s32 @!p2 $0x0  }
0x1d: {  	s5 =	simm.s32 @p1 $0x1;
	p0 =	seq.s32 s7, s2  }
0x1e: {  	s7 =	smul.u32 @!p0 $0xF7A, s2;
	p2 =	seq.s32 @!p0 s5, $0x0  }
0x1f: {  	s9 =	smul.u32 $0xF7A, s1;
	s8 =	simm.s32 @!p0 $0x1BF5;
	p2 =	por !p2, p0  }
0x20: {  	[sflag:s8] =	ssyncset.s32 @!p0 $0xFFFFF086;
	s6 =	sadd.s32 @!p0 s3, s7;
	s7 =	simm.s32 @!p0 $0x108  }
0x21: {  	s3 =	sadd.s32 s3, s9;
	s6 =	sadd.s32 @!p0 $0x88, s6;
	s7 =	simm.s32 @p2 $0x1082  }
0x22: {  	[simem:s7], [sflag:s8] =	dma.local @!p0 [hbm:s6], $0xF7A  }
0x23: {  	s9 =	sor.u32 $0xD0000000, s2;
	s6 =	simm.s32 $0x108;
	_ =	swait.ge @!p0 [sflag:s8], $0x0  }
0x24: {  	s3 =	sadd.s32 $0x88, s3;
	s6 =	simm.s32 @!p1 $0x1082;
	[sflag:s4] =	ssyncset.s32 $0xFFFFF086  }
0x25: {  	[simem:s6], [sflag:s4] =	dma.local [hbm:s3], $0xF7A  }
0x26: {  	[smem:$0x3F94] =	sst s1;
	(tag) =	ssettag s2;
	_ =	strace s9  }
0x27: {  	s1 =	sld [smem:$0x3FA4]  }
0x28: {  	s2 =	sld [smem:$0x3FA5]  }
0x29: {  	s4 =	sld [smem:$0x3FA7]  }
0x2a: {  	p0 =	seq.s32 s5, $0x0;
	s5 =	sld [smem:$0x3FA8]  }
0x2b: {  	s6 =	sld [smem:$0x3FA9]  }
0x2c: {  	s7 =	sld [smem:$0x3FAA]  }
0x2d: {  	s3 =	simm.s32 $0x108;
	s8 =	sld [smem:$0x3FAB]  }
0x2e: {  	s3 =	simm.s32 @!p0 $0x1082;
	s9 =	sld [smem:$0x3FAC]  }
0x2f: {  	lr =	sadd.s32 s0, s3;
	s0 =	sld [smem:$0x3FA3]  }
0x30: {  	s3 =	sld [smem:$0x3FA6]  }
0x31: {  	[smem:$0x3FAF] =	sst s10  }
0x32: {  	s10 =	sld [smem:$0x3FAD];
	_ =	sdelay $0x3  }
0x33: {  	p0 =	seq.s32 s10, $0x1;
	s10 =	sld [smem:$0x3FAF];
	_ =	sdelay $0x3  }
0x34: {  	[smem:$0x3FAF] =	sst s10  }
0x35: {  	s10 =	sld [smem:$0x3FAE];
	_ =	sdelay $0x3  }
0x36: {  	p1 =	seq.s32 s10, $0x1;
	s10 =	sld [smem:$0x3FAF];
	_ =	sdelay $0x3  }
0x37: {  	[smem:$0x3FAF] =	sst s10  }
0x38: {  	s10 =	sld [smem:$0x3FB0]  }
0x39: {  	_ = 	snop;
	(pc) =	sbr.ind lr, $3  }
0x3a: {  	_ = 	snop  }
0x3b: {  	_ = 	snop  }
0x3c: {  	p2 =	seq.s32 s10, $0x1;
	s10 =	sld [smem:$0x3FAF]  }
0x3d: {  	_ =	shalt  }
0x3e: {  	_ =	shalt  }
0x3f: {  	_ =	shalt  }
0x40: {  	_ =	shalt  }
0x41: {  	_ =	shalt  }
0x42: {  	_ =	shalt  }
0x43: {  	_ =	shalt  }
0x44: {  	_ =	shalt  }
0x45: {  	_ =	shalt  }
0x46: {  	_ =	shalt  }
0x47: {  	_ =	shalt  }
0x48: {  	_ =	shalt  }
0x49: {  	_ =	shalt  }
0x4a: {  	_ =	shalt  }
0x4b: {  	_ =	shalt  }
0x4c: {  	_ =	shalt  }
0x4d: {  	_ =	shalt  }
0x4e: {  	_ =	shalt  }
0x4f: {  	_ =	shalt  }
0x50: {  	_ =	shalt  }
0x51: {  	_ =	shalt  }
0x52: {  	_ =	shalt  }
0x53: {  	_ =	shalt  }
0x54: {  	_ =	shalt  }
0x55: {  	_ =	shalt  }
0x56: {  	_ =	shalt  }
0x57: {  	_ =	shalt  }
0x58: {  	_ =	shalt  }
0x59: {  	_ =	shalt  }
0x5a: {  	_ =	shalt  }
0x5b: {  	_ =	shalt  }
0x5c: {  	_ =	shalt  }
0x5d: {  	_ =	shalt  }
0x5e: {  	_ =	shalt  }
0x5f: {  	_ =	shalt  }
0x60: {  	_ =	shalt  }
0x61: {  	_ =	shalt  }
0x62: {  	_ =	shalt  }
0x63: {  	_ =	shalt  }
0x64: {  	_ =	shalt  }
0x65: {  	_ =	shalt  }
0x66: {  	_ =	shalt  }
0x67: {  	_ =	shalt  }
0x68: {  	_ =	shalt  }
0x69: {  	_ =	shalt  }
0x6a: {  	_ =	shalt  }
0x6b: {  	_ =	shalt  }
0x6c: {  	_ =	shalt  }
0x6d: {  	_ =	shalt  }
0x6e: {  	_ =	shalt  }
0x6f: {  	_ =	shalt  }
0x70: {  	_ =	shalt  }
0x71: {  	_ =	shalt  }
0x72: {  	_ =	shalt  }
0x73: {  	_ =	shalt  }
0x74: {  	_ =	shalt  }
0x75: {  	_ =	shalt  }
0x76: {  	_ =	shalt  }
0x77: {  	_ =	shalt  }
0x78: {  	_ =	shalt  }
0x79: {  	_ =	shalt  }
0x7a: {  	_ =	shalt  }
0x7b: {  	_ =	shalt  }
0x7c: {  	_ =	shalt  }
0x7d: {  	_ =	shalt  }
0x7e: {  	_ =	shalt  }
0x7f: {  	_ =	shalt  }
0x80: {  	_ =	shalt  }
0x81: {  	_ =	shalt  }
0x82: {  	_ =	shalt  }
0x83: {  	_ =	shalt  }
0x84: {  	_ =	shalt  }
0x85: {  	_ =	shalt  }
0x86: {  	_ =	shalt  }
0x87: {  	_ =	shalt  }
.Lfunc_end0:
.L_simem_size_0:
called_computation.1_lowered:
.L_overlay_start_0:
0x88: {  	s2 =	sld [smem:$0x3FD9]  }
0x89: {  	s3 =	sld [smem:$0x3FFE];
	_ =	sdelay $0x1  }
0x8a: {  	s1 =	srdreg.scid  }
0x8b: {  	s0 =	sand.u32 $0x1, s1  }
0x8c: {  	s17 =	sshll.u32 s0, $0xA;
	s2 =	sadd.s32 s3, s2  }
0x8d: {  	s2 =	sadd.s32 s2, s17  }
0x8e: {  	[smem:$0x3FBB] =	sst s2  }
0x8f: {  	_ = 	snop  }
0x90: {  	(tm) =	ssettm $0x1  }
0x91: {  	s18 =	sld [smem:$0x3FFB];
	_ =	sdelay $0x3  }
0x92: {  	_ =	strace s18  }
0x93: {  	s2 =	sld [smem:$0x3FFC];
	_ =	sdelay $0x3  }
0x94: {  	_ =	strace s2  }
0x95: {  	s2 =	sld [smem:$0x3FFD];
	_ =	sdelay $0x3  }
0x96: {  	_ =	strace s2  }
0x97: {  	_ =	strace $0x8FFFFFFF  }
0x98: {  	s19 =	sld [smem:$0x3FDB];
	_ =	sdelay $0x1  }
0x99: {  	s20 =	simm.s32 $_scs_section_size  }
0x9a: {  	s4 =	simm.s32 $_size__tile_overlayer_lowered;
	s5 =	simm.s32 $_tile_overlayer_lowered  }
0x9b: {  	s6 =	simm.s32 $0x1BFF;
	s21 =	sshll.u32 s5, $0x1;
	s3 =	sadd.s32 s20, s19  }
0x9c: {  	s22 =	simm.s32 $0x0;
	s4 =	sshll.u32 s4, $0x1;
	s5 =	sadd.s32 s21, s3  }
0x9d: {  	[timem:s22], [sflag:s6] =	dma.local [hbm:s5], s4  }
0x9e: {  	_ =	swait.ge [sflag:s6], s4  }
0x9f: {  	s4 =	ssub.s32 $0x0, s4;
	[sflag:s6] =	ssyncset.done $0x0  }
0xa0: {  	[sflag:s6] =	ssyncadd.s32 s4;
	_ =	sdelay $0x1  }
0xa1: {  	s23 =	simm.s32 $0x1B8B  }
0xa2: {  	_ =	swait.ge [sflag:s23], $0x1  }
0xa3: {  	[sflag:s23] =	ssyncset.done $0x0  }
0xa4: {  	[sflag:s23] =	ssyncadd.s32 $0xFFFFFFFF  }
0xa5: {  	s4 =	sld [smem:$0x0]  }
0xa6: {  	s5 =	sand.u32 $0xFFFFFFFE, s1  }
0xa7: {  	p0 =	sne.s32 s1, s5  }
0xa8: {  	s5 =	sshll.u32 @p0 s5, $0xE  }
0xa9: {  	s5 =	sadd.s32 @p0 $0x11B8D, s5;
	s6 =	sshll.u32 @p0 s4, $0x11  }
0xaa: {  	s5 =	sor.u32 @p0 s6, s5  }
0xab: {  	[sflag:s5] =	ssyncadd.remote.s32 @p0 $0x1;
	_ =	sdelay $0x1  }
0xac: {  	s5 =	simm.s32 @p0 $0x1B8D  }
0xad: {  	_ =	swait.eq @p0 [sflag:s5], $0x1  }
0xae: {  	[sflag:s5] =	ssyncadd.s32 @p0 $0xFFFFFFFF  }
0xaf: {  	s6 =	sshll.u32 @!p0 s1, $0xE  }
0xb0: {  	s6 =	sor.u32 @!p0 $0x4000, s6;
	s5 =	simm.s32 @!p0 $0x1B8D  }
0xb1: {  	s4 =	sshll.u32 @!p0 s4, $0x11;
	s6 =	sadd.s32 @!p0 $0x11B8D, s6;
	_ =	swait.eq @!p0 [sflag:s5], $0x1  }
0xb2: {  	s4 =	sor.u32 @!p0 s4, s6;
	[sflag:s5] =	ssyncadd.s32 @!p0 $0xFFFFFFFF  }
0xb3: {  	s25 =	simm.s32 $0x1B8E;
	s24 =	sld [smem:$0x3FFE];
	[sflag:s4] =	ssyncadd.remote.s32 @!p0 $0x1  }
0xb4: {  	s26 =	simm.s32 $execute0_lowered;
	[smem:$0x3FD2] =	sst s25  }
0xb5: {  	s5 =	sshll.u32 s26, $0x1;
	_ =	strace $0x80000049;
	[dreg:$0x1] =	wrdreg $0xFFFFFFFF  }
0xb6: {  	s28 =	simm.s32 $_size_execute0_lowered;
	s3 =	sadd.s32 s3, s5;
	[dreg:$0x0] =	wrdreg $0x0  }
0xb7: {  	s5 =	sshll.u32 s28, $0x1;
	[dreg:$0x2] =	wrdreg s3  }
0xb8: {  	[dreg:$0x3] =	wrdreg s5  }
0xb9: {  	[dreg:$0x4] =	wrdreg $0xC0  }
0xba: {  	_ =	task [dreg:s22], $0x5FFFF  }
0xbb: {  	[dreg:$0x1] =	wrdreg $0xFFFFFFFF  }
0xbc: {  	[dreg:$0x0] =	wrdreg $0x60  }
0xbd: {  	[dreg:$0x2] =	wrdreg s24  }
0xbe: {  	[dreg:$0x3] =	wrdreg $0x152200  }
0xbf: {  	[dreg:$0x4] =	wrdreg $0xB2200  }
0xc0: {  	[dreg:$0x5] =	wrdreg $0xA  }
0xc1: {  	_ =	task.clear_ibuf [dreg:s22], $0x6FFFF;
	_ =	strace $0x90000049  }
0xc2: {  	s29 =	simm.s32 $0xA;
	_ =	strace $0x8000004B  }
0xc3: {  	_ =	swait.ge [sflag:s29], $0x1  }
0xc4: {  	[sflag:s29] =	ssyncadd.s32 $0xFFFFFFFF  }
0xc5: {  	_ =	strace $0x9000004B  }
0xc6: {  	_ =	sfence  }
0xc7: {  	s30 =	sld [smem:$0x0];
	_ =	sdelay $0x2  }
0xc8: {  	s31 =	sshll.u32 s1, $0xD;
	s1 =	sshrl.u32 s1, $0x2  }
0xc9: {  	s4 =	sand.u32 $0x4000, s31;
	s1 =	sadd.s32 s1, s30  }
0xca: {  	s0 =	sor.u32 s4, s0;
	s1 =	sshll.u32 s1, $0x11  }
0xcb: {  	s0 =	sor.u32 s1, s0  }
0xcc: {  	s0 =	sadd.s32 $0x8F2B, s0  }
0xcd: {  	[sflag:s0] =	ssyncadd.remote.s32 $0x1  }
0xce: {  	_ =	sfence.sel $0xFFFF  }
0xcf: {  	[dreg:$0x0] =	wrdreg $0xFFFFFFFF;
	(pc) =	sbr.abs _section_cstart, $3  }
0xd0: {  	[dreg:$0x1] =	wrdreg $0xFFFFFFFF  }
0xd1: {  	_ =	task.clear_ibuf [dreg:s22], $0x2FFFF;
	_ =	strace $0x9FFFFFFF  }
0xd2: {  	(tm) =	ssettm $0x7FFFFFFF  }
0xd3: {  	_ =	shalt  }
tec
execute0_lowered:
.L_overlay_start_1:
0x0: {  	(tag) =	ssettag $0x1  }
0x1: {  	s0 =	srdreg.scid;
	s1 =	rddreg [dreg:$0x0]  }
0x2: {  	s12 =	stileid.u32;
	s2 =	rddreg [dreg:$0x1]  }
0x3: {  	s6 =	simm.s32 $0x0;
	s11 =	simm.s32 $0xB;
	s16 =	simm.s32 $0x50  }
0x4: {  	s17 =	simm.s32 $0x4E20;
	s18 =	simm.s32 $0x6220;
	s19 =	simm.s32 $0x7620  }
0x5: {  	s20 =	simm.s32 $0x8A20;
	s21 =	simm.s32 $0x9E20;
	s28 =	simm.s32 $0x6  }
0x6: {  	s29 =	simm.s32 $0x7;
	s30 =	simm.s32 $0x8;
	s31 =	simm.s32 $0x9  }
0x7: {  	s0 =	sand.u32 $0x1, s0;
	s5 =	smul.u32 $0xA000, s12;
	[smem:$0x7FF] =	sst s6  }
0x8: {  	s26 =	sshll.u32 s12, $0x6;
	s3 =	sshll.u32 s0, $0x4;
	s22 =	smul.u32 $0xA0000, s0  }
0x9: {  	s0 =	ssub.s32 $0x2, s0;
	s13 =	sor.u32 $0x1C0B, s26;
	s26 =	simm.s32 $0x5  }
0xa: {  	s4 =	sor.u32 s12, s3;
	s3 =	rddreg [dreg:$0x2];
	_ =	strace $0x8000004A  }
0xb: {  	s7 =	sshrl.u32 s5, $0x3;
	s23 =	sshrl.u32 s0, $0x1;
	s25 =	sadd.s32 s5, s2  }
0xc: {  	s4 =	smul.u32 $0x4E2, s4;
	s6 =	sadd.s32 s5, s22;
	s8 =	sadd.s32 s7, s1  }
0xd: {  	s0 =	ssub.s32 s0, s23;
	s5 =	sadd.s32 s5, s3;
	s14 =	sshrl.u32 s25, $0x3  }
0xe: {  	s22 =	simm.s32 $0x1;
	s23 =	simm.s32 $0x2;
	s25 =	simm.s32 $0x4  }
0xf: {  	s6 =	sshrl.u32 s6, $0x3;
	s7 =	sadd.s32 $0x1BA00, s8;
	s8 =	sadd.s32 $0x2FA00, s8  }
0x10: {  	s10 =	smax.u32 s0, $0x1;
	s15 =	sshrl.u32 s5, $0x3;
	s4 =	sadd.s32 s4, s1  }
0x11: {  	s0 =	simm.s32 $0x0;
	s1 =	sadd.s32 s6, s1;
	s24 =	sadd.s32 $0xCA00, s4  }
0x12: {  	s4 =	sadd.s32 $0x2C00, s4;
	s9 =	sadd.s32 $0x43A00, s1;
	[dreg:$0x4] =	wrdreg s24  }
0x13: {  	s1 =	simm.s32 $0xA;
	[dreg:$0x5] =	wrdreg s4;
	s24 =	simm.s32 $0x3  }
.LBB2_1:
0x14: {  	s4 =	simm.s32 $0x0;
	s5 =	rddreg [dreg:$0x4]  }
0x15: {  	[tilespmem:s4], [sflag:$0xB] =	stream.linear.gather [hbm4b:s5+s4], $0x2710, $0x38;
	[tilespmem:$0x1F220] =	vst v63  }
0x16: {  	_ =	swait.ge [sflag:s11], $0x2710  }
0x17: {  	[sflag:s11] =	ssyncset.done $0x0  }
0x18: {  	s6 =	simm.s32 $0x2710;
	s12 =	rddreg [dreg:$0x5];
	[sflag:s11] =	ssyncadd.s32 $0xFFFFD8F0  }
0x19: {  	[tilespmem:s6], [sflag:$0xB] =	stream.linear.gather [hbm4b:s12+s4], $0x2710, $0x38;
	[tilespmem:$0x1F220] =	vst v63  }
0x1a: {  	_ =	swait.ge [sflag:s11], $0x2710  }
0x1b: {  	[sflag:s11] =	ssyncset.done $0x0  }
0x1c: {  	[sflag:s11] =	ssyncadd.s32 $0xFFFFD8F0  }
0x1d: {  	[spmem:s14], [sflag:s13] =	dma.local [hbm:s7], $0x1400  }
0x1e: {  	_ =	swait.ge [sflag:s11], $0x1400  }
0x1f: {  	[sflag:s11] =	ssyncset.done $0x0  }
0x20: {  	[sflag:s11] =	ssyncadd.s32 $0xFFFFEC00  }
0x21: {  	[spmem:s15], [sflag:s13] =	dma.local [hbm:s8], $0x1400  }
0x22: {  	_ =	swait.ge [sflag:s11], $0x1400  }
0x23: {  	[sflag:s11] =	ssyncset.done $0x0  }
0x24: {  	[sflag:s11] =	ssyncadd.s32 $0xFFFFEC00  }
0x25: {  	s12 =	simm.s32 $0x0;
	[bflag:$0x0] =	sbarrier.arrive $0xFFFF  }
0x26: {  	[tilespmem:s17], [sflag:$0x1] =	stream.indirect.gather [spmem:s2], $0x40, s12, s16, $0xb8;
	[tilespmem:$0x1F220] =	vst v63  }
0x27: {  	s5 =	simm.s32 $0x50  }
0x28: {  	[tilespmem:s18], [sflag:$0x2] =	stream.indirect.gather [spmem:s2], $0x40, s5, s16, $0xb8;
	[tilespmem:$0x1F220] =	vst v63  }
0x29: {  	s6 =	simm.s32 $0xA0  }
0x2a: {  	[tilespmem:s19], [sflag:$0x3] =	stream.indirect.gather [spmem:s2], $0x40, s6, s16, $0xb8;
	[tilespmem:$0x1F220] =	vst v63  }
0x2b: {  	s12 =	simm.s32 $0xF0  }
0x2c: {  	[tilespmem:s20], [sflag:$0x4] =	stream.indirect.gather [spmem:s2], $0x40, s12, s16, $0xb8;
	[tilespmem:$0x1F220] =	vst v63  }
0x2d: {  	s5 =	simm.s32 $0x140  }
0x2e: {  	[tilespmem:s21], [sflag:$0x5] =	stream.indirect.gather [spmem:s2], $0x40, s5, s16, $0xb8;
	[tilespmem:$0x1F220] =	vst v63  }
0x2f: {  	_ =	swait.ge [sflag:s22], $0x1400  }
0x30: {  	[sflag:s22] =	ssyncset.done $0x0  }
0x31: {  	s6 =	simm.s32 $0x2710;
	[sflag:s22] =	ssyncadd.s32 $0xFFFFEC00  }
0x32: {  	[spmem:s3] =	stream.indirect.scatter.add.f32 [tilespmem:s17], [sflag:$0x6], $0x40, s6, s16, $0xb8;
	[tilespmem:$0x1F220] =	vst v63  }
0x33: {  	_ =	swait.ge [sflag:s23], $0x1400  }
0x34: {  	[sflag:s23] =	ssyncset.done $0x0  }
0x35: {  	s12 =	simm.s32 $0x2760;
	[sflag:s23] =	ssyncadd.s32 $0xFFFFEC00  }
0x36: {  	[spmem:s3] =	stream.indirect.scatter.add.f32 [tilespmem:s18], [sflag:$0x7], $0x40, s12, s16, $0xb8;
	[tilespmem:$0x1F220] =	vst v63  }
0x37: {  	_ =	swait.ge [sflag:s24], $0x1400  }
0x38: {  	[sflag:s24] =	ssyncset.done $0x0  }
0x39: {  	s5 =	simm.s32 $0x27B0;
	[sflag:s24] =	ssyncadd.s32 $0xFFFFEC00  }
0x3a: {  	[spmem:s3] =	stream.indirect.scatter.add.f32 [tilespmem:s19], [sflag:$0x8], $0x40, s5, s16, $0xb8;
	[tilespmem:$0x1F220] =	vst v63  }
0x3b: {  	_ =	swait.ge [sflag:s25], $0x1400  }
0x3c: {  	[sflag:s25] =	ssyncset.done $0x0  }
0x3d: {  	s6 =	simm.s32 $0x2800;
	[sflag:s25] =	ssyncadd.s32 $0xFFFFEC00  }
0x3e: {  	[spmem:s3] =	stream.indirect.scatter.add.f32 [tilespmem:s20], [sflag:$0x9], $0x40, s6, s16, $0xb8;
	[tilespmem:$0x1F220] =	vst v63  }
0x3f: {  	_ =	swait.ge [sflag:s26], $0x1400  }
0x40: {  	[sflag:s26] =	ssyncset.done $0x0  }
0x41: {  	s12 =	simm.s32 $0x2850;
	[sflag:s26] =	ssyncadd.s32 $0xFFFFEC00  }
0x42: {  	[spmem:s3] =	stream.indirect.scatter.add.f32 [tilespmem:s21], [sflag:$0xA], $0x40, s12, s16, $0xb8;
	[tilespmem:$0x1F220] =	vst v63  }
0x43: {  	_ =	swait.ge [sflag:s28], $0x1400  }
0x44: {  	[sflag:s28] =	ssyncset.done $0x0  }
0x45: {  	[sflag:s28] =	ssyncadd.s32 $0xFFFFEC00  }
0x46: {  	_ =	swait.ge [sflag:s29], $0x1400  }
0x47: {  	[sflag:s29] =	ssyncset.done $0x0  }
0x48: {  	[sflag:s29] =	ssyncadd.s32 $0xFFFFEC00  }
0x49: {  	_ =	swait.ge [sflag:s30], $0x1400  }
0x4a: {  	[sflag:s30] =	ssyncset.done $0x0  }
0x4b: {  	[sflag:s30] =	ssyncadd.s32 $0xFFFFEC00  }
0x4c: {  	_ =	swait.ge [sflag:s31], $0x1400  }
0x4d: {  	[sflag:s31] =	ssyncset.done $0x0  }
0x4e: {  	[sflag:s31] =	ssyncadd.s32 $0xFFFFEC00  }
0x4f: {  	_ =	swait.ge [sflag:s1], $0x1400  }
0x50: {  	s4 =	simm.s32 $0xC80;
	s12 =	simm.s32 $0x640;
	[sflag:s1] =	ssyncset.done $0x0  }
.LBB2_2:
0x51: {  	s5 =	sshra.s32 s12, $0x2  }
0x52: {  	[sflag:s1] =	ssyncadd.s32 $0xFFFFEC00;
	s12 =	smov.u32 s4;
	s6 =	sadd.s32 $0x640, s4  }
0x53: {  	[tilespmem:s17], [sflag:$0x1] =	stream.indirect.gather [spmem:s2], $0x40, s5, s16, $0xb8;
	[tilespmem:$0x1F220] =	vst v63  }
0x54: {  	p0 =	sne.s32 s4, $0x9600;
	s4 =	sadd.s32 $0x50, s5  }
0x55: {  	[tilespmem:s18], [sflag:$0x2] =	stream.indirect.gather [spmem:s2], $0x40, s4, s16, $0xb8;
	[tilespmem:$0x1F220] =	vst v63  }
0x56: {  	s4 =	sadd.s32 $0xA0, s5  }
0x57: {  	[tilespmem:s19], [sflag:$0x3] =	stream.indirect.gather [spmem:s2], $0x40, s4, s16, $0xb8;
	[tilespmem:$0x1F220] =	vst v63  }
0x58: {  	s4 =	sadd.s32 $0xF0, s5  }
0x59: {  	[tilespmem:s20], [sflag:$0x4] =	stream.indirect.gather [spmem:s2], $0x40, s4, s16, $0xb8;
	[tilespmem:$0x1F220] =	vst v63  }
0x5a: {  	s4 =	sadd.s32 $0x140, s5  }
0x5b: {  	[tilespmem:s21], [sflag:$0x5] =	stream.indirect.gather [spmem:s2], $0x40, s4, s16, $0xb8;
	[tilespmem:$0x1F220] =	vst v63  }
0x5c: {  	_ =	swait.ge [sflag:s22], $0x1400  }
0x5d: {  	[sflag:s22] =	ssyncset.done $0x0  }
0x5e: {  	s4 =	sadd.s32 $0x2710, s5;
	[sflag:s22] =	ssyncadd.s32 $0xFFFFEC00  }
0x5f: {  	[spmem:s3] =	stream.indirect.scatter.add.f32 [tilespmem:s17], [sflag:$0x6], $0x40, s4, s16, $0xb8;
	[tilespmem:$0x1F220] =	vst v63  }
0x60: {  	_ =	swait.ge [sflag:s23], $0x1400  }
0x61: {  	[sflag:s23] =	ssyncset.done $0x0  }
0x62: {  	s4 =	sadd.s32 $0x2760, s5;
	[sflag:s23] =	ssyncadd.s32 $0xFFFFEC00  }
0x63: {  	[spmem:s3] =	stream.indirect.scatter.add.f32 [tilespmem:s18], [sflag:$0x7], $0x40, s4, s16, $0xb8;
	[tilespmem:$0x1F220] =	vst v63  }
0x64: {  	_ =	swait.ge [sflag:s24], $0x1400  }
0x65: {  	[sflag:s24] =	ssyncset.done $0x0  }
0x66: {  	s4 =	sadd.s32 $0x27B0, s5;
	[sflag:s24] =	ssyncadd.s32 $0xFFFFEC00  }
0x67: {  	[spmem:s3] =	stream.indirect.scatter.add.f32 [tilespmem:s19], [sflag:$0x8], $0x40, s4, s16, $0xb8;
	[tilespmem:$0x1F220] =	vst v63  }
0x68: {  	_ =	swait.ge [sflag:s25], $0x1400  }
0x69: {  	[sflag:s25] =	ssyncset.done $0x0  }
0x6a: {  	s4 =	sadd.s32 $0x2800, s5;
	[sflag:s25] =	ssyncadd.s32 $0xFFFFEC00  }
0x6b: {  	[spmem:s3] =	stream.indirect.scatter.add.f32 [tilespmem:s20], [sflag:$0x9], $0x40, s4, s16, $0xb8;
	[tilespmem:$0x1F220] =	vst v63  }
0x6c: {  	_ =	swait.ge [sflag:s26], $0x1400  }
0x6d: {  	[sflag:s26] =	ssyncset.done $0x0  }
0x6e: {  	s4 =	sadd.s32 $0x2850, s5;
	[sflag:s26] =	ssyncadd.s32 $0xFFFFEC00  }
0x6f: {  	[spmem:s3] =	stream.indirect.scatter.add.f32 [tilespmem:s21], [sflag:$0xA], $0x40, s4, s16, $0xb8;
	[tilespmem:$0x1F220] =	vst v63  }
0x70: {  	_ =	swait.ge [sflag:s28], $0x1400  }
0x71: {  	[sflag:s28] =	ssyncset.done $0x0  }
0x72: {  	[sflag:s28] =	ssyncadd.s32 $0xFFFFEC00  }
0x73: {  	_ =	swait.ge [sflag:s29], $0x1400  }
0x74: {  	[sflag:s29] =	ssyncset.done $0x0  }
0x75: {  	[sflag:s29] =	ssyncadd.s32 $0xFFFFEC00  }
0x76: {  	_ =	swait.ge [sflag:s30], $0x1400  }
0x77: {  	[sflag:s30] =	ssyncset.done $0x0  }
0x78: {  	[sflag:s30] =	ssyncadd.s32 $0xFFFFEC00  }
.Ltmp0:
0x79: {  	_ =	swait.ge [sflag:s31], $0x1400;
	(pc) =	sbr.rel @p0 .LBB2_2-.Ltmp0, $4  }
0x7a: {  	[sflag:s31] =	ssyncset.done $0x0  }
0x7b: {  	[sflag:s31] =	ssyncadd.s32 $0xFFFFEC00  }
0x7c: {  	_ =	swait.ge [sflag:s1], $0x1400  }
0x7d: {  	s4 =	smov.u32 s6;
	[sflag:s1] =	ssyncset.done $0x0  }
0x7e: {  	s4 =	sshra.s32 s12, $0x2;
	[sflag:s1] =	ssyncadd.s32 $0xFFFFEC00  }
0x7f: {  	[tilespmem:s17], [sflag:$0x1] =	stream.indirect.gather [spmem:s2], $0x40, s4, s16, $0xb8;
	[tilespmem:$0x1F220] =	vst v63  }
0x80: {  	s5 =	sadd.s32 $0x50, s4  }
0x81: {  	[tilespmem:s18], [sflag:$0x2] =	stream.indirect.gather [spmem:s2], $0x40, s5, s16, $0xb8;
	[tilespmem:$0x1F220] =	vst v63  }
0x82: {  	s12 =	sadd.s32 $0xA0, s4  }
0x83: {  	[tilespmem:s19], [sflag:$0x3] =	stream.indirect.gather [spmem:s2], $0x40, s12, s16, $0xb8;
	[tilespmem:$0x1F220] =	vst v63  }
0x84: {  	s6 =	sadd.s32 $0xF0, s4  }
0x85: {  	[tilespmem:s20], [sflag:$0x4] =	stream.indirect.gather [spmem:s2], $0x40, s6, s16, $0xb8;
	[tilespmem:$0x1F220] =	vst v63  }
0x86: {  	s12 =	sadd.s32 $0x140, s4  }
0x87: {  	[tilespmem:s21], [sflag:$0x5] =	stream.indirect.gather [spmem:s2], $0x40, s12, s16, $0xb8;
	[tilespmem:$0x1F220] =	vst v63  }
0x88: {  	_ =	swait.ge [sflag:s22], $0x1400  }
0x89: {  	[sflag:s22] =	ssyncset.done $0x0  }
0x8a: {  	s6 =	sadd.s32 $0x2710, s4;
	[sflag:s22] =	ssyncadd.s32 $0xFFFFEC00  }
0x8b: {  	[spmem:s3] =	stream.indirect.scatter.add.f32 [tilespmem:s17], [sflag:$0x6], $0x40, s6, s16, $0xb8;
	[tilespmem:$0x1F220] =	vst v63  }
0x8c: {  	_ =	swait.ge [sflag:s23], $0x1400  }
0x8d: {  	[sflag:s23] =	ssyncset.done $0x0  }
0x8e: {  	s12 =	sadd.s32 $0x2760, s4;
	[sflag:s23] =	ssyncadd.s32 $0xFFFFEC00  }
0x8f: {  	[spmem:s3] =	stream.indirect.scatter.add.f32 [tilespmem:s18], [sflag:$0x7], $0x40, s12, s16, $0xb8;
	[tilespmem:$0x1F220] =	vst v63  }
0x90: {  	_ =	swait.ge [sflag:s24], $0x1400  }
0x91: {  	[sflag:s24] =	ssyncset.done $0x0  }
0x92: {  	s6 =	sadd.s32 $0x27B0, s4;
	[sflag:s24] =	ssyncadd.s32 $0xFFFFEC00  }
0x93: {  	[spmem:s3] =	stream.indirect.scatter.add.f32 [tilespmem:s19], [sflag:$0x8], $0x40, s6, s16, $0xb8;
	[tilespmem:$0x1F220] =	vst v63  }
0x94: {  	_ =	swait.ge [sflag:s25], $0x1400  }
0x95: {  	[sflag:s25] =	ssyncset.done $0x0  }
0x96: {  	s12 =	sadd.s32 $0x2800, s4;
	[sflag:s25] =	ssyncadd.s32 $0xFFFFEC00  }
0x97: {  	[spmem:s3] =	stream.indirect.scatter.add.f32 [tilespmem:s20], [sflag:$0x9], $0x40, s12, s16, $0xb8;
	[tilespmem:$0x1F220] =	vst v63  }
0x98: {  	_ =	swait.ge [sflag:s26], $0x1400  }
0x99: {  	[sflag:s26] =	ssyncset.done $0x0  }
0x9a: {  	s4 =	sadd.s32 $0x2850, s4;
	[sflag:s26] =	ssyncadd.s32 $0xFFFFEC00  }
0x9b: {  	[spmem:s3] =	stream.indirect.scatter.add.f32 [tilespmem:s21], [sflag:$0xA], $0x40, s4, s16, $0xb8;
	[tilespmem:$0x1F220] =	vst v63  }
0x9c: {  	_ =	swait.ge [sflag:s28], $0x1400  }
0x9d: {  	[sflag:s28] =	ssyncset.done $0x0  }
0x9e: {  	[sflag:s28] =	ssyncadd.s32 $0xFFFFEC00  }
0x9f: {  	_ =	swait.ge [sflag:s29], $0x1400  }
0xa0: {  	[sflag:s29] =	ssyncset.done $0x0  }
0xa1: {  	[sflag:s29] =	ssyncadd.s32 $0xFFFFEC00  }
0xa2: {  	_ =	swait.ge [sflag:s30], $0x1400  }
0xa3: {  	[sflag:s30] =	ssyncset.done $0x0  }
0xa4: {  	[sflag:s30] =	ssyncadd.s32 $0xFFFFEC00  }
0xa5: {  	_ =	swait.ge [sflag:s31], $0x1400  }
0xa6: {  	[sflag:s31] =	ssyncset.done $0x0  }
0xa7: {  	[sflag:s31] =	ssyncadd.s32 $0xFFFFEC00  }
0xa8: {  	_ =	swait.ge [sflag:s1], $0x1400  }
0xa9: {  	s0 =	sadd.s32 $0x1, s0;
	[sflag:s1] =	ssyncset.done $0x0  }
0xaa: {  	p0 =	sne.s32 s0, s10;
	[sflag:s1] =	ssyncadd.s32 $0xFFFFEC00  }
.Ltmp1:
0xab: {  	[bflag:$0x0] =	sbarrier.arrive $0xFFFF;
	(pc) =	sbr.rel @p0 .LBB2_1-.Ltmp1, $4  }
0xac: {  	[hbm:s9], [sflag:s13] =	dma.local [spmem:s15], $0x1400  }
0xad: {  	_ =	swait.ge [sflag:s11], $0x1400  }
0xae: {  	[sflag:s11] =	ssyncset.done $0x0  }
0xaf: {  	[sflag:s11] =	ssyncadd.s32 $0xFFFFEC00  }
0xb0: {  	_ =	sfence.sel $0x180000  }
0xb1: {  	[bflag:$0x0] =	sbarrier.arrive $0xFFFF  }
0xb2: {  	_ =	strace $0x9000004A  }
0xb3: {  	s0 =	stileid.u32;
	[bflag:$0x2] =	sbarrier.arrive $0xFFFF  }
0xb4: {  	p0 =	sne.s32 s0, $0x0;
	s0 =	rddreg [dreg:$0x3]  }
0xb5: {  	s0 =	sadd.s32 @!p0 $0x100000, s0  }
0xb6: {  	[sflag:s0] =	ssyncadd.tile.s32 @!p0 $0x1;
	_ =	shalt  }
.Lfunc_end2:
_tile_overlayer_lowered:
.L_overlay_start_2:
0xb7: {  	(tag) =	ssettag $0x2  }
0xb8: {  	s0 =	rddreg [dreg:$0x0];
	s2 =	stileid.u32  }
0xb9: {  	s1 =	rddreg [dreg:$0x1];
	p0 =	sne.s32 s2, $0x0  }
0xba: {  	s3 =	rddreg [dreg:$0x2];
	[bflag:$0x3] =	sbarrier.arrive $0xFFFF;
	s2 =	simm.s32 @!p0 $0x1C0B  }
0xbb: {  	[timem:s3], [sflag:s2] =	dma.local @!p0 [hbm:s0], s1  }
0xbc: {  	s0 =	simm.s32 @!p0 $0xB  }
0xbd: {  	_ =	swait.ge @!p0 [sflag:s0], s1  }
0xbe: {  	s1 =	ssub.s32 @!p0 $0x0, s1;
	[sflag:s0] =	ssyncset.done @!p0 $0x0  }
0xbf: {  	[sflag:s0] =	ssyncadd.s32 @!p0 s1  }
0xc0: {  	[bflag:$0x3] =	sbarrier.arrive $0xFFFF  }
0xc1: {  	_ =	shalt  }

// kernel: kernel.16.cloned.1.call-start
scs
__scs_entry_jumppad:
0x0: {  	(pc) =	sbr.rel $0x88, $3  }
0x1: {  	(tag) =	ssettag $0x0;
	lr =	simm.s32 $0x1  }
0x2: {  	[smem:$0x3F94] =	sst lr;
	_ =	strace $0xD0000000  }
0x3: {  	_ = 	snop  }
0x4: {  	_ = 	snop  }
0x5: {  	_ = 	snop  }
0x6: {  	_ = 	snop  }
0x7: {  	_ = 	snop  }
__scs_overlays_trampoline_lowered:
0x8: {  	[smem:$0x3FA3] =	sst s0  }
0x9: {  	[smem:$0x3FA4] =	sst s1  }
0xa: {  	[smem:$0x3FA5] =	sst s2  }
0xb: {  	[smem:$0x3FA6] =	sst s3  }
0xc: {  	[smem:$0x3FA7] =	sst s4  }
0xd: {  	[smem:$0x3FA8] =	sst s5  }
0xe: {  	[smem:$0x3FA9] =	sst s6  }
0xf: {  	[smem:$0x3FAA] =	sst s7  }
0x10: {  	[smem:$0x3FAB] =	sst s8  }
0x11: {  	[smem:$0x3FAC] =	sst s9;
	s0 =	simm.s32 @!p0 $0x0  }
0x12: {  	s1 =	sld [smem:$0x3F92];
	s0 =	simm.s32 @p0 $0x1  }
0x13: {  	[smem:$0x3FAD] =	sst s0;
	s0 =	simm.s32 @!p1 $0x0  }
0x14: {  	s2 =	sld [smem:$0x3F91];
	s0 =	simm.s32 @p1 $0x1  }
0x15: {  	[smem:$0x3FAE] =	sst s0;
	s0 =	simm.s32 @!p2 $0x0  }
0x16: {  	s3 =	sld [smem:$0x3FDB];
	s0 =	simm.s32 @p2 $0x1  }
0x17: {  	s4 =	simm.s32 $0x1BF5;
	[smem:$0x3FB0] =	sst s0  }
0x18: {  	s0 =	sld [smem:$0x3F93];
	_ =	swait.ge [sflag:s4], $0x0  }
0x19: {  	s7 =	sld [smem:$0x3F94]  }
0x1a: {  	s8 =	sadd.s32 $0xFFFFE003, lr  }
0x1b: {  	s9 =	sadd.s32 $0xFFFFFEF7, lr;
	s5 =	simm.s32 $0xFFFFFFFF;
	p2 =	slt.u32 s8, $0xFFFFF086  }
0x1c: {  	p1 =	slt.u32 s9, $0xF7A;
	s5 =	simm.s32 @!p2 $0x0  }
0x1d: {  	s5 =	simm.s32 @p1 $0x1;
	p0 =	seq.s32 s7, s2  }
0x1e: {  	s7 =	smul.u32 @!p0 $0xF7A, s2;
	p2 =	seq.s32 @!p0 s5, $0x0  }
0x1f: {  	s9 =	smul.u32 $0xF7A, s1;
	s8 =	simm.s32 @!p0 $0x1BF5;
	p2 =	por !p2, p0  }
0x20: {  	[sflag:s8] =	ssyncset.s32 @!p0 $0xFFFFF086;
	s6 =	sadd.s32 @!p0 s3, s7;
	s7 =	simm.s32 @!p0 $0x108  }
0x21: {  	s3 =	sadd.s32 s3, s9;
	s6 =	sadd.s32 @!p0 $0x88, s6;
	s7 =	simm.s32 @p2 $0x1082  }
0x22: {  	[simem:s7], [sflag:s8] =	dma.local @!p0 [hbm:s6], $0xF7A  }
0x23: {  	s9 =	sor.u32 $0xD0000000, s2;
	s6 =	simm.s32 $0x108;
	_ =	swait.ge @!p0 [sflag:s8], $0x0  }
0x24: {  	s3 =	sadd.s32 $0x88, s3;
	s6 =	simm.s32 @!p1 $0x1082;
	[sflag:s4] =	ssyncset.s32 $0xFFFFF086  }
0x25: {  	[simem:s6], [sflag:s4] =	dma.local [hbm:s3], $0xF7A  }
0x26: {  	[smem:$0x3F94] =	sst s1;
	(tag) =	ssettag s2;
	_ =	strace s9  }
0x27: {  	s1 =	sld [smem:$0x3FA4]  }
0x28: {  	s2 =	sld [smem:$0x3FA5]  }
0x29: {  	s4 =	sld [smem:$0x3FA7]  }
0x2a: {  	p0 =	seq.s32 s5, $0x0;
	s5 =	sld [smem:$0x3FA8]  }
0x2b: {  	s6 =	sld [smem:$0x3FA9]  }
0x2c: {  	s7 =	sld [smem:$0x3FAA]  }
0x2d: {  	s3 =	simm.s32 $0x108;
	s8 =	sld [smem:$0x3FAB]  }
0x2e: {  	s3 =	simm.s32 @!p0 $0x1082;
	s9 =	sld [smem:$0x3FAC]  }
0x2f: {  	lr =	sadd.s32 s0, s3;
	s0 =	sld [smem:$0x3FA3]  }
0x30: {  	s3 =	sld [smem:$0x3FA6]  }
0x31: {  	[smem:$0x3FAF] =	sst s10  }
0x32: {  	s10 =	sld [smem:$0x3FAD];
	_ =	sdelay $0x3  }
0x33: {  	p0 =	seq.s32 s10, $0x1;
	s10 =	sld [smem:$0x3FAF];
	_ =	sdelay $0x3  }
0x34: {  	[smem:$0x3FAF] =	sst s10  }
0x35: {  	s10 =	sld [smem:$0x3FAE];
	_ =	sdelay $0x3  }
0x36: {  	p1 =	seq.s32 s10, $0x1;
	s10 =	sld [smem:$0x3FAF];
	_ =	sdelay $0x3  }
0x37: {  	[smem:$0x3FAF] =	sst s10  }
0x38: {  	s10 =	sld [smem:$0x3FB0]  }
0x39: {  	_ = 	snop;
	(pc) =	sbr.ind lr, $3  }
0x3a: {  	_ = 	snop  }
0x3b: {  	_ = 	snop  }
0x3c: {  	p2 =	seq.s32 s10, $0x1;
	s10 =	sld [smem:$0x3FAF]  }
0x3d: {  	_ =	shalt  }
0x3e: {  	_ =	shalt  }
0x3f: {  	_ =	shalt  }
0x40: {  	_ =	shalt  }
0x41: {  	_ =	shalt  }
0x42: {  	_ =	shalt  }
0x43: {  	_ =	shalt  }
0x44: {  	_ =	shalt  }
0x45: {  	_ =	shalt  }
0x46: {  	_ =	shalt  }
0x47: {  	_ =	shalt  }
0x48: {  	_ =	shalt  }
0x49: {  	_ =	shalt  }
0x4a: {  	_ =	shalt  }
0x4b: {  	_ =	shalt  }
0x4c: {  	_ =	shalt  }
0x4d: {  	_ =	shalt  }
0x4e: {  	_ =	shalt  }
0x4f: {  	_ =	shalt  }
0x50: {  	_ =	shalt  }
0x51: {  	_ =	shalt  }
0x52: {  	_ =	shalt  }
0x53: {  	_ =	shalt  }
0x54: {  	_ =	shalt  }
0x55: {  	_ =	shalt  }
0x56: {  	_ =	shalt  }
0x57: {  	_ =	shalt  }
0x58: {  	_ =	shalt  }
0x59: {  	_ =	shalt  }
0x5a: {  	_ =	shalt  }
0x5b: {  	_ =	shalt  }
0x5c: {  	_ =	shalt  }
0x5d: {  	_ =	shalt  }
0x5e: {  	_ =	shalt  }
0x5f: {  	_ =	shalt  }
0x60: {  	_ =	shalt  }
0x61: {  	_ =	shalt  }
0x62: {  	_ =	shalt  }
0x63: {  	_ =	shalt  }
0x64: {  	_ =	shalt  }
0x65: {  	_ =	shalt  }
0x66: {  	_ =	shalt  }
0x67: {  	_ =	shalt  }
0x68: {  	_ =	shalt  }
0x69: {  	_ =	shalt  }
0x6a: {  	_ =	shalt  }
0x6b: {  	_ =	shalt  }
0x6c: {  	_ =	shalt  }
0x6d: {  	_ =	shalt  }
0x6e: {  	_ =	shalt  }
0x6f: {  	_ =	shalt  }
0x70: {  	_ =	shalt  }
0x71: {  	_ =	shalt  }
0x72: {  	_ =	shalt  }
0x73: {  	_ =	shalt  }
0x74: {  	_ =	shalt  }
0x75: {  	_ =	shalt  }
0x76: {  	_ =	shalt  }
0x77: {  	_ =	shalt  }
0x78: {  	_ =	shalt  }
0x79: {  	_ =	shalt  }
0x7a: {  	_ =	shalt  }
0x7b: {  	_ =	shalt  }
0x7c: {  	_ =	shalt  }
0x7d: {  	_ =	shalt  }
0x7e: {  	_ =	shalt  }
0x7f: {  	_ =	shalt  }
0x80: {  	_ =	shalt  }
0x81: {  	_ =	shalt  }
0x82: {  	_ =	shalt  }
0x83: {  	_ =	shalt  }
0x84: {  	_ =	shalt  }
0x85: {  	_ =	shalt  }
0x86: {  	_ =	shalt  }
0x87: {  	_ =	shalt  }
.Lfunc_end0:
.L_simem_size_0:
called_computation.2_lowered:
.L_overlay_start_0:
0x88: {  	s2 =	sld [smem:$0x3FD9]  }
0x89: {  	s3 =	sld [smem:$0x3FFE];
	_ =	sdelay $0x1  }
0x8a: {  	s1 =	srdreg.scid  }
0x8b: {  	s0 =	sand.u32 $0x1, s1  }
0x8c: {  	s16 =	sshll.u32 s0, $0xA;
	s2 =	sadd.s32 s3, s2  }
0x8d: {  	s2 =	sadd.s32 s2, s16  }
0x8e: {  	[smem:$0x3FBB] =	sst s2  }
0x8f: {  	_ = 	snop  }
0x90: {  	(tm) =	ssettm $0x1  }
0x91: {  	s17 =	sld [smem:$0x3FFB];
	_ =	sdelay $0x3  }
0x92: {  	_ =	strace s17  }
0x93: {  	s2 =	sld [smem:$0x3FFC];
	_ =	sdelay $0x3  }
0x94: {  	_ =	strace s2  }
0x95: {  	s2 =	sld [smem:$0x3FFD];
	_ =	sdelay $0x3  }
0x96: {  	_ =	strace s2  }
0x97: {  	_ =	strace $0x8FFFFFFF  }
0x98: {  	s18 =	sld [smem:$0x3FDB];
	_ =	sdelay $0x1  }
0x99: {  	s19 =	simm.s32 $_scs_section_size  }
0x9a: {  	s4 =	simm.s32 $_size__tile_overlayer_lowered;
	s5 =	simm.s32 $_tile_overlayer_lowered  }
0x9b: {  	s22 =	simm.s32 $0x1BFF;
	s21 =	sshll.u32 s5, $0x1;
	s2 =	sadd.s32 s19, s18  }
0x9c: {  	s6 =	simm.s32 $0x0;
	s20 =	sshll.u32 s4, $0x1;
	s4 =	sadd.s32 s21, s2  }
0x9d: {  	[timem:s6], [sflag:s22] =	dma.local [hbm:s4], s20  }
0x9e: {  	_ =	swait.ge [sflag:s22], s20  }
0x9f: {  	s3 =	ssub.s32 $0x0, s20;
	[sflag:s22] =	ssyncset.done $0x0  }
0xa0: {  	[sflag:s22] =	ssyncadd.s32 s3;
	_ =	sdelay $0x1  }
0xa1: {  	s23 =	simm.s32 $0x1B8B  }
0xa2: {  	_ =	swait.ge [sflag:s23], $0x1  }
0xa3: {  	[sflag:s23] =	ssyncset.done $0x0  }
0xa4: {  	s25 =	simm.s32 $0x1B8E;
	s24 =	sld [smem:$0x3FFE];
	[sflag:s23] =	ssyncadd.s32 $0xFFFFFFFF  }
0xa5: {  	s26 =	simm.s32 $execute0_lowered;
	[smem:$0x3FD2] =	sst s25  }
0xa6: {  	s4 =	sshll.u32 s26, $0x1;
	_ =	strace $0x8000004C;
	[dreg:$0x1] =	wrdreg $0xFFFFFFFF  }
0xa7: {  	s28 =	simm.s32 $_size_execute0_lowered;
	s2 =	sadd.s32 s2, s4;
	[dreg:$0x0] =	wrdreg $0x0  }
0xa8: {  	s4 =	sshll.u32 s28, $0x1;
	[dreg:$0x2] =	wrdreg s2  }
0xa9: {  	[dreg:$0x3] =	wrdreg s4  }
0xaa: {  	[dreg:$0x4] =	wrdreg $0xC0  }
0xab: {  	_ =	task [dreg:s6], $0x5FFFF  }
0xac: {  	[dreg:$0x1] =	wrdreg $0xFFFFFFFF  }
0xad: {  	[dreg:$0x0] =	wrdreg $0x60  }
0xae: {  	[dreg:$0x2] =	wrdreg s24  }
0xaf: {  	[dreg:$0x3] =	wrdreg $0x152200  }
0xb0: {  	[dreg:$0x4] =	wrdreg $0xB2200  }
0xb1: {  	[dreg:$0x5] =	wrdreg $0x9  }
0xb2: {  	_ =	task.clear_ibuf [dreg:s6], $0x6FFFF;
	_ =	strace $0x9000004C  }
0xb3: {  	s29 =	simm.s32 $0x9;
	_ =	strace $0x8000004E  }
0xb4: {  	_ =	swait.ge [sflag:s29], $0x1  }
0xb5: {  	[sflag:s29] =	ssyncadd.s32 $0xFFFFFFFF  }
0xb6: {  	_ =	strace $0x9000004E  }
0xb7: {  	_ =	sfence  }
0xb8: {  	s30 =	sld [smem:$0x0];
	_ =	sdelay $0x2  }
0xb9: {  	s31 =	sshll.u32 s1, $0xD;
	s1 =	sshrl.u32 s1, $0x2  }
0xba: {  	s3 =	sand.u32 $0x4000, s31;
	s1 =	sadd.s32 s1, s30  }
0xbb: {  	s0 =	sor.u32 s3, s0;
	s1 =	sshll.u32 s1, $0x11  }
0xbc: {  	s0 =	sor.u32 s1, s0  }
0xbd: {  	s0 =	sadd.s32 $0x8F2B, s0  }
0xbe: {  	[sflag:s0] =	ssyncadd.remote.s32 $0x1  }
0xbf: {  	_ =	sfence.sel $0xFFFF  }
0xc0: {  	[dreg:$0x0] =	wrdreg $0xFFFFFFFF;
	(pc) =	sbr.abs _section_cstart, $3  }
0xc1: {  	[dreg:$0x1] =	wrdreg $0xFFFFFFFF  }
0xc2: {  	_ =	task.clear_ibuf [dreg:s6], $0x2FFFF;
	_ =	strace $0x9FFFFFFF  }
0xc3: {  	(tm) =	ssettm $0x7FFFFFFF  }
tec
execute0_lowered:
.L_overlay_start_1:
0x0: {  	(tag) =	ssettag $0x1  }
0x1: {  	s0 =	srdreg.scid;
	s1 =	rddreg [dreg:$0x0]  }
0x2: {  	s12 =	stileid.u32;
	s2 =	rddreg [dreg:$0x1]  }
0x3: {  	s6 =	simm.s32 $0x0;
	s11 =	simm.s32 $0xB;
	s16 =	simm.s32 $0x50  }
0x4: {  	s17 =	simm.s32 $0x4E20;
	s18 =	simm.s32 $0x6220;
	s19 =	simm.s32 $0x7620  }
0x5: {  	s20 =	simm.s32 $0x8A20;
	s21 =	simm.s32 $0x9E20;
	s28 =	simm.s32 $0x6  }
0x6: {  	s29 =	simm.s32 $0x7;
	s30 =	simm.s32 $0x8;
	s31 =	simm.s32 $0x9  }
0x7: {  	s0 =	sand.u32 $0x1, s0;
	s5 =	smul.u32 $0xA000, s12;
	[smem:$0x7FF] =	sst s6  }
0x8: {  	s26 =	sshll.u32 s12, $0x6;
	s3 =	sshll.u32 s0, $0x4;
	s22 =	smul.u32 $0xA0000, s0  }
0x9: {  	s0 =	ssub.s32 $0x2, s0;
	s13 =	sor.u32 $0x1C0B, s26;
	s26 =	simm.s32 $0x5  }
0xa: {  	s4 =	sor.u32 s12, s3;
	s3 =	rddreg [dreg:$0x2];
	_ =	strace $0x8000004D  }
0xb: {  	s7 =	sshrl.u32 s5, $0x3;
	s23 =	sshrl.u32 s0, $0x1;
	s25 =	sadd.s32 s5, s2  }
0xc: {  	s4 =	smul.u32 $0x4E2, s4;
	s6 =	sadd.s32 s5, s22;
	s8 =	sadd.s32 s7, s1  }
0xd: {  	s0 =	ssub.s32 s0, s23;
	s5 =	sadd.s32 s5, s3;
	s14 =	sshrl.u32 s25, $0x3  }
0xe: {  	s22 =	simm.s32 $0x1;
	s23 =	simm.s32 $0x2;
	s25 =	simm.s32 $0x4  }
0xf: {  	s6 =	sshrl.u32 s6, $0x3;
	s7 =	sadd.s32 $0x16800, s8;
	s8 =	sadd.s32 $0x2FA00, s8  }
0x10: {  	s10 =	smax.u32 s0, $0x1;
	s15 =	sshrl.u32 s5, $0x3;
	s4 =	sadd.s32 s4, s1  }
0x11: {  	s0 =	simm.s32 $0x0;
	s1 =	sadd.s32 s6, s1;
	s24 =	sadd.s32 $0xCA00, s4  }
0x12: {  	s4 =	sadd.s32 $0x2C00, s4;
	s9 =	sadd.s32 $0x43A00, s1;
	[dreg:$0x4] =	wrdreg s24  }
0x13: {  	s1 =	simm.s32 $0xA;
	[dreg:$0x5] =	wrdreg s4;
	s24 =	simm.s32 $0x3  }
.LBB2_1:
0x14: {  	s4 =	simm.s32 $0x0;
	s5 =	rddreg [dreg:$0x4]  }
0x15: {  	[tilespmem:s4], [sflag:$0xB] =	stream.linear.gather [hbm4b:s5+s4], $0x2710, $0x38;
	[tilespmem:$0x1F220] =	vst v63  }
0x16: {  	_ =	swait.ge [sflag:s11], $0x2710  }
0x17: {  	[sflag:s11] =	ssyncset.done $0x0  }
0x18: {  	s6 =	simm.s32 $0x2710;
	s12 =	rddreg [dreg:$0x5];
	[sflag:s11] =	ssyncadd.s32 $0xFFFFD8F0  }
0x19: {  	[tilespmem:s6], [sflag:$0xB] =	stream.linear.gather [hbm4b:s12+s4], $0x2710, $0x38;
	[tilespmem:$0x1F220] =	vst v63  }
0x1a: {  	_ =	swait.ge [sflag:s11], $0x2710  }
0x1b: {  	[sflag:s11] =	ssyncset.done $0x0  }
0x1c: {  	[sflag:s11] =	ssyncadd.s32 $0xFFFFD8F0  }
0x1d: {  	[spmem:s14], [sflag:s13] =	dma.local [hbm:s7], $0x1400  }
0x1e: {  	_ =	swait.ge [sflag:s11], $0x1400  }
0x1f: {  	[sflag:s11] =	ssyncset.done $0x0  }
0x20: {  	[sflag:s11] =	ssyncadd.s32 $0xFFFFEC00  }
0x21: {  	[spmem:s15], [sflag:s13] =	dma.local [hbm:s8], $0x1400  }
0x22: {  	_ =	swait.ge [sflag:s11], $0x1400  }
0x23: {  	[sflag:s11] =	ssyncset.done $0x0  }
0x24: {  	[sflag:s11] =	ssyncadd.s32 $0xFFFFEC00  }
0x25: {  	s12 =	simm.s32 $0x0;
	[bflag:$0x0] =	sbarrier.arrive $0xFFFF  }
0x26: {  	[tilespmem:s17], [sflag:$0x1] =	stream.indirect.gather [spmem:s2], $0x40, s12, s16, $0xb8;
	[tilespmem:$0x1F220] =	vst v63  }
0x27: {  	s5 =	simm.s32 $0x50  }
0x28: {  	[tilespmem:s18], [sflag:$0x2] =	stream.indirect.gather [spmem:s2], $0x40, s5, s16, $0xb8;
	[tilespmem:$0x1F220] =	vst v63  }
0x29: {  	s6 =	simm.s32 $0xA0  }
0x2a: {  	[tilespmem:s19], [sflag:$0x3] =	stream.indirect.gather [spmem:s2], $0x40, s6, s16, $0xb8;
	[tilespmem:$0x1F220] =	vst v63  }
0x2b: {  	s12 =	simm.s32 $0xF0  }
0x2c: {  	[tilespmem:s20], [sflag:$0x4] =	stream.indirect.gather [spmem:s2], $0x40, s12, s16, $0xb8;
	[tilespmem:$0x1F220] =	vst v63  }
0x2d: {  	s5 =	simm.s32 $0x140  }
0x2e: {  	[tilespmem:s21], [sflag:$0x5] =	stream.indirect.gather [spmem:s2], $0x40, s5, s16, $0xb8;
	[tilespmem:$0x1F220] =	vst v63  }
0x2f: {  	_ =	swait.ge [sflag:s22], $0x1400  }
0x30: {  	[sflag:s22] =	ssyncset.done $0x0  }
0x31: {  	s6 =	simm.s32 $0x2710;
	[sflag:s22] =	ssyncadd.s32 $0xFFFFEC00  }
0x32: {  	[spmem:s3] =	stream.indirect.scatter.add.f32 [tilespmem:s17], [sflag:$0x6], $0x40, s6, s16, $0xb8;
	[tilespmem:$0x1F220] =	vst v63  }
0x33: {  	_ =	swait.ge [sflag:s23], $0x1400  }
0x34: {  	[sflag:s23] =	ssyncset.done $0x0  }
0x35: {  	s12 =	simm.s32 $0x2760;
	[sflag:s23] =	ssyncadd.s32 $0xFFFFEC00  }
0x36: {  	[spmem:s3] =	stream.indirect.scatter.add.f32 [tilespmem:s18], [sflag:$0x7], $0x40, s12, s16, $0xb8;
	[tilespmem:$0x1F220] =	vst v63  }
0x37: {  	_ =	swait.ge [sflag:s24], $0x1400  }
0x38: {  	[sflag:s24] =	ssyncset.done $0x0  }
0x39: {  	s5 =	simm.s32 $0x27B0;
	[sflag:s24] =	ssyncadd.s32 $0xFFFFEC00  }
0x3a: {  	[spmem:s3] =	stream.indirect.scatter.add.f32 [tilespmem:s19], [sflag:$0x8], $0x40, s5, s16, $0xb8;
	[tilespmem:$0x1F220] =	vst v63  }
0x3b: {  	_ =	swait.ge [sflag:s25], $0x1400  }
0x3c: {  	[sflag:s25] =	ssyncset.done $0x0  }
0x3d: {  	s6 =	simm.s32 $0x2800;
	[sflag:s25] =	ssyncadd.s32 $0xFFFFEC00  }
0x3e: {  	[spmem:s3] =	stream.indirect.scatter.add.f32 [tilespmem:s20], [sflag:$0x9], $0x40, s6, s16, $0xb8;
	[tilespmem:$0x1F220] =	vst v63  }
0x3f: {  	_ =	swait.ge [sflag:s26], $0x1400  }
0x40: {  	[sflag:s26] =	ssyncset.done $0x0  }
0x41: {  	s12 =	simm.s32 $0x2850;
	[sflag:s26] =	ssyncadd.s32 $0xFFFFEC00  }
0x42: {  	[spmem:s3] =	stream.indirect.scatter.add.f32 [tilespmem:s21], [sflag:$0xA], $0x40, s12, s16, $0xb8;
	[tilespmem:$0x1F220] =	vst v63  }
0x43: {  	_ =	swait.ge [sflag:s28], $0x1400  }
0x44: {  	[sflag:s28] =	ssyncset.done $0x0  }
0x45: {  	[sflag:s28] =	ssyncadd.s32 $0xFFFFEC00  }
0x46: {  	_ =	swait.ge [sflag:s29], $0x1400  }
0x47: {  	[sflag:s29] =	ssyncset.done $0x0  }
0x48: {  	[sflag:s29] =	ssyncadd.s32 $0xFFFFEC00  }
0x49: {  	_ =	swait.ge [sflag:s30], $0x1400  }
0x4a: {  	[sflag:s30] =	ssyncset.done $0x0  }
0x4b: {  	[sflag:s30] =	ssyncadd.s32 $0xFFFFEC00  }
0x4c: {  	_ =	swait.ge [sflag:s31], $0x1400  }
0x4d: {  	[sflag:s31] =	ssyncset.done $0x0  }
0x4e: {  	[sflag:s31] =	ssyncadd.s32 $0xFFFFEC00  }
0x4f: {  	_ =	swait.ge [sflag:s1], $0x1400  }
0x50: {  	s4 =	simm.s32 $0xC80;
	s12 =	simm.s32 $0x640;
	[sflag:s1] =	ssyncset.done $0x0  }
.LBB2_2:
0x51: {  	s5 =	sshra.s32 s12, $0x2  }
0x52: {  	[sflag:s1] =	ssyncadd.s32 $0xFFFFEC00;
	s12 =	smov.u32 s4;
	s6 =	sadd.s32 $0x640, s4  }
0x53: {  	[tilespmem:s17], [sflag:$0x1] =	stream.indirect.gather [spmem:s2], $0x40, s5, s16, $0xb8;
	[tilespmem:$0x1F220] =	vst v63  }
0x54: {  	p0 =	sne.s32 s4, $0x9600;
	s4 =	sadd.s32 $0x50, s5  }
0x55: {  	[tilespmem:s18], [sflag:$0x2] =	stream.indirect.gather [spmem:s2], $0x40, s4, s16, $0xb8;
	[tilespmem:$0x1F220] =	vst v63  }
0x56: {  	s4 =	sadd.s32 $0xA0, s5  }
0x57: {  	[tilespmem:s19], [sflag:$0x3] =	stream.indirect.gather [spmem:s2], $0x40, s4, s16, $0xb8;
	[tilespmem:$0x1F220] =	vst v63  }
0x58: {  	s4 =	sadd.s32 $0xF0, s5  }
0x59: {  	[tilespmem:s20], [sflag:$0x4] =	stream.indirect.gather [spmem:s2], $0x40, s4, s16, $0xb8;
	[tilespmem:$0x1F220] =	vst v63  }
0x5a: {  	s4 =	sadd.s32 $0x140, s5  }
0x5b: {  	[tilespmem:s21], [sflag:$0x5] =	stream.indirect.gather [spmem:s2], $0x40, s4, s16, $0xb8;
	[tilespmem:$0x1F220] =	vst v63  }
0x5c: {  	_ =	swait.ge [sflag:s22], $0x1400  }
0x5d: {  	[sflag:s22] =	ssyncset.done $0x0  }
0x5e: {  	s4 =	sadd.s32 $0x2710, s5;
	[sflag:s22] =	ssyncadd.s32 $0xFFFFEC00  }
0x5f: {  	[spmem:s3] =	stream.indirect.scatter.add.f32 [tilespmem:s17], [sflag:$0x6], $0x40, s4, s16, $0xb8;
	[tilespmem:$0x1F220] =	vst v63  }
0x60: {  	_ =	swait.ge [sflag:s23], $0x1400  }
0x61: {  	[sflag:s23] =	ssyncset.done $0x0  }
0x62: {  	s4 =	sadd.s32 $0x2760, s5;
	[sflag:s23] =	ssyncadd.s32 $0xFFFFEC00  }
0x63: {  	[spmem:s3] =	stream.indirect.scatter.add.f32 [tilespmem:s18], [sflag:$0x7], $0x40, s4, s16, $0xb8;
	[tilespmem:$0x1F220] =	vst v63  }
0x64: {  	_ =	swait.ge [sflag:s24], $0x1400  }
0x65: {  	[sflag:s24] =	ssyncset.done $0x0  }
0x66: {  	s4 =	sadd.s32 $0x27B0, s5;
	[sflag:s24] =	ssyncadd.s32 $0xFFFFEC00  }
0x67: {  	[spmem:s3] =	stream.indirect.scatter.add.f32 [tilespmem:s19], [sflag:$0x8], $0x40, s4, s16, $0xb8;
	[tilespmem:$0x1F220] =	vst v63  }
0x68: {  	_ =	swait.ge [sflag:s25], $0x1400  }
0x69: {  	[sflag:s25] =	ssyncset.done $0x0  }
0x6a: {  	s4 =	sadd.s32 $0x2800, s5;
	[sflag:s25] =	ssyncadd.s32 $0xFFFFEC00  }
0x6b: {  	[spmem:s3] =	stream.indirect.scatter.add.f32 [tilespmem:s20], [sflag:$0x9], $0x40, s4, s16, $0xb8;
	[tilespmem:$0x1F220] =	vst v63  }
0x6c: {  	_ =	swait.ge [sflag:s26], $0x1400  }
0x6d: {  	[sflag:s26] =	ssyncset.done $0x0  }
0x6e: {  	s4 =	sadd.s32 $0x2850, s5;
	[sflag:s26] =	ssyncadd.s32 $0xFFFFEC00  }
0x6f: {  	[spmem:s3] =	stream.indirect.scatter.add.f32 [tilespmem:s21], [sflag:$0xA], $0x40, s4, s16, $0xb8;
	[tilespmem:$0x1F220] =	vst v63  }
0x70: {  	_ =	swait.ge [sflag:s28], $0x1400  }
0x71: {  	[sflag:s28] =	ssyncset.done $0x0  }
0x72: {  	[sflag:s28] =	ssyncadd.s32 $0xFFFFEC00  }
0x73: {  	_ =	swait.ge [sflag:s29], $0x1400  }
0x74: {  	[sflag:s29] =	ssyncset.done $0x0  }
0x75: {  	[sflag:s29] =	ssyncadd.s32 $0xFFFFEC00  }
0x76: {  	_ =	swait.ge [sflag:s30], $0x1400  }
0x77: {  	[sflag:s30] =	ssyncset.done $0x0  }
0x78: {  	[sflag:s30] =	ssyncadd.s32 $0xFFFFEC00  }
.Ltmp0:
0x79: {  	_ =	swait.ge [sflag:s31], $0x1400;
	(pc) =	sbr.rel @p0 .LBB2_2-.Ltmp0, $4  }
0x7a: {  	[sflag:s31] =	ssyncset.done $0x0  }
0x7b: {  	[sflag:s31] =	ssyncadd.s32 $0xFFFFEC00  }
0x7c: {  	_ =	swait.ge [sflag:s1], $0x1400  }
0x7d: {  	s4 =	smov.u32 s6;
	[sflag:s1] =	ssyncset.done $0x0  }
0x7e: {  	s4 =	sshra.s32 s12, $0x2;
	[sflag:s1] =	ssyncadd.s32 $0xFFFFEC00  }
0x7f: {  	[tilespmem:s17], [sflag:$0x1] =	stream.indirect.gather [spmem:s2], $0x40, s4, s16, $0xb8;
	[tilespmem:$0x1F220] =	vst v63  }
0x80: {  	s5 =	sadd.s32 $0x50, s4  }
0x81: {  	[tilespmem:s18], [sflag:$0x2] =	stream.indirect.gather [spmem:s2], $0x40, s5, s16, $0xb8;
	[tilespmem:$0x1F220] =	vst v63  }
0x82: {  	s12 =	sadd.s32 $0xA0, s4  }
0x83: {  	[tilespmem:s19], [sflag:$0x3] =	stream.indirect.gather [spmem:s2], $0x40, s12, s16, $0xb8;
	[tilespmem:$0x1F220] =	vst v63  }
0x84: {  	s6 =	sadd.s32 $0xF0, s4  }
0x85: {  	[tilespmem:s20], [sflag:$0x4] =	stream.indirect.gather [spmem:s2], $0x40, s6, s16, $0xb8;
	[tilespmem:$0x1F220] =	vst v63  }
0x86: {  	s12 =	sadd.s32 $0x140, s4  }
0x87: {  	[tilespmem:s21], [sflag:$0x5] =	stream.indirect.gather [spmem:s2], $0x40, s12, s16, $0xb8;
	[tilespmem:$0x1F220] =	vst v63  }
0x88: {  	_ =	swait.ge [sflag:s22], $0x1400  }
0x89: {  	[sflag:s22] =	ssyncset.done $0x0  }
0x8a: {  	s6 =	sadd.s32 $0x2710, s4;
	[sflag:s22] =	ssyncadd.s32 $0xFFFFEC00  }
0x8b: {  	[spmem:s3] =	stream.indirect.scatter.add.f32 [tilespmem:s17], [sflag:$0x6], $0x40, s6, s16, $0xb8;
	[tilespmem:$0x1F220] =	vst v63  }
0x8c: {  	_ =	swait.ge [sflag:s23], $0x1400  }
0x8d: {  	[sflag:s23] =	ssyncset.done $0x0  }
0x8e: {  	s12 =	sadd.s32 $0x2760, s4;
	[sflag:s23] =	ssyncadd.s32 $0xFFFFEC00  }
0x8f: {  	[spmem:s3] =	stream.indirect.scatter.add.f32 [tilespmem:s18], [sflag:$0x7], $0x40, s12, s16, $0xb8;
	[tilespmem:$0x1F220] =	vst v63  }
0x90: {  	_ =	swait.ge [sflag:s24], $0x1400  }
0x91: {  	[sflag:s24] =	ssyncset.done $0x0  }
0x92: {  	s6 =	sadd.s32 $0x27B0, s4;
	[sflag:s24] =	ssyncadd.s32 $0xFFFFEC00  }
0x93: {  	[spmem:s3] =	stream.indirect.scatter.add.f32 [tilespmem:s19], [sflag:$0x8], $0x40, s6, s16, $0xb8;
	[tilespmem:$0x1F220] =	vst v63  }
0x94: {  	_ =	swait.ge [sflag:s25], $0x1400  }
0x95: {  	[sflag:s25] =	ssyncset.done $0x0  }
0x96: {  	s12 =	sadd.s32 $0x2800, s4;
	[sflag:s25] =	ssyncadd.s32 $0xFFFFEC00  }
0x97: {  	[spmem:s3] =	stream.indirect.scatter.add.f32 [tilespmem:s20], [sflag:$0x9], $0x40, s12, s16, $0xb8;
	[tilespmem:$0x1F220] =	vst v63  }
0x98: {  	_ =	swait.ge [sflag:s26], $0x1400  }
0x99: {  	[sflag:s26] =	ssyncset.done $0x0  }
0x9a: {  	s4 =	sadd.s32 $0x2850, s4;
	[sflag:s26] =	ssyncadd.s32 $0xFFFFEC00  }
0x9b: {  	[spmem:s3] =	stream.indirect.scatter.add.f32 [tilespmem:s21], [sflag:$0xA], $0x40, s4, s16, $0xb8;
	[tilespmem:$0x1F220] =	vst v63  }
0x9c: {  	_ =	swait.ge [sflag:s28], $0x1400  }
0x9d: {  	[sflag:s28] =	ssyncset.done $0x0  }
0x9e: {  	[sflag:s28] =	ssyncadd.s32 $0xFFFFEC00  }
0x9f: {  	_ =	swait.ge [sflag:s29], $0x1400  }
0xa0: {  	[sflag:s29] =	ssyncset.done $0x0  }
0xa1: {  	[sflag:s29] =	ssyncadd.s32 $0xFFFFEC00  }
0xa2: {  	_ =	swait.ge [sflag:s30], $0x1400  }
0xa3: {  	[sflag:s30] =	ssyncset.done $0x0  }
0xa4: {  	[sflag:s30] =	ssyncadd.s32 $0xFFFFEC00  }
0xa5: {  	_ =	swait.ge [sflag:s31], $0x1400  }
0xa6: {  	[sflag:s31] =	ssyncset.done $0x0  }
0xa7: {  	[sflag:s31] =	ssyncadd.s32 $0xFFFFEC00  }
0xa8: {  	_ =	swait.ge [sflag:s1], $0x1400  }
0xa9: {  	s0 =	sadd.s32 $0x1, s0;
	[sflag:s1] =	ssyncset.done $0x0  }
0xaa: {  	p0 =	sne.s32 s0, s10;
	[sflag:s1] =	ssyncadd.s32 $0xFFFFEC00  }
.Ltmp1:
0xab: {  	[bflag:$0x0] =	sbarrier.arrive $0xFFFF;
	(pc) =	sbr.rel @p0 .LBB2_1-.Ltmp1, $4  }
0xac: {  	[hbm:s9], [sflag:s13] =	dma.local [spmem:s15], $0x1400  }
0xad: {  	_ =	swait.ge [sflag:s11], $0x1400  }
0xae: {  	[sflag:s11] =	ssyncset.done $0x0  }
0xaf: {  	[sflag:s11] =	ssyncadd.s32 $0xFFFFEC00  }
0xb0: {  	_ =	sfence.sel $0x180000  }
0xb1: {  	[bflag:$0x0] =	sbarrier.arrive $0xFFFF  }
0xb2: {  	_ =	strace $0x9000004D  }
0xb3: {  	s0 =	stileid.u32;
	[bflag:$0x2] =	sbarrier.arrive $0xFFFF  }
0xb4: {  	p0 =	sne.s32 s0, $0x0;
	s0 =	rddreg [dreg:$0x3]  }
0xb5: {  	s0 =	sadd.s32 @!p0 $0x100000, s0  }
0xb6: {  	[sflag:s0] =	ssyncadd.tile.s32 @!p0 $0x1;
	_ =	shalt  }
.Lfunc_end2:
_tile_overlayer_lowered:
.L_overlay_start_2:
0xb7: {  	(tag) =	ssettag $0x2  }
0xb8: {  	s0 =	rddreg [dreg:$0x0];
	s2 =	stileid.u32  }
0xb9: {  	s1 =	rddreg [dreg:$0x1];
	p0 =	sne.s32 s2, $0x0  }
0xba: {  	s3 =	rddreg [dreg:$0x2];
	[bflag:$0x3] =	sbarrier.arrive $0xFFFF;
	s2 =	simm.s32 @!p0 $0x1C0B  }
0xbb: {  	[timem:s3], [sflag:s2] =	dma.local @!p0 [hbm:s0], s1  }
0xbc: {  	s0 =	simm.s32 @!p0 $0xB  }
0xbd: {  	_ =	swait.ge @!p0 [sflag:s0], s1  }
0xbe: {  	s1 =	ssub.s32 @!p0 $0x0, s1;
	[sflag:s0] =	ssyncset.done @!p0 $0x0  }
0xbf: {  	[sflag:s0] =	ssyncadd.s32 @!p0 s1  }
0xc0: {  	[bflag:$0x3] =	sbarrier.arrive $0xFFFF  }
0xc1: {  	_ =	shalt  }

// kernel: kernel.19.cloned.1.call-start
scs
__scs_entry_jumppad:
0x0: {  	(pc) =	sbr.rel $0x88, $3  }
0x1: {  	(tag) =	ssettag $0x0;
	lr =	simm.s32 $0x1  }
0x2: {  	[smem:$0x3F94] =	sst lr;
	_ =	strace $0xD0000000  }
0x3: {  	_ = 	snop  }
0x4: {  	_ = 	snop  }
0x5: {  	_ = 	snop  }
0x6: {  	_ = 	snop  }
0x7: {  	_ = 	snop  }
__scs_overlays_trampoline_lowered:
0x8: {  	[smem:$0x3FA3] =	sst s0  }
0x9: {  	[smem:$0x3FA4] =	sst s1  }
0xa: {  	[smem:$0x3FA5] =	sst s2  }
0xb: {  	[smem:$0x3FA6] =	sst s3  }
0xc: {  	[smem:$0x3FA7] =	sst s4  }
0xd: {  	[smem:$0x3FA8] =	sst s5  }
0xe: {  	[smem:$0x3FA9] =	sst s6  }
0xf: {  	[smem:$0x3FAA] =	sst s7  }
0x10: {  	[smem:$0x3FAB] =	sst s8  }
0x11: {  	[smem:$0x3FAC] =	sst s9;
	s0 =	simm.s32 @!p0 $0x0  }
0x12: {  	s1 =	sld [smem:$0x3F92];
	s0 =	simm.s32 @p0 $0x1  }
0x13: {  	[smem:$0x3FAD] =	sst s0;
	s0 =	simm.s32 @!p1 $0x0  }
0x14: {  	s2 =	sld [smem:$0x3F91];
	s0 =	simm.s32 @p1 $0x1  }
0x15: {  	[smem:$0x3FAE] =	sst s0;
	s0 =	simm.s32 @!p2 $0x0  }
0x16: {  	s3 =	sld [smem:$0x3FDB];
	s0 =	simm.s32 @p2 $0x1  }
0x17: {  	s4 =	simm.s32 $0x1BF5;
	[smem:$0x3FB0] =	sst s0  }
0x18: {  	s0 =	sld [smem:$0x3F93];
	_ =	swait.ge [sflag:s4], $0x0  }
0x19: {  	s7 =	sld [smem:$0x3F94]  }
0x1a: {  	s8 =	sadd.s32 $0xFFFFE003, lr  }
0x1b: {  	s9 =	sadd.s32 $0xFFFFFEF7, lr;
	s5 =	simm.s32 $0xFFFFFFFF;
	p2 =	slt.u32 s8, $0xFFFFF086  }
0x1c: {  	p1 =	slt.u32 s9, $0xF7A;
	s5 =	simm.s32 @!p2 $0x0  }
0x1d: {  	s5 =	simm.s32 @p1 $0x1;
	p0 =	seq.s32 s7, s2  }
0x1e: {  	s7 =	smul.u32 @!p0 $0xF7A, s2;
	p2 =	seq.s32 @!p0 s5, $0x0  }
0x1f: {  	s9 =	smul.u32 $0xF7A, s1;
	s8 =	simm.s32 @!p0 $0x1BF5;
	p2 =	por !p2, p0  }
0x20: {  	[sflag:s8] =	ssyncset.s32 @!p0 $0xFFFFF086;
	s6 =	sadd.s32 @!p0 s3, s7;
	s7 =	simm.s32 @!p0 $0x108  }
0x21: {  	s3 =	sadd.s32 s3, s9;
	s6 =	sadd.s32 @!p0 $0x88, s6;
	s7 =	simm.s32 @p2 $0x1082  }
0x22: {  	[simem:s7], [sflag:s8] =	dma.local @!p0 [hbm:s6], $0xF7A  }
0x23: {  	s9 =	sor.u32 $0xD0000000, s2;
	s6 =	simm.s32 $0x108;
	_ =	swait.ge @!p0 [sflag:s8], $0x0  }
0x24: {  	s3 =	sadd.s32 $0x88, s3;
	s6 =	simm.s32 @!p1 $0x1082;
	[sflag:s4] =	ssyncset.s32 $0xFFFFF086  }
0x25: {  	[simem:s6], [sflag:s4] =	dma.local [hbm:s3], $0xF7A  }
0x26: {  	[smem:$0x3F94] =	sst s1;
	(tag) =	ssettag s2;
	_ =	strace s9  }
0x27: {  	s1 =	sld [smem:$0x3FA4]  }
0x28: {  	s2 =	sld [smem:$0x3FA5]  }
0x29: {  	s4 =	sld [smem:$0x3FA7]  }
0x2a: {  	p0 =	seq.s32 s5, $0x0;
	s5 =	sld [smem:$0x3FA8]  }
0x2b: {  	s6 =	sld [smem:$0x3FA9]  }
0x2c: {  	s7 =	sld [smem:$0x3FAA]  }
0x2d: {  	s3 =	simm.s32 $0x108;
	s8 =	sld [smem:$0x3FAB]  }
0x2e: {  	s3 =	simm.s32 @!p0 $0x1082;
	s9 =	sld [smem:$0x3FAC]  }
0x2f: {  	lr =	sadd.s32 s0, s3;
	s0 =	sld [smem:$0x3FA3]  }
0x30: {  	s3 =	sld [smem:$0x3FA6]  }
0x31: {  	[smem:$0x3FAF] =	sst s10  }
0x32: {  	s10 =	sld [smem:$0x3FAD];
	_ =	sdelay $0x3  }
0x33: {  	p0 =	seq.s32 s10, $0x1;
	s10 =	sld [smem:$0x3FAF];
	_ =	sdelay $0x3  }
0x34: {  	[smem:$0x3FAF] =	sst s10  }
0x35: {  	s10 =	sld [smem:$0x3FAE];
	_ =	sdelay $0x3  }
0x36: {  	p1 =	seq.s32 s10, $0x1;
	s10 =	sld [smem:$0x3FAF];
	_ =	sdelay $0x3  }
0x37: {  	[smem:$0x3FAF] =	sst s10  }
0x38: {  	s10 =	sld [smem:$0x3FB0]  }
0x39: {  	_ = 	snop;
	(pc) =	sbr.ind lr, $3  }
0x3a: {  	_ = 	snop  }
0x3b: {  	_ = 	snop  }
0x3c: {  	p2 =	seq.s32 s10, $0x1;
	s10 =	sld [smem:$0x3FAF]  }
0x3d: {  	_ =	shalt  }
0x3e: {  	_ =	shalt  }
0x3f: {  	_ =	shalt  }
0x40: {  	_ =	shalt  }
0x41: {  	_ =	shalt  }
0x42: {  	_ =	shalt  }
0x43: {  	_ =	shalt  }
0x44: {  	_ =	shalt  }
0x45: {  	_ =	shalt  }
0x46: {  	_ =	shalt  }
0x47: {  	_ =	shalt  }
0x48: {  	_ =	shalt  }
0x49: {  	_ =	shalt  }
0x4a: {  	_ =	shalt  }
0x4b: {  	_ =	shalt  }
0x4c: {  	_ =	shalt  }
0x4d: {  	_ =	shalt  }
0x4e: {  	_ =	shalt  }
0x4f: {  	_ =	shalt  }
0x50: {  	_ =	shalt  }
0x51: {  	_ =	shalt  }
0x52: {  	_ =	shalt  }
0x53: {  	_ =	shalt  }
0x54: {  	_ =	shalt  }
0x55: {  	_ =	shalt  }
0x56: {  	_ =	shalt  }
0x57: {  	_ =	shalt  }
0x58: {  	_ =	shalt  }
0x59: {  	_ =	shalt  }
0x5a: {  	_ =	shalt  }
0x5b: {  	_ =	shalt  }
0x5c: {  	_ =	shalt  }
0x5d: {  	_ =	shalt  }
0x5e: {  	_ =	shalt  }
0x5f: {  	_ =	shalt  }
0x60: {  	_ =	shalt  }
0x61: {  	_ =	shalt  }
0x62: {  	_ =	shalt  }
0x63: {  	_ =	shalt  }
0x64: {  	_ =	shalt  }
0x65: {  	_ =	shalt  }
0x66: {  	_ =	shalt  }
0x67: {  	_ =	shalt  }
0x68: {  	_ =	shalt  }
0x69: {  	_ =	shalt  }
0x6a: {  	_ =	shalt  }
0x6b: {  	_ =	shalt  }
0x6c: {  	_ =	shalt  }
0x6d: {  	_ =	shalt  }
0x6e: {  	_ =	shalt  }
0x6f: {  	_ =	shalt  }
0x70: {  	_ =	shalt  }
0x71: {  	_ =	shalt  }
0x72: {  	_ =	shalt  }
0x73: {  	_ =	shalt  }
0x74: {  	_ =	shalt  }
0x75: {  	_ =	shalt  }
0x76: {  	_ =	shalt  }
0x77: {  	_ =	shalt  }
0x78: {  	_ =	shalt  }
0x79: {  	_ =	shalt  }
0x7a: {  	_ =	shalt  }
0x7b: {  	_ =	shalt  }
0x7c: {  	_ =	shalt  }
0x7d: {  	_ =	shalt  }
0x7e: {  	_ =	shalt  }
0x7f: {  	_ =	shalt  }
0x80: {  	_ =	shalt  }
0x81: {  	_ =	shalt  }
0x82: {  	_ =	shalt  }
0x83: {  	_ =	shalt  }
0x84: {  	_ =	shalt  }
0x85: {  	_ =	shalt  }
0x86: {  	_ =	shalt  }
0x87: {  	_ =	shalt  }
.Lfunc_end0:
.L_simem_size_0:
called_computation.3_lowered:
.L_overlay_start_0:
0x88: {  	s2 =	sld [smem:$0x3FD9]  }
0x89: {  	s3 =	sld [smem:$0x3FFE];
	_ =	sdelay $0x1  }
0x8a: {  	s1 =	srdreg.scid  }
0x8b: {  	s0 =	sand.u32 $0x1, s1  }
0x8c: {  	s16 =	sshll.u32 s0, $0xA;
	s2 =	sadd.s32 s3, s2  }
0x8d: {  	s2 =	sadd.s32 s2, s16  }
0x8e: {  	[smem:$0x3FBB] =	sst s2  }
0x8f: {  	_ = 	snop  }
0x90: {  	(tm) =	ssettm $0x1  }
0x91: {  	s17 =	sld [smem:$0x3FFB];
	_ =	sdelay $0x3  }
0x92: {  	_ =	strace s17  }
0x93: {  	s2 =	sld [smem:$0x3FFC];
	_ =	sdelay $0x3  }
0x94: {  	_ =	strace s2  }
0x95: {  	s2 =	sld [smem:$0x3FFD];
	_ =	sdelay $0x3  }
0x96: {  	_ =	strace s2  }
0x97: {  	_ =	strace $0x8FFFFFFF  }
0x98: {  	s18 =	sld [smem:$0x3FDB];
	_ =	sdelay $0x1  }
0x99: {  	s19 =	simm.s32 $_scs_section_size  }
0x9a: {  	s4 =	simm.s32 $_size__tile_overlayer_lowered;
	s5 =	simm.s32 $_tile_overlayer_lowered  }
0x9b: {  	s22 =	simm.s32 $0x1BFF;
	s21 =	sshll.u32 s5, $0x1;
	s2 =	sadd.s32 s19, s18  }
0x9c: {  	s6 =	simm.s32 $0x0;
	s20 =	sshll.u32 s4, $0x1;
	s4 =	sadd.s32 s21, s2  }
0x9d: {  	[timem:s6], [sflag:s22] =	dma.local [hbm:s4], s20  }
0x9e: {  	_ =	swait.ge [sflag:s22], s20  }
0x9f: {  	s3 =	ssub.s32 $0x0, s20;
	[sflag:s22] =	ssyncset.done $0x0  }
0xa0: {  	[sflag:s22] =	ssyncadd.s32 s3;
	_ =	sdelay $0x1  }
0xa1: {  	s23 =	simm.s32 $0x1B8B  }
0xa2: {  	_ =	swait.ge [sflag:s23], $0x1  }
0xa3: {  	[sflag:s23] =	ssyncset.done $0x0  }
0xa4: {  	s25 =	simm.s32 $0x1B8E;
	s24 =	sld [smem:$0x3FFE];
	[sflag:s23] =	ssyncadd.s32 $0xFFFFFFFF  }
0xa5: {  	s26 =	simm.s32 $execute0_lowered;
	[smem:$0x3FD2] =	sst s25  }
0xa6: {  	s4 =	sshll.u32 s26, $0x1;
	_ =	strace $0x8000004F;
	[dreg:$0x1] =	wrdreg $0xFFFFFFFF  }
0xa7: {  	s28 =	simm.s32 $_size_execute0_lowered;
	s2 =	sadd.s32 s2, s4;
	[dreg:$0x0] =	wrdreg $0x0  }
0xa8: {  	s4 =	sshll.u32 s28, $0x1;
	[dreg:$0x2] =	wrdreg s2  }
0xa9: {  	[dreg:$0x3] =	wrdreg s4  }
0xaa: {  	[dreg:$0x4] =	wrdreg $0xC0  }
0xab: {  	_ =	task [dreg:s6], $0x5FFFF  }
0xac: {  	[dreg:$0x1] =	wrdreg $0xFFFFFFFF  }
0xad: {  	[dreg:$0x0] =	wrdreg $0x60  }
0xae: {  	[dreg:$0x2] =	wrdreg s24  }
0xaf: {  	[dreg:$0x3] =	wrdreg $0x152200  }
0xb0: {  	[dreg:$0x4] =	wrdreg $0xB2200  }
0xb1: {  	[dreg:$0x5] =	wrdreg $0x9  }
0xb2: {  	_ =	task.clear_ibuf [dreg:s6], $0x6FFFF;
	_ =	strace $0x9000004F  }
0xb3: {  	s29 =	simm.s32 $0x9;
	_ =	strace $0x80000051  }
0xb4: {  	_ =	swait.ge [sflag:s29], $0x1  }
0xb5: {  	[sflag:s29] =	ssyncadd.s32 $0xFFFFFFFF  }
0xb6: {  	_ =	strace $0x90000051  }
0xb7: {  	_ =	sfence  }
0xb8: {  	s30 =	sld [smem:$0x0];
	_ =	sdelay $0x2  }
0xb9: {  	s31 =	sshll.u32 s1, $0xD;
	s1 =	sshrl.u32 s1, $0x2  }
0xba: {  	s3 =	sand.u32 $0x4000, s31;
	s1 =	sadd.s32 s1, s30  }
0xbb: {  	s0 =	sor.u32 s3, s0;
	s1 =	sshll.u32 s1, $0x11  }
0xbc: {  	s0 =	sor.u32 s1, s0  }
0xbd: {  	s0 =	sadd.s32 $0x8F2B, s0  }
0xbe: {  	[sflag:s0] =	ssyncadd.remote.s32 $0x1  }
0xbf: {  	_ =	sfence.sel $0xFFFF  }
0xc0: {  	[dreg:$0x0] =	wrdreg $0xFFFFFFFF;
	(pc) =	sbr.abs _section_cstart, $3  }
0xc1: {  	[dreg:$0x1] =	wrdreg $0xFFFFFFFF  }
0xc2: {  	_ =	task.clear_ibuf [dreg:s6], $0x2FFFF;
	_ =	strace $0x9FFFFFFF  }
0xc3: {  	(tm) =	ssettm $0x7FFFFFFF  }
tec
execute0_lowered:
.L_overlay_start_1:
0x0: {  	(tag) =	ssettag $0x1  }
0x1: {  	s0 =	srdreg.scid;
	s1 =	rddreg [dreg:$0x0]  }
0x2: {  	s12 =	stileid.u32;
	s2 =	rddreg [dreg:$0x1]  }
0x3: {  	s6 =	simm.s32 $0x0;
	s11 =	simm.s32 $0xB;
	s16 =	simm.s32 $0x50  }
0x4: {  	s17 =	simm.s32 $0x4E20;
	s18 =	simm.s32 $0x6220;
	s19 =	simm.s32 $0x7620  }
0x5: {  	s20 =	simm.s32 $0x8A20;
	s21 =	simm.s32 $0x9E20;
	s28 =	simm.s32 $0x6  }
0x6: {  	s29 =	simm.s32 $0x7;
	s30 =	simm.s32 $0x8;
	s31 =	simm.s32 $0x9  }
0x7: {  	s0 =	sand.u32 $0x1, s0;
	s5 =	smul.u32 $0xA000, s12;
	[smem:$0x7FF] =	sst s6  }
0x8: {  	s26 =	sshll.u32 s12, $0x6;
	s3 =	sshll.u32 s0, $0x4;
	s22 =	smul.u32 $0xA0000, s0  }
0x9: {  	s0 =	ssub.s32 $0x2, s0;
	s13 =	sor.u32 $0x1C0B, s26;
	s26 =	simm.s32 $0x5  }
0xa: {  	s4 =	sor.u32 s12, s3;
	s3 =	rddreg [dreg:$0x2];
	_ =	strace $0x80000050  }
0xb: {  	s7 =	sshrl.u32 s5, $0x3;
	s23 =	sshrl.u32 s0, $0x1;
	s25 =	sadd.s32 s5, s2  }
0xc: {  	s4 =	smul.u32 $0x4E2, s4;
	s6 =	sadd.s32 s5, s22;
	s8 =	sadd.s32 s7, s1  }
0xd: {  	s0 =	ssub.s32 s0, s23;
	s5 =	sadd.s32 s5, s3;
	s14 =	sshrl.u32 s25, $0x3  }
0xe: {  	s22 =	simm.s32 $0x1;
	s23 =	simm.s32 $0x2;
	s25 =	simm.s32 $0x4  }
0xf: {  	s6 =	sshrl.u32 s6, $0x3;
	s7 =	sadd.s32 $0x16800, s8;
	s8 =	sadd.s32 $0x2FA00, s8  }
0x10: {  	s10 =	smax.u32 s0, $0x1;
	s15 =	sshrl.u32 s5, $0x3;
	s4 =	sadd.s32 s4, s1  }
0x11: {  	s0 =	simm.s32 $0x0;
	s1 =	sadd.s32 s6, s1;
	s24 =	sadd.s32 $0xCA00, s4  }
0x12: {  	s4 =	sadd.s32 $0x2C00, s4;
	s9 =	sadd.s32 $0x43A00, s1;
	[dreg:$0x4] =	wrdreg s24  }
0x13: {  	s1 =	simm.s32 $0xA;
	[dreg:$0x5] =	wrdreg s4;
	s24 =	simm.s32 $0x3  }
.LBB2_1:
0x14: {  	s4 =	simm.s32 $0x0;
	s5 =	rddreg [dreg:$0x4]  }
0x15: {  	[tilespmem:s4], [sflag:$0xB] =	stream.linear.gather [hbm4b:s5+s4], $0x2710, $0x38;
	[tilespmem:$0x1F220] =	vst v63  }
0x16: {  	_ =	swait.ge [sflag:s11], $0x2710  }
0x17: {  	[sflag:s11] =	ssyncset.done $0x0  }
0x18: {  	s6 =	simm.s32 $0x2710;
	s12 =	rddreg [dreg:$0x5];
	[sflag:s11] =	ssyncadd.s32 $0xFFFFD8F0  }
0x19: {  	[tilespmem:s6], [sflag:$0xB] =	stream.linear.gather [hbm4b:s12+s4], $0x2710, $0x38;
	[tilespmem:$0x1F220] =	vst v63  }
0x1a: {  	_ =	swait.ge [sflag:s11], $0x2710  }
0x1b: {  	[sflag:s11] =	ssyncset.done $0x0  }
0x1c: {  	[sflag:s11] =	ssyncadd.s32 $0xFFFFD8F0  }
0x1d: {  	[spmem:s14], [sflag:s13] =	dma.local [hbm:s7], $0x1400  }
0x1e: {  	_ =	swait.ge [sflag:s11], $0x1400  }
0x1f: {  	[sflag:s11] =	ssyncset.done $0x0  }
0x20: {  	[sflag:s11] =	ssyncadd.s32 $0xFFFFEC00  }
0x21: {  	[spmem:s15], [sflag:s13] =	dma.local [hbm:s8], $0x1400  }
0x22: {  	_ =	swait.ge [sflag:s11], $0x1400  }
0x23: {  	[sflag:s11] =	ssyncset.done $0x0  }
0x24: {  	[sflag:s11] =	ssyncadd.s32 $0xFFFFEC00  }
0x25: {  	s12 =	simm.s32 $0x0;
	[bflag:$0x0] =	sbarrier.arrive $0xFFFF  }
0x26: {  	[tilespmem:s17], [sflag:$0x1] =	stream.indirect.gather [spmem:s2], $0x40, s12, s16, $0xb8;
	[tilespmem:$0x1F220] =	vst v63  }
0x27: {  	s5 =	simm.s32 $0x50  }
0x28: {  	[tilespmem:s18], [sflag:$0x2] =	stream.indirect.gather [spmem:s2], $0x40, s5, s16, $0xb8;
	[tilespmem:$0x1F220] =	vst v63  }
0x29: {  	s6 =	simm.s32 $0xA0  }
0x2a: {  	[tilespmem:s19], [sflag:$0x3] =	stream.indirect.gather [spmem:s2], $0x40, s6, s16, $0xb8;
	[tilespmem:$0x1F220] =	vst v63  }
0x2b: {  	s12 =	simm.s32 $0xF0  }
0x2c: {  	[tilespmem:s20], [sflag:$0x4] =	stream.indirect.gather [spmem:s2], $0x40, s12, s16, $0xb8;
	[tilespmem:$0x1F220] =	vst v63  }
0x2d: {  	s5 =	simm.s32 $0x140  }
0x2e: {  	[tilespmem:s21], [sflag:$0x5] =	stream.indirect.gather [spmem:s2], $0x40, s5, s16, $0xb8;
	[tilespmem:$0x1F220] =	vst v63  }
0x2f: {  	_ =	swait.ge [sflag:s22], $0x1400  }
0x30: {  	[sflag:s22] =	ssyncset.done $0x0  }
0x31: {  	s6 =	simm.s32 $0x2710;
	[sflag:s22] =	ssyncadd.s32 $0xFFFFEC00  }
0x32: {  	[spmem:s3] =	stream.indirect.scatter.add.f32 [tilespmem:s17], [sflag:$0x6], $0x40, s6, s16, $0xb8;
	[tilespmem:$0x1F220] =	vst v63  }
0x33: {  	_ =	swait.ge [sflag:s23], $0x1400  }
0x34: {  	[sflag:s23] =	ssyncset.done $0x0  }
0x35: {  	s12 =	simm.s32 $0x2760;
	[sflag:s23] =	ssyncadd.s32 $0xFFFFEC00  }
0x36: {  	[spmem:s3] =	stream.indirect.scatter.add.f32 [tilespmem:s18], [sflag:$0x7], $0x40, s12, s16, $0xb8;
	[tilespmem:$0x1F220] =	vst v63  }
0x37: {  	_ =	swait.ge [sflag:s24], $0x1400  }
0x38: {  	[sflag:s24] =	ssyncset.done $0x0  }
0x39: {  	s5 =	simm.s32 $0x27B0;
	[sflag:s24] =	ssyncadd.s32 $0xFFFFEC00  }
0x3a: {  	[spmem:s3] =	stream.indirect.scatter.add.f32 [tilespmem:s19], [sflag:$0x8], $0x40, s5, s16, $0xb8;
	[tilespmem:$0x1F220] =	vst v63  }
0x3b: {  	_ =	swait.ge [sflag:s25], $0x1400  }
0x3c: {  	[sflag:s25] =	ssyncset.done $0x0  }
0x3d: {  	s6 =	simm.s32 $0x2800;
	[sflag:s25] =	ssyncadd.s32 $0xFFFFEC00  }
0x3e: {  	[spmem:s3] =	stream.indirect.scatter.add.f32 [tilespmem:s20], [sflag:$0x9], $0x40, s6, s16, $0xb8;
	[tilespmem:$0x1F220] =	vst v63  }
0x3f: {  	_ =	swait.ge [sflag:s26], $0x1400  }
0x40: {  	[sflag:s26] =	ssyncset.done $0x0  }
0x41: {  	s12 =	simm.s32 $0x2850;
	[sflag:s26] =	ssyncadd.s32 $0xFFFFEC00  }
0x42: {  	[spmem:s3] =	stream.indirect.scatter.add.f32 [tilespmem:s21], [sflag:$0xA], $0x40, s12, s16, $0xb8;
	[tilespmem:$0x1F220] =	vst v63  }
0x43: {  	_ =	swait.ge [sflag:s28], $0x1400  }
0x44: {  	[sflag:s28] =	ssyncset.done $0x0  }
0x45: {  	[sflag:s28] =	ssyncadd.s32 $0xFFFFEC00  }
0x46: {  	_ =	swait.ge [sflag:s29], $0x1400  }
0x47: {  	[sflag:s29] =	ssyncset.done $0x0  }
0x48: {  	[sflag:s29] =	ssyncadd.s32 $0xFFFFEC00  }
0x49: {  	_ =	swait.ge [sflag:s30], $0x1400  }
0x4a: {  	[sflag:s30] =	ssyncset.done $0x0  }
0x4b: {  	[sflag:s30] =	ssyncadd.s32 $0xFFFFEC00  }
0x4c: {  	_ =	swait.ge [sflag:s31], $0x1400  }
0x4d: {  	[sflag:s31] =	ssyncset.done $0x0  }
0x4e: {  	[sflag:s31] =	ssyncadd.s32 $0xFFFFEC00  }
0x4f: {  	_ =	swait.ge [sflag:s1], $0x1400  }
0x50: {  	s4 =	simm.s32 $0xC80;
	s12 =	simm.s32 $0x640;
	[sflag:s1] =	ssyncset.done $0x0  }
.LBB2_2:
0x51: {  	s5 =	sshra.s32 s12, $0x2  }
0x52: {  	[sflag:s1] =	ssyncadd.s32 $0xFFFFEC00;
	s12 =	smov.u32 s4;
	s6 =	sadd.s32 $0x640, s4  }
0x53: {  	[tilespmem:s17], [sflag:$0x1] =	stream.indirect.gather [spmem:s2], $0x40, s5, s16, $0xb8;
	[tilespmem:$0x1F220] =	vst v63  }
0x54: {  	p0 =	sne.s32 s4, $0x9600;
	s4 =	sadd.s32 $0x50, s5  }
0x55: {  	[tilespmem:s18], [sflag:$0x2] =	stream.indirect.gather [spmem:s2], $0x40, s4, s16, $0xb8;
	[tilespmem:$0x1F220] =	vst v63  }
0x56: {  	s4 =	sadd.s32 $0xA0, s5  }
0x57: {  	[tilespmem:s19], [sflag:$0x3] =	stream.indirect.gather [spmem:s2], $0x40, s4, s16, $0xb8;
	[tilespmem:$0x1F220] =	vst v63  }
0x58: {  	s4 =	sadd.s32 $0xF0, s5  }
0x59: {  	[tilespmem:s20], [sflag:$0x4] =	stream.indirect.gather [spmem:s2], $0x40, s4, s16, $0xb8;
	[tilespmem:$0x1F220] =	vst v63  }
0x5a: {  	s4 =	sadd.s32 $0x140, s5  }
0x5b: {  	[tilespmem:s21], [sflag:$0x5] =	stream.indirect.gather [spmem:s2], $0x40, s4, s16, $0xb8;
	[tilespmem:$0x1F220] =	vst v63  }
0x5c: {  	_ =	swait.ge [sflag:s22], $0x1400  }
0x5d: {  	[sflag:s22] =	ssyncset.done $0x0  }
0x5e: {  	s4 =	sadd.s32 $0x2710, s5;
	[sflag:s22] =	ssyncadd.s32 $0xFFFFEC00  }
0x5f: {  	[spmem:s3] =	stream.indirect.scatter.add.f32 [tilespmem:s17], [sflag:$0x6], $0x40, s4, s16, $0xb8;
	[tilespmem:$0x1F220] =	vst v63  }
0x60: {  	_ =	swait.ge [sflag:s23], $0x1400  }
0x61: {  	[sflag:s23] =	ssyncset.done $0x0  }
0x62: {  	s4 =	sadd.s32 $0x2760, s5;
	[sflag:s23] =	ssyncadd.s32 $0xFFFFEC00  }
0x63: {  	[spmem:s3] =	stream.indirect.scatter.add.f32 [tilespmem:s18], [sflag:$0x7], $0x40, s4, s16, $0xb8;
	[tilespmem:$0x1F220] =	vst v63  }
0x64: {  	_ =	swait.ge [sflag:s24], $0x1400  }
0x65: {  	[sflag:s24] =	ssyncset.done $0x0  }
0x66: {  	s4 =	sadd.s32 $0x27B0, s5;
	[sflag:s24] =	ssyncadd.s32 $0xFFFFEC00  }
0x67: {  	[spmem:s3] =	stream.indirect.scatter.add.f32 [tilespmem:s19], [sflag:$0x8], $0x40, s4, s16, $0xb8;
	[tilespmem:$0x1F220] =	vst v63  }
0x68: {  	_ =	swait.ge [sflag:s25], $0x1400  }
0x69: {  	[sflag:s25] =	ssyncset.done $0x0  }
0x6a: {  	s4 =	sadd.s32 $0x2800, s5;
	[sflag:s25] =	ssyncadd.s32 $0xFFFFEC00  }
0x6b: {  	[spmem:s3] =	stream.indirect.scatter.add.f32 [tilespmem:s20], [sflag:$0x9], $0x40, s4, s16, $0xb8;
	[tilespmem:$0x1F220] =	vst v63  }
0x6c: {  	_ =	swait.ge [sflag:s26], $0x1400  }
0x6d: {  	[sflag:s26] =	ssyncset.done $0x0  }
0x6e: {  	s4 =	sadd.s32 $0x2850, s5;
	[sflag:s26] =	ssyncadd.s32 $0xFFFFEC00  }
0x6f: {  	[spmem:s3] =	stream.indirect.scatter.add.f32 [tilespmem:s21], [sflag:$0xA], $0x40, s4, s16, $0xb8;
	[tilespmem:$0x1F220] =	vst v63  }
0x70: {  	_ =	swait.ge [sflag:s28], $0x1400  }
0x71: {  	[sflag:s28] =	ssyncset.done $0x0  }
0x72: {  	[sflag:s28] =	ssyncadd.s32 $0xFFFFEC00  }
0x73: {  	_ =	swait.ge [sflag:s29], $0x1400  }
0x74: {  	[sflag:s29] =	ssyncset.done $0x0  }
0x75: {  	[sflag:s29] =	ssyncadd.s32 $0xFFFFEC00  }
0x76: {  	_ =	swait.ge [sflag:s30], $0x1400  }
0x77: {  	[sflag:s30] =	ssyncset.done $0x0  }
0x78: {  	[sflag:s30] =	ssyncadd.s32 $0xFFFFEC00  }
.Ltmp0:
0x79: {  	_ =	swait.ge [sflag:s31], $0x1400;
	(pc) =	sbr.rel @p0 .LBB2_2-.Ltmp0, $4  }
0x7a: {  	[sflag:s31] =	ssyncset.done $0x0  }
0x7b: {  	[sflag:s31] =	ssyncadd.s32 $0xFFFFEC00  }
0x7c: {  	_ =	swait.ge [sflag:s1], $0x1400  }
0x7d: {  	s4 =	smov.u32 s6;
	[sflag:s1] =	ssyncset.done $0x0  }
0x7e: {  	s4 =	sshra.s32 s12, $0x2;
	[sflag:s1] =	ssyncadd.s32 $0xFFFFEC00  }
0x7f: {  	[tilespmem:s17], [sflag:$0x1] =	stream.indirect.gather [spmem:s2], $0x40, s4, s16, $0xb8;
	[tilespmem:$0x1F220] =	vst v63  }
0x80: {  	s5 =	sadd.s32 $0x50, s4  }
0x81: {  	[tilespmem:s18], [sflag:$0x2] =	stream.indirect.gather [spmem:s2], $0x40, s5, s16, $0xb8;
	[tilespmem:$0x1F220] =	vst v63  }
0x82: {  	s12 =	sadd.s32 $0xA0, s4  }
0x83: {  	[tilespmem:s19], [sflag:$0x3] =	stream.indirect.gather [spmem:s2], $0x40, s12, s16, $0xb8;
	[tilespmem:$0x1F220] =	vst v63  }
0x84: {  	s6 =	sadd.s32 $0xF0, s4  }
0x85: {  	[tilespmem:s20], [sflag:$0x4] =	stream.indirect.gather [spmem:s2], $0x40, s6, s16, $0xb8;
	[tilespmem:$0x1F220] =	vst v63  }
0x86: {  	s12 =	sadd.s32 $0x140, s4  }
0x87: {  	[tilespmem:s21], [sflag:$0x5] =	stream.indirect.gather [spmem:s2], $0x40, s12, s16, $0xb8;
	[tilespmem:$0x1F220] =	vst v63  }
0x88: {  	_ =	swait.ge [sflag:s22], $0x1400  }
0x89: {  	[sflag:s22] =	ssyncset.done $0x0  }
0x8a: {  	s6 =	sadd.s32 $0x2710, s4;
	[sflag:s22] =	ssyncadd.s32 $0xFFFFEC00  }
0x8b: {  	[spmem:s3] =	stream.indirect.scatter.add.f32 [tilespmem:s17], [sflag:$0x6], $0x40, s6, s16, $0xb8;
	[tilespmem:$0x1F220] =	vst v63  }
0x8c: {  	_ =	swait.ge [sflag:s23], $0x1400  }
0x8d: {  	[sflag:s23] =	ssyncset.done $0x0  }
0x8e: {  	s12 =	sadd.s32 $0x2760, s4;
	[sflag:s23] =	ssyncadd.s32 $0xFFFFEC00  }
0x8f: {  	[spmem:s3] =	stream.indirect.scatter.add.f32 [tilespmem:s18], [sflag:$0x7], $0x40, s12, s16, $0xb8;
	[tilespmem:$0x1F220] =	vst v63  }
0x90: {  	_ =	swait.ge [sflag:s24], $0x1400  }
0x91: {  	[sflag:s24] =	ssyncset.done $0x0  }
0x92: {  	s6 =	sadd.s32 $0x27B0, s4;
	[sflag:s24] =	ssyncadd.s32 $0xFFFFEC00  }
0x93: {  	[spmem:s3] =	stream.indirect.scatter.add.f32 [tilespmem:s19], [sflag:$0x8], $0x40, s6, s16, $0xb8;
	[tilespmem:$0x1F220] =	vst v63  }
0x94: {  	_ =	swait.ge [sflag:s25], $0x1400  }
0x95: {  	[sflag:s25] =	ssyncset.done $0x0  }
0x96: {  	s12 =	sadd.s32 $0x2800, s4;
	[sflag:s25] =	ssyncadd.s32 $0xFFFFEC00  }
0x97: {  	[spmem:s3] =	stream.indirect.scatter.add.f32 [tilespmem:s20], [sflag:$0x9], $0x40, s12, s16, $0xb8;
	[tilespmem:$0x1F220] =	vst v63  }
0x98: {  	_ =	swait.ge [sflag:s26], $0x1400  }
0x99: {  	[sflag:s26] =	ssyncset.done $0x0  }
0x9a: {  	s4 =	sadd.s32 $0x2850, s4;
	[sflag:s26] =	ssyncadd.s32 $0xFFFFEC00  }
0x9b: {  	[spmem:s3] =	stream.indirect.scatter.add.f32 [tilespmem:s21], [sflag:$0xA], $0x40, s4, s16, $0xb8;
	[tilespmem:$0x1F220] =	vst v63  }
0x9c: {  	_ =	swait.ge [sflag:s28], $0x1400  }
0x9d: {  	[sflag:s28] =	ssyncset.done $0x0  }
0x9e: {  	[sflag:s28] =	ssyncadd.s32 $0xFFFFEC00  }
0x9f: {  	_ =	swait.ge [sflag:s29], $0x1400  }
0xa0: {  	[sflag:s29] =	ssyncset.done $0x0  }
0xa1: {  	[sflag:s29] =	ssyncadd.s32 $0xFFFFEC00  }
0xa2: {  	_ =	swait.ge [sflag:s30], $0x1400  }
0xa3: {  	[sflag:s30] =	ssyncset.done $0x0  }
0xa4: {  	[sflag:s30] =	ssyncadd.s32 $0xFFFFEC00  }
0xa5: {  	_ =	swait.ge [sflag:s31], $0x1400  }
0xa6: {  	[sflag:s31] =	ssyncset.done $0x0  }
0xa7: {  	[sflag:s31] =	ssyncadd.s32 $0xFFFFEC00  }
0xa8: {  	_ =	swait.ge [sflag:s1], $0x1400  }
0xa9: {  	s0 =	sadd.s32 $0x1, s0;
	[sflag:s1] =	ssyncset.done $0x0  }
0xaa: {  	p0 =	sne.s32 s0, s10;
	[sflag:s1] =	ssyncadd.s32 $0xFFFFEC00  }
.Ltmp1:
0xab: {  	[bflag:$0x0] =	sbarrier.arrive $0xFFFF;
	(pc) =	sbr.rel @p0 .LBB2_1-.Ltmp1, $4  }
0xac: {  	[hbm:s9], [sflag:s13] =	dma.local [spmem:s15], $0x1400  }
0xad: {  	_ =	swait.ge [sflag:s11], $0x1400  }
0xae: {  	[sflag:s11] =	ssyncset.done $0x0  }
0xaf: {  	[sflag:s11] =	ssyncadd.s32 $0xFFFFEC00  }
0xb0: {  	_ =	sfence.sel $0x180000  }
0xb1: {  	[bflag:$0x0] =	sbarrier.arrive $0xFFFF  }
0xb2: {  	_ =	strace $0x90000050  }
0xb3: {  	s0 =	stileid.u32;
	[bflag:$0x2] =	sbarrier.arrive $0xFFFF  }
0xb4: {  	p0 =	sne.s32 s0, $0x0;
	s0 =	rddreg [dreg:$0x3]  }
0xb5: {  	s0 =	sadd.s32 @!p0 $0x100000, s0  }
0xb6: {  	[sflag:s0] =	ssyncadd.tile.s32 @!p0 $0x1;
	_ =	shalt  }
.Lfunc_end2:
_tile_overlayer_lowered:
.L_overlay_start_2:
0xb7: {  	(tag) =	ssettag $0x2  }
0xb8: {  	s0 =	rddreg [dreg:$0x0];
	s2 =	stileid.u32  }
0xb9: {  	s1 =	rddreg [dreg:$0x1];
	p0 =	sne.s32 s2, $0x0  }
0xba: {  	s3 =	rddreg [dreg:$0x2];
	[bflag:$0x3] =	sbarrier.arrive $0xFFFF;
	s2 =	simm.s32 @!p0 $0x1C0B  }
0xbb: {  	[timem:s3], [sflag:s2] =	dma.local @!p0 [hbm:s0], s1  }
0xbc: {  	s0 =	simm.s32 @!p0 $0xB  }
0xbd: {  	_ =	swait.ge @!p0 [sflag:s0], s1  }
0xbe: {  	s1 =	ssub.s32 @!p0 $0x0, s1;
	[sflag:s0] =	ssyncset.done @!p0 $0x0  }
0xbf: {  	[sflag:s0] =	ssyncadd.s32 @!p0 s1  }
0xc0: {  	[bflag:$0x3] =	sbarrier.arrive $0xFFFF  }
0xc1: {  	_ =	shalt  }

</sc_bundles>
